<compile_context>
chip_gen: v7x
topology: tpu7x:2x2x1
jax: 0.10.2.dev20260603
libtpu: 0.0.44.dev20260713+nightly
codegen_flags: <defaults>
</compile_context>

<pallas_src>
import functools

import numpy as np
import jax
import jax.numpy as jnp
from jax import lax
from jax.experimental import pallas as pl
from jax.experimental.pallas import tpu as pltpu
from jax.experimental.pallas import tpu_sc as plsc

_FREQ_EDGES = np.array([0.001, 0.0016156, 0.0026102, 0.004217, 0.0068129, 0.011007, 0.017783, 0.028729, 0.046416, 0.074989, 0.121153, 0.195734, 0.316228, 0.510897, 0.825404, 1.333521, 2.154435, 3.480962, 5.623413, 9.085176, 14.67799, 23.71374, 38.31187, 61.89658, 100.0], dtype=np.float32)
_DM_EDGES = np.array([0.0, 0.01, 0.013503, 0.018233, 0.024621, 0.033246, 0.044893, 0.060621, 0.081859, 0.110538, 0.149264, 0.20156, 0.272172, 0.367524, 0.496288, 0.670158, 0.904935, 1.221964, 1.650059, 2.228145, 3.008756, 4.062862, 5.486268, 7.408355, 10.0], dtype=np.float32)
_DT_EDGES = np.sort(1.0 / _FREQ_EDGES)

_DT_TAB = np.full((128,), np.inf, np.float32)
_DT_TAB[0] = -np.inf
_DT_TAB[1:10] = _DT_EDGES[1:10]
_DM_TAB = np.full((128,), np.inf, np.float32)
_DM_TAB[0] = -np.inf
_DM_TAB[1:24] = _DM_EDGES[1:24]


def _build_lut(real_edges, scale, n):
    q = np.arange(n, dtype=np.int64)
    v = (q << 19).astype(np.uint32).view(np.float32)
    k = np.searchsorted(real_edges, v, side='right')
    k[q >= 4096] = 0
    return (k * scale).astype(np.int32)


def _build_ctab(real_edges, kmax, scale, n):
    t = np.full((n,), np.inf, np.float32)
    for k in range(kmax):
        t[k * scale] = real_edges[k]
    return t


_DT_LUT = _build_lut(_DT_EDGES[1:10], 16, 8192)
_DM_LUT = _build_lut(_DM_EDGES[1:24], 256, 4096)
_DT_CTAB = _build_ctab(_DT_EDGES[1:10], 9, 16, 256)
_DM_CTAB = _build_ctab(_DM_EDGES[1:24], 23, 256, 8192)

_B = 256
_S = 512
_NC = 2
_NS = 16
_NW = _NC * _NS
_BPW = _B // _NW
_IRW = 8
_NDT_SLOTS = 16
_XDIM = 24 * _NDT_SLOTS


def _sc_binner(lc):
    mesh = plsc.VectorSubcoreMesh(core_axis_name="c", subcore_axis_name="s")

    @functools.partial(
        pl.kernel,
        out_type=jax.ShapeDtypeStruct((_B, _XDIM), jnp.float32),
        mesh=mesh,
        compiler_params=pltpu.CompilerParams(needs_layout_passes=False),
        scratch_types=[
            pltpu.VMEM((_S,), jnp.float32),
            pltpu.VMEM((_S,), jnp.float32),
            pltpu.VMEM((_XDIM * 16,), jnp.float32),
            pltpu.VMEM((_XDIM,), jnp.float32),
            pltpu.VMEM((128,), jnp.float32),
            pltpu.VMEM((256,), jnp.float32),
            pltpu.VMEM((8192,), jnp.float32),
            pltpu.VMEM((8192,), jnp.int32),
            pltpu.VMEM((4096,), jnp.int32),
        ],
    )
    def binner(lc_hbm, dtctab_hbm, dmctab_hbm, dtlut_hbm, dmlut_hbm, out_hbm,
               t_buf, m_buf, hist, obuf, tmp, dtctab, dmctab, dtlut, dmlut):
        wid = lax.axis_index("s") * _NC + lax.axis_index("c")
        lane = lax.iota(jnp.int32, 16)
        lane16 = lane * 16
        zeros = jnp.zeros((16,), jnp.float32)
        ones = jnp.ones((16,), jnp.float32)

        def lanesum(vec):
            acc = vec
            for kk in (8, 4, 2, 1):
                tmp[pl.ds(0, 16)] = acc
                acc = acc + plsc.load_gather(tmp, [lane ^ kk])
            return acc

        pltpu.sync_copy(dtctab_hbm, dtctab)
        pltpu.sync_copy(dmctab_hbm, dmctab)
        pltpu.sync_copy(dtlut_hbm, dtlut)
        pltpu.sync_copy(dmlut_hbm, dmlut)

        def bucketize(dt, dm):
            dtq = lax.shift_right_logical(
                lax.bitcast_convert_type(dt, jnp.int32), 19)
            dtv = plsc.load_gather(dtlut, [dtq])
            dtv = dtv + jnp.where(dt >= plsc.load_gather(dtctab, [dtv]), 16, 0)
            dmq = lax.shift_right_logical(
                lax.bitcast_convert_type(dm, jnp.int32), 19)
            dmv = plsc.load_gather(dmlut, [dmq])
            dmv = dmv + jnp.where(dm >= plsc.load_gather(dmctab, [dmv]), 256, 0)
            return dmv + dtv + lane

        def batch_body(k, _):
            b = wid * _BPW + k
            pltpu.sync_copy(lc_hbm.at[b, 0], t_buf)
            pltpu.sync_copy(lc_hbm.at[b, 1], m_buf)

            def zbody(r, _c):
                hist[pl.ds(r * 16, 16)] = zeros
                return 0
            lax.fori_loop(0, _XDIM, zbody, 0)

            def sbody(c, carry):
                s1, s2 = carry
                v = m_buf[pl.ds(c * 16, 16)]
                return (s1 + v, s2 + v * v)
            s1, s2 = lax.fori_loop(0, _S // 16, sbody, (zeros, zeros))
            mean_v = lanesum(s1) * (1.0 / _S)
            vv = lanesum(s2) * (1.0 / _S) - mean_v * mean_v
            yi = jnp.int32(0x5F3759DF) - (lax.bitcast_convert_type(vv, jnp.int32) >> 1)
            y = lax.bitcast_convert_type(yi, jnp.float32)
            for _it in range(4):
                y = y * (1.5 - 0.5 * vv * y * y)

            def nbody(c, _c):
                m_buf[pl.ds(c * 16, 16)] = (m_buf[pl.ds(c * 16, 16)] - mean_v) * y
                return 0
            lax.fori_loop(0, _S // 16, nbody, 0)

            def ibody(i4, _c):
                i = i4 * _IRW
                iv = jnp.full((16,), i, jnp.int32)
                tis = [plsc.load_gather(t_buf, [iv + r]) for r in range(_IRW)]
                mis = [plsc.load_gather(m_buf, [iv + r]) for r in range(_IRW)]
                cs = jnp.maximum((i + _IRW + 15) // 16, 2)
                for cm in (cs - 2, cs - 1):
                    j0 = cm * 16
                    tj = t_buf[pl.ds(j0, 16)]
                    mj = m_buf[pl.ds(j0, 16)]
                    jl = j0 + lane
                    for r in range(_IRW):
                        plsc.addupdate_scatter(
                            hist,
                            [bucketize(tj - tis[r], jnp.abs(mj - mis[r]))],
                            ones, mask=jl > i + r)

                @plsc.parallel_loop(cs, _S // 16, unroll=1)
                def cbody(c):
                    jj = c * 16
                    tjc = t_buf[pl.ds(jj, 16)]
                    mjc = m_buf[pl.ds(jj, 16)]
                    for r in range(_IRW):
                        plsc.addupdate_scatter(
                            hist,
                            [bucketize(tjc - tis[r], jnp.abs(mjc - mis[r]))],
                            ones)
                return 0
            lax.fori_loop(0, _S // _IRW, ibody, 0)

            def rbody(r, csum):
                base = r * 256
                acc = zeros
                for l in range(16):
                    acc = acc + plsc.load_gather(hist, [base + lane16 + l])
                obuf[pl.ds(r * 16, 16)] = acc
                return csum + acc
            colsum = lax.fori_loop(0, 24, rbody, zeros)
            valid = colsum > 0.0
            inv = jnp.where(valid, 1.0 / jnp.where(valid, colsum, 1.0), 0.0)

            def wbody(r, _c):
                obuf[pl.ds(r * 16, 16)] = obuf[pl.ds(r * 16, 16)] * inv
                return 0
            lax.fori_loop(0, 24, wbody, 0)
            pltpu.sync_copy(obuf, out_hbm.at[b])
            return 0
        lax.fori_loop(0, _BPW, batch_body, 0)

    return binner(lc, jnp.asarray(_DT_CTAB), jnp.asarray(_DM_CTAB),
                  jnp.asarray(_DT_LUT), jnp.asarray(_DM_LUT))


def _gelu_exact(x):
    return 0.5 * x * (1.0 + lax.erf(x * np.float32(0.7071067811865476)))


def _encoder_body(x_ref, w1_ref, b1_ref, w11_ref, b11_ref, w12_ref, b12_ref,
                  w21_ref, b21_ref, w22_ref, b22_ref, wo_ref, bo_ref, o_ref):
    dot = functools.partial(jnp.dot, preferred_element_type=jnp.float32,
                            precision=lax.Precision.HIGHEST)
    h = _gelu_exact(dot(x_ref[...], w1_ref[...]) + b1_ref[...])
    h = h + (dot(_gelu_exact(dot(h, w11_ref[...]) + b11_ref[...]), w12_ref[...]) + b12_ref[...])
    h = h + (dot(_gelu_exact(dot(h, w21_ref[...]) + b21_ref[...]), w22_ref[...]) + b22_ref[...])
    o_ref[...] = dot(h, wo_ref[...]) + bo_ref[...]


def _encoder(x, w1x, b1, w11, b11, w12, b12, w21, b21, w22, b22, wo, bo):
    return pl.pallas_call(
        _encoder_body,
        out_shape=jax.ShapeDtypeStruct((_B, 16), jnp.float32),
    )(x, w1x, b1, w11, b11, w12, b12, w21, b21, w22, b22, wo, bo)


def kernel(light_curve, valid_mask, enc_w1, enc_b1, rb1_w1, rb1_b1, rb1_w2, rb1_b2,
           rb2_w1, rb2_b1, rb2_w2, rb2_b2, enc_wo, enc_bo):
    x = _sc_binner(light_curve)
    w1x = enc_w1.reshape(24, 24, 64)[:, :_NDT_SLOTS, :].reshape(_XDIM, 64)
    return _encoder(x, w1x, enc_b1.reshape(1, 64),
                    rb1_w1, rb1_b1.reshape(1, 64), rb1_w2, rb1_b2.reshape(1, 64),
                    rb2_w1, rb2_b1.reshape(1, 64), rb2_w2, rb2_b2.reshape(1, 64),
                    enc_wo, enc_bo.reshape(1, 16))

# --- scband reference (transcript-rebuilt; emitter-appended) ---
"""Pipeline reference for scband-dmdtautoencoder-18794776887601 (READ-ONLY COPY).

The authoritative reference and input builder live on the scoring server;
editing this copy changes nothing except your own understanding.
"""

import jax, jax.numpy as jnp
import numpy as np

FREQ_EDGES = np.array([0.001, 0.0016156, 0.0026102, 0.004217, 0.0068129, 0.011007, 0.017783, 0.028729, 0.046416, 0.074989, 0.121153, 0.195734, 0.316228, 0.510897, 0.825404, 1.333521, 2.154435, 3.480962, 5.623413, 9.085176, 14.67799, 23.71374, 38.31187, 61.89658, 100.0], dtype=np.float32)
DM_EDGES = np.array([0.0, 0.01, 0.013503, 0.018233, 0.024621, 0.033246, 0.044893, 0.060621, 0.081859, 0.110538, 0.149264, 0.20156, 0.272172, 0.367524, 0.496288, 0.670158, 0.904935, 1.221964, 1.650059, 2.228145, 3.008756, 4.062862, 5.486268, 7.408355, 10.0], dtype=np.float32)
DT_EDGES = np.sort(1.0 / FREQ_EDGES)
N_DT = len(DT_EDGES) - 1
N_DM = len(DM_EDGES) - 1
N_INPUT = N_DT * N_DM
N_HIDDEN = 64
N_LATENT = 16
B, S = 256, 512


def setup_inputs(seed: int = 0) -> dict:
    key = jax.random.key(seed)
    ks = jax.random.split(key, 12)
    return {
        'light_curve': jax.random.uniform(ks[0], (B, 3, S), dtype=jnp.float32),
        'valid_mask': jnp.ones((B, S), dtype=jnp.float32),
        'enc_w1': jax.random.normal(ks[1], (N_INPUT, N_HIDDEN), dtype=jnp.float32) * 0.0417,
        'enc_b1': jnp.zeros((N_HIDDEN,), dtype=jnp.float32),
        'rb1_w1': jax.random.normal(ks[2], (N_HIDDEN, N_HIDDEN), dtype=jnp.float32) * 0.125,
        'rb1_b1': jnp.zeros((N_HIDDEN,), dtype=jnp.float32),
        'rb1_w2': jax.random.normal(ks[3], (N_HIDDEN, N_HIDDEN), dtype=jnp.float32) * 0.125,
        'rb1_b2': jnp.zeros((N_HIDDEN,), dtype=jnp.float32),
        'rb2_w1': jax.random.normal(ks[4], (N_HIDDEN, N_HIDDEN), dtype=jnp.float32) * 0.125,
        'rb2_b1': jnp.zeros((N_HIDDEN,), dtype=jnp.float32),
        'rb2_w2': jax.random.normal(ks[5], (N_HIDDEN, N_HIDDEN), dtype=jnp.float32) * 0.125,
        'rb2_b2': jnp.zeros((N_HIDDEN,), dtype=jnp.float32),
        'enc_wo': jax.random.normal(ks[6], (N_HIDDEN, N_LATENT), dtype=jnp.float32) * 0.125,
        'enc_bo': jnp.zeros((N_LATENT,), dtype=jnp.float32),
    }


def _binner(light_curve, valid_mask):
    dt_edges = jnp.asarray(DT_EDGES)
    dm_edges = jnp.asarray(DM_EDGES)
    time = light_curve[:, 0]
    mag = light_curve[:, 1]
    wsum = jnp.sum(valid_mask, axis=1, keepdims=True)
    loc = jnp.sum(mag * valid_mask, axis=1, keepdims=True) / wsum
    var = jnp.sum(valid_mask * (mag - loc) ** 2, axis=1, keepdims=True) / wsum
    scale = jnp.sqrt(var)
    mag = (mag - loc) / scale
    bsz, seq = time.shape
    iu, ju = np.triu_indices(seq, k=1)
    n_tuples = iu.size
    dt = time[:, ju] - time[:, iu]
    dm = jnp.abs(mag[:, ju] - mag[:, iu])
    dw = valid_mask[:, iu] * valid_mask[:, ju]
    dt_idx = jnp.clip(jnp.searchsorted(dt_edges, dt, side='right') - 1, 0, N_DT - 1)
    dm_idx = jnp.clip(jnp.searchsorted(dm_edges, dm, side='right') - 1, 0, N_DM - 1)
    flat = (dt_idx + dm_idx * N_DT).ravel()
    batch_idx = jnp.repeat(jnp.arange(bsz), n_tuples)
    flat_global = flat + batch_idx * N_INPUT
    counts = jnp.zeros((bsz * N_INPUT,), dtype=jnp.float32).at[flat_global].add(dw.ravel())
    dmdt = counts.reshape(bsz, N_DM, N_DT)
    dt_counts = jnp.sum(dmdt, axis=-2, keepdims=True)
    col_valid = dt_counts > 0
    safe = jnp.where(col_valid, dt_counts, 1.0)
    valid = jnp.broadcast_to(col_valid, dmdt.shape)
    dm_given_dt = jnp.where(valid, dmdt / safe, 0.0)
    unc = jnp.where(valid, jnp.broadcast_to(jnp.sqrt(1.0 / safe), dmdt.shape), 0.0)
    out = jnp.concatenate([dm_given_dt[:, None], unc[:, None]], axis=1)
    return out, valid


def _gelu(x):
    return jax.nn.gelu(x, approximate=False)


def _encoder(x, enc_w1, enc_b1, rb1_w1, rb1_b1, rb1_w2, rb1_b2, rb2_w1, rb2_b1, rb2_w2, rb2_b2, enc_wo, enc_bo):
    h = _gelu(x @ enc_w1 + enc_b1)
    h = h + (_gelu(h @ rb1_w1 + rb1_b1) @ rb1_w2 + rb1_b2)
    h = h + (_gelu(h @ rb2_w1 + rb2_b1) @ rb2_w2 + rb2_b2)
    return h @ enc_wo + enc_bo


def reference(light_curve, valid_mask, enc_w1, enc_b1, rb1_w1, rb1_b1, rb1_w2, rb1_b2, rb2_w1, rb2_b1, rb2_w2, rb2_b2, enc_wo, enc_bo):
    dmdt, mask_valid = _binner(light_curve, valid_mask)
    x = dmdt[:, 0].reshape(-1, N_INPUT)
    z = _encoder(x, enc_w1, enc_b1, rb1_w1, rb1_b1, rb1_w2, rb1_b2, rb2_w1, rb2_b1, rb2_w2, rb2_b2, enc_wo, enc_bo)
    return z

if __name__ == "__main__":
    import jax
    _d = setup_inputs()
    print(jax.jit(kernel)(*tuple(_d.values())))

</pallas_src>

<mosaic_0001>
#map = affine_map<(d0, d1) -> (0, 0, 0)>
#map1 = affine_map<(d0, d1) -> (0)>
#map2 = affine_map<(d0, d1) -> (0, 0)>
module attributes {stable_mosaic.version = 14 : i64} {
  func.func @binner(%arg0: i32, %arg1: i32, %arg2: memref<256x3x512xf32, #tpu.memory_space<hbm>>, %arg3: memref<256xf32, #tpu.memory_space<hbm>>, %arg4: memref<8192xf32, #tpu.memory_space<hbm>>, %arg5: memref<8192xi32, #tpu.memory_space<hbm>>, %arg6: memref<4096xi32, #tpu.memory_space<hbm>>, %arg7: memref<256x384xf32, #tpu.memory_space<hbm>>, %arg8: memref<512xf32, #tpu.memory_space<vmem>>, %arg9: memref<512xf32, #tpu.memory_space<vmem>>, %arg10: memref<6144xf32, #tpu.memory_space<vmem>>, %arg11: memref<384xf32, #tpu.memory_space<vmem>>, %arg12: memref<128xf32, #tpu.memory_space<vmem>>, %arg13: memref<256xf32, #tpu.memory_space<vmem>>, %arg14: memref<8192xf32, #tpu.memory_space<vmem>>, %arg15: memref<8192xi32, #tpu.memory_space<vmem>>, %arg16: memref<4096xi32, #tpu.memory_space<vmem>>) attributes {dimension_semantics = [#tpu.dimension_semantics<core_parallel>, #tpu.dimension_semantics<subcore_parallel>], iteration_bounds = array<i64: 2, 16>, scalar_prefetch = 0 : i64, scratch_operands = 9 : i64, tpu.core_type = #tpu.core_type<sc_vector_subcore>, window_params = [{transform_indices = #map}, {transform_indices = #map1}, {transform_indices = #map1}, {transform_indices = #map1}, {transform_indices = #map1}, {transform_indices = #map2}]} {
    %mul3A = arith.constant 2 : i32
    %mul3A_0 = arith.muli %arg1, %mul3A : i32
    %add3A = arith.addi %mul3A_0, %arg0 : i32
    %iota3A = tpu.iota {dimensions = array<i32: 0>} : vector<16xi32>
    %mul3A_1 = arith.constant 16 : i32
    %mul3A_2 = vector.broadcast %mul3A_1 : i32 to vector<16xi32>
    %mul3A_3 = arith.muli %iota3A, %mul3A_2 : vector<16xi32>
    %broadcast_in_dim3A = arith.constant 0.000000e+00 : f32
    %broadcast_in_dim3A_4 = vector.broadcast %broadcast_in_dim3A : f32 to vector<16xf32>
    %broadcast_in_dim3A_5 = arith.constant 1.000000e+00 : f32
    %broadcast_in_dim3A_6 = vector.broadcast %broadcast_in_dim3A_5 : f32 to vector<16xf32>
    "tpu.region"() ({
      %run_scoped3A = tpu.sem_alloc : memref<!tpu.dma_semaphore, #tpu.memory_space<semaphore_mem>>
      tpu.enqueue_dma source(%arg3 : memref<256xf32, #tpu.memory_space<hbm>>) target(%arg13 : memref<256xf32, #tpu.memory_space<vmem>>) target_semaphore(%run_scoped3A : memref<!tpu.dma_semaphore, #tpu.memory_space<semaphore_mem>>)
      tpu.wait_dma2 semaphore(%run_scoped3A : memref<!tpu.dma_semaphore, #tpu.memory_space<semaphore_mem>>) src(%arg3 : memref<256xf32, #tpu.memory_space<hbm>>) dst(%arg13 : memref<256xf32, #tpu.memory_space<vmem>>)
      tpu.yield
    }) : () -> ()
    "tpu.region"() ({
      %run_scoped3A = tpu.sem_alloc : memref<!tpu.dma_semaphore, #tpu.memory_space<semaphore_mem>>
      tpu.enqueue_dma source(%arg4 : memref<8192xf32, #tpu.memory_space<hbm>>) target(%arg14 : memref<8192xf32, #tpu.memory_space<vmem>>) target_semaphore(%run_scoped3A : memref<!tpu.dma_semaphore, #tpu.memory_space<semaphore_mem>>)
      tpu.wait_dma2 semaphore(%run_scoped3A : memref<!tpu.dma_semaphore, #tpu.memory_space<semaphore_mem>>) src(%arg4 : memref<8192xf32, #tpu.memory_space<hbm>>) dst(%arg14 : memref<8192xf32, #tpu.memory_space<vmem>>)
      tpu.yield
    }) : () -> ()
    "tpu.region"() ({
      %run_scoped3A = tpu.sem_alloc : memref<!tpu.dma_semaphore, #tpu.memory_space<semaphore_mem>>
      tpu.enqueue_dma source(%arg5 : memref<8192xi32, #tpu.memory_space<hbm>>) target(%arg15 : memref<8192xi32, #tpu.memory_space<vmem>>) target_semaphore(%run_scoped3A : memref<!tpu.dma_semaphore, #tpu.memory_space<semaphore_mem>>)
      tpu.wait_dma2 semaphore(%run_scoped3A : memref<!tpu.dma_semaphore, #tpu.memory_space<semaphore_mem>>) src(%arg5 : memref<8192xi32, #tpu.memory_space<hbm>>) dst(%arg15 : memref<8192xi32, #tpu.memory_space<vmem>>)
      tpu.yield
    }) : () -> ()
    "tpu.region"() ({
      %run_scoped3A = tpu.sem_alloc : memref<!tpu.dma_semaphore, #tpu.memory_space<semaphore_mem>>
      tpu.enqueue_dma source(%arg6 : memref<4096xi32, #tpu.memory_space<hbm>>) target(%arg16 : memref<4096xi32, #tpu.memory_space<vmem>>) target_semaphore(%run_scoped3A : memref<!tpu.dma_semaphore, #tpu.memory_space<semaphore_mem>>)
      tpu.wait_dma2 semaphore(%run_scoped3A : memref<!tpu.dma_semaphore, #tpu.memory_space<semaphore_mem>>) src(%arg6 : memref<4096xi32, #tpu.memory_space<hbm>>) dst(%arg16 : memref<4096xi32, #tpu.memory_space<vmem>>)
      tpu.yield
    }) : () -> ()
    %scan3A = arith.constant 0 : i32
    %scan3A_7 = arith.constant 0 : i32
    %scan3A_8 = arith.constant 8 : i32
    %scan3A_9 = arith.addi %scan3A_7, %scan3A_8 : i32
    %scan3A_10 = arith.constant 1 : i32
    %scan3A_11 = scf.for %scan3A_13 = %scan3A_7 to %scan3A_9 step %scan3A_10 iter_args(%scan3A_14 = %scan3A) -> (i32)  : i32 {
      %mul3A_15 = arith.constant 8 : i32
      %mul3A_16 = arith.muli %add3A, %mul3A_15 : i32
      %add3A_17 = arith.addi %mul3A_16, %scan3A_13 : i32
      %run_scoped3A = arith.constant 0 : i32
      "tpu.region"() ({
        %run_scoped3A_170 = tpu.sem_alloc : memref<!tpu.dma_semaphore, #tpu.memory_space<semaphore_mem>>
        %dma_start3A = arith.constant 0 : i32
        %dma_start3A_171 = tpu.memref_slice %arg2[%add3A_17, %run_scoped3A, %dma_start3A] : memref<256x3x512xf32, #tpu.memory_space<hbm>> -> memref<1x1x512xf32, #tpu.memory_space<hbm>>
        %dma_start3A_172 = tpu.memref_squeeze %dma_start3A_171 : memref<1x1x512xf32, #tpu.memory_space<hbm>> -> memref<512xf32, #tpu.memory_space<hbm>>
        %dma_start3A_173 = arith.constant 0 : i32
        %dma_start3A_174 = tpu.memref_slice %arg2[%add3A_17, %run_scoped3A, %dma_start3A_173] : memref<256x3x512xf32, #tpu.memory_space<hbm>> -> memref<1x1x512xf32, #tpu.memory_space<hbm>>
        %dma_start3A_175 = tpu.memref_squeeze %dma_start3A_174 : memref<1x1x512xf32, #tpu.memory_space<hbm>> -> memref<512xf32, #tpu.memory_space<hbm>>
        tpu.enqueue_dma source(%dma_start3A_175 : memref<512xf32, #tpu.memory_space<hbm>>) target(%arg8 : memref<512xf32, #tpu.memory_space<vmem>>) target_semaphore(%run_scoped3A_170 : memref<!tpu.dma_semaphore, #tpu.memory_space<semaphore_mem>>)
        %dma_wait3A = arith.constant 0 : i32
        %dma_wait3A_176 = tpu.memref_slice %arg2[%add3A_17, %run_scoped3A, %dma_wait3A] : memref<256x3x512xf32, #tpu.memory_space<hbm>> -> memref<1x1x512xf32, #tpu.memory_space<hbm>>
        %dma_wait3A_177 = tpu.memref_squeeze %dma_wait3A_176 : memref<1x1x512xf32, #tpu.memory_space<hbm>> -> memref<512xf32, #tpu.memory_space<hbm>>
        %dma_wait3A_178 = arith.constant 0 : i32
        %dma_wait3A_179 = tpu.memref_slice %arg2[%add3A_17, %run_scoped3A, %dma_wait3A_178] : memref<256x3x512xf32, #tpu.memory_space<hbm>> -> memref<1x1x512xf32, #tpu.memory_space<hbm>>
        %dma_wait3A_180 = tpu.memref_squeeze %dma_wait3A_179 : memref<1x1x512xf32, #tpu.memory_space<hbm>> -> memref<512xf32, #tpu.memory_space<hbm>>
        tpu.wait_dma2 semaphore(%run_scoped3A_170 : memref<!tpu.dma_semaphore, #tpu.memory_space<semaphore_mem>>) src(%dma_wait3A_180 : memref<512xf32, #tpu.memory_space<hbm>>) dst(%arg8 : memref<512xf32, #tpu.memory_space<vmem>>)
        tpu.yield
      }) : () -> ()
      %run_scoped3A_18 = arith.constant 1 : i32
      "tpu.region"() ({
        %run_scoped3A_170 = tpu.sem_alloc : memref<!tpu.dma_semaphore, #tpu.memory_space<semaphore_mem>>
        %dma_start3A = arith.constant 0 : i32
        %dma_start3A_171 = tpu.memref_slice %arg2[%add3A_17, %run_scoped3A_18, %dma_start3A] : memref<256x3x512xf32, #tpu.memory_space<hbm>> -> memref<1x1x512xf32, #tpu.memory_space<hbm>>
        %dma_start3A_172 = tpu.memref_squeeze %dma_start3A_171 : memref<1x1x512xf32, #tpu.memory_space<hbm>> -> memref<512xf32, #tpu.memory_space<hbm>>
        %dma_start3A_173 = arith.constant 0 : i32
        %dma_start3A_174 = tpu.memref_slice %arg2[%add3A_17, %run_scoped3A_18, %dma_start3A_173] : memref<256x3x512xf32, #tpu.memory_space<hbm>> -> memref<1x1x512xf32, #tpu.memory_space<hbm>>
        %dma_start3A_175 = tpu.memref_squeeze %dma_start3A_174 : memref<1x1x512xf32, #tpu.memory_space<hbm>> -> memref<512xf32, #tpu.memory_space<hbm>>
        tpu.enqueue_dma source(%dma_start3A_175 : memref<512xf32, #tpu.memory_space<hbm>>) target(%arg9 : memref<512xf32, #tpu.memory_space<vmem>>) target_semaphore(%run_scoped3A_170 : memref<!tpu.dma_semaphore, #tpu.memory_space<semaphore_mem>>)
        %dma_wait3A = arith.constant 0 : i32
        %dma_wait3A_176 = tpu.memref_slice %arg2[%add3A_17, %run_scoped3A_18, %dma_wait3A] : memref<256x3x512xf32, #tpu.memory_space<hbm>> -> memref<1x1x512xf32, #tpu.memory_space<hbm>>
        %dma_wait3A_177 = tpu.memref_squeeze %dma_wait3A_176 : memref<1x1x512xf32, #tpu.memory_space<hbm>> -> memref<512xf32, #tpu.memory_space<hbm>>
        %dma_wait3A_178 = arith.constant 0 : i32
        %dma_wait3A_179 = tpu.memref_slice %arg2[%add3A_17, %run_scoped3A_18, %dma_wait3A_178] : memref<256x3x512xf32, #tpu.memory_space<hbm>> -> memref<1x1x512xf32, #tpu.memory_space<hbm>>
        %dma_wait3A_180 = tpu.memref_squeeze %dma_wait3A_179 : memref<1x1x512xf32, #tpu.memory_space<hbm>> -> memref<512xf32, #tpu.memory_space<hbm>>
        tpu.wait_dma2 semaphore(%run_scoped3A_170 : memref<!tpu.dma_semaphore, #tpu.memory_space<semaphore_mem>>) src(%dma_wait3A_180 : memref<512xf32, #tpu.memory_space<hbm>>) dst(%arg9 : memref<512xf32, #tpu.memory_space<vmem>>)
        tpu.yield
      }) : () -> ()
      %scan3A_19 = arith.constant 0 : i32
      %scan3A_20 = arith.constant 0 : i32
      %scan3A_21 = arith.constant 384 : i32
      %scan3A_22 = arith.addi %scan3A_20, %scan3A_21 : i32
      %scan3A_23 = arith.constant 1 : i32
      %scan3A_24 = scf.for %scan3A_170 = %scan3A_20 to %scan3A_22 step %scan3A_23 iter_args(%scan3A_171 = %scan3A_19) -> (i32)  : i32 {
        %mul3A_172 = arith.constant 16 : i32
        %mul3A_173 = arith.muli %scan3A_170, %mul3A_172 : i32
        %swap3A_174 = arith.index_cast %mul3A_173 : i32 to index
        %swap3A_175 = tpu.vector_load %arg10[%swap3A_174] {strides = array<i32>} : memref<6144xf32, #tpu.memory_space<vmem>>, vector<16xf32>,
        tpu.vector_store %arg10[%swap3A_174], %broadcast_in_dim3A_4 {strides = array<i32>} : memref<6144xf32, #tpu.memory_space<vmem>>, vector<16xf32>,
        %scan3A_176 = arith.constant 0 : i32
        scf.yield %scan3A_176 : i32
      }
      %scan3A_25 = arith.constant 384 : i32
      %scan3A_26 = arith.constant 0 : i32
      %scan3A_27 = arith.constant 32 : i32
      %scan3A_28 = arith.addi %scan3A_26, %scan3A_27 : i32
      %scan3A_29 = arith.constant 1 : i32
      %scan3A_30:2 = scf.for %scan3A_170 = %scan3A_26 to %scan3A_28 step %scan3A_29 iter_args(%scan3A_171 = %broadcast_in_dim3A_4, %scan3A_172 = %broadcast_in_dim3A_4) -> (vector<16xf32>, vector<16xf32>)  : i32 {
        %mul3A_173 = arith.constant 16 : i32
        %mul3A_174 = arith.muli %scan3A_170, %mul3A_173 : i32
        %get3A = arith.index_cast %mul3A_174 : i32 to index
        %get3A_175 = tpu.vector_load %arg9[%get3A] {strides = array<i32>} : memref<512xf32, #tpu.memory_space<vmem>>, vector<16xf32>,
        %add3A_176 = arith.addf %scan3A_171, %get3A_175 : vector<16xf32>
        %mul3A_177 = arith.mulf %get3A_175, %get3A_175 : vector<16xf32>
        %add3A_178 = arith.addf %scan3A_172, %mul3A_177 : vector<16xf32>
        scf.yield %add3A_176, %add3A_178 : vector<16xf32>, vector<16xf32>
      }
      %scan3A_31 = arith.constant 32 : i32
      %swap3A = arith.constant 0 : index
      %swap3A_32 = tpu.vector_load %arg12[%swap3A] {strides = array<i32>} : memref<128xf32, #tpu.memory_space<vmem>>, vector<16xf32>,
      tpu.vector_store %arg12[%swap3A], %scan3A_30#0 {strides = array<i32>} : memref<128xf32, #tpu.memory_space<vmem>>, vector<16xf32>,
      %xor3A = arith.constant 8 : i32
      %xor3A_33 = vector.broadcast %xor3A : i32 to vector<16xi32>
      %xor3A_34 = arith.xori %iota3A, %xor3A_33 : vector<16xi32>
      %gather3A = tpu.vector_load_idx %arg12[%xor3A_34] : memref<128xf32, #tpu.memory_space<vmem>>[vector<16xi32>], vector<16xf32>,
      %add3A_35 = arith.addf %scan3A_30#0, %gather3A : vector<16xf32>
      %swap3A_36 = arith.constant 0 : index
      %swap3A_37 = tpu.vector_load %arg12[%swap3A_36] {strides = array<i32>} : memref<128xf32, #tpu.memory_space<vmem>>, vector<16xf32>,
      tpu.vector_store %arg12[%swap3A_36], %add3A_35 {strides = array<i32>} : memref<128xf32, #tpu.memory_space<vmem>>, vector<16xf32>,
      %xor3A_38 = arith.constant 4 : i32
      %xor3A_39 = vector.broadcast %xor3A_38 : i32 to vector<16xi32>
      %xor3A_40 = arith.xori %iota3A, %xor3A_39 : vector<16xi32>
      %gather3A_41 = tpu.vector_load_idx %arg12[%xor3A_40] : memref<128xf32, #tpu.memory_space<vmem>>[vector<16xi32>], vector<16xf32>,
      %add3A_42 = arith.addf %add3A_35, %gather3A_41 : vector<16xf32>
      %swap3A_43 = arith.constant 0 : index
      %swap3A_44 = tpu.vector_load %arg12[%swap3A_43] {strides = array<i32>} : memref<128xf32, #tpu.memory_space<vmem>>, vector<16xf32>,
      tpu.vector_store %arg12[%swap3A_43], %add3A_42 {strides = array<i32>} : memref<128xf32, #tpu.memory_space<vmem>>, vector<16xf32>,
      %xor3A_45 = arith.constant 2 : i32
      %xor3A_46 = vector.broadcast %xor3A_45 : i32 to vector<16xi32>
      %xor3A_47 = arith.xori %iota3A, %xor3A_46 : vector<16xi32>
      %gather3A_48 = tpu.vector_load_idx %arg12[%xor3A_47] : memref<128xf32, #tpu.memory_space<vmem>>[vector<16xi32>], vector<16xf32>,
      %add3A_49 = arith.addf %add3A_42, %gather3A_48 : vector<16xf32>
      %swap3A_50 = arith.constant 0 : index
      %swap3A_51 = tpu.vector_load %arg12[%swap3A_50] {strides = array<i32>} : memref<128xf32, #tpu.memory_space<vmem>>, vector<16xf32>,
      tpu.vector_store %arg12[%swap3A_50], %add3A_49 {strides = array<i32>} : memref<128xf32, #tpu.memory_space<vmem>>, vector<16xf32>,
      %xor3A_52 = arith.constant 1 : i32
      %xor3A_53 = vector.broadcast %xor3A_52 : i32 to vector<16xi32>
      %xor3A_54 = arith.xori %iota3A, %xor3A_53 : vector<16xi32>
      %gather3A_55 = tpu.vector_load_idx %arg12[%xor3A_54] : memref<128xf32, #tpu.memory_space<vmem>>[vector<16xi32>], vector<16xf32>,
      %add3A_56 = arith.addf %add3A_49, %gather3A_55 : vector<16xf32>
      %mul3A_57 = arith.constant 0.001953125 : f32
      %mul3A_58 = vector.broadcast %mul3A_57 : f32 to vector<16xf32>
      %mul3A_59 = arith.mulf %add3A_56, %mul3A_58 : vector<16xf32>
      %swap3A_60 = arith.constant 0 : index
      %swap3A_61 = tpu.vector_load %arg12[%swap3A_60] {strides = array<i32>} : memref<128xf32, #tpu.memory_space<vmem>>, vector<16xf32>,
      tpu.vector_store %arg12[%swap3A_60], %scan3A_30#1 {strides = array<i32>} : memref<128xf32, #tpu.memory_space<vmem>>, vector<16xf32>,
      %xor3A_62 = arith.constant 8 : i32
      %xor3A_63 = vector.broadcast %xor3A_62 : i32 to vector<16xi32>
      %xor3A_64 = arith.xori %iota3A, %xor3A_63 : vector<16xi32>
      %gather3A_65 = tpu.vector_load_idx %arg12[%xor3A_64] : memref<128xf32, #tpu.memory_space<vmem>>[vector<16xi32>], vector<16xf32>,
      %add3A_66 = arith.addf %scan3A_30#1, %gather3A_65 : vector<16xf32>
      %swap3A_67 = arith.constant 0 : index
      %swap3A_68 = tpu.vector_load %arg12[%swap3A_67] {strides = array<i32>} : memref<128xf32, #tpu.memory_space<vmem>>, vector<16xf32>,
      tpu.vector_store %arg12[%swap3A_67], %add3A_66 {strides = array<i32>} : memref<128xf32, #tpu.memory_space<vmem>>, vector<16xf32>,
      %xor3A_69 = arith.constant 4 : i32
      %xor3A_70 = vector.broadcast %xor3A_69 : i32 to vector<16xi32>
      %xor3A_71 = arith.xori %iota3A, %xor3A_70 : vector<16xi32>
      %gather3A_72 = tpu.vector_load_idx %arg12[%xor3A_71] : memref<128xf32, #tpu.memory_space<vmem>>[vector<16xi32>], vector<16xf32>,
      %add3A_73 = arith.addf %add3A_66, %gather3A_72 : vector<16xf32>
      %swap3A_74 = arith.constant 0 : index
      %swap3A_75 = tpu.vector_load %arg12[%swap3A_74] {strides = array<i32>} : memref<128xf32, #tpu.memory_space<vmem>>, vector<16xf32>,
      tpu.vector_store %arg12[%swap3A_74], %add3A_73 {strides = array<i32>} : memref<128xf32, #tpu.memory_space<vmem>>, vector<16xf32>,
      %xor3A_76 = arith.constant 2 : i32
      %xor3A_77 = vector.broadcast %xor3A_76 : i32 to vector<16xi32>
      %xor3A_78 = arith.xori %iota3A, %xor3A_77 : vector<16xi32>
      %gather3A_79 = tpu.vector_load_idx %arg12[%xor3A_78] : memref<128xf32, #tpu.memory_space<vmem>>[vector<16xi32>], vector<16xf32>,
      %add3A_80 = arith.addf %add3A_73, %gather3A_79 : vector<16xf32>
      %swap3A_81 = arith.constant 0 : index
      %swap3A_82 = tpu.vector_load %arg12[%swap3A_81] {strides = array<i32>} : memref<128xf32, #tpu.memory_space<vmem>>, vector<16xf32>,
      tpu.vector_store %arg12[%swap3A_81], %add3A_80 {strides = array<i32>} : memref<128xf32, #tpu.memory_space<vmem>>, vector<16xf32>,
      %xor3A_83 = arith.constant 1 : i32
      %xor3A_84 = vector.broadcast %xor3A_83 : i32 to vector<16xi32>
      %xor3A_85 = arith.xori %iota3A, %xor3A_84 : vector<16xi32>
      %gather3A_86 = tpu.vector_load_idx %arg12[%xor3A_85] : memref<128xf32, #tpu.memory_space<vmem>>[vector<16xi32>], vector<16xf32>,
      %add3A_87 = arith.addf %add3A_80, %gather3A_86 : vector<16xf32>
      %mul3A_88 = arith.constant 0.001953125 : f32
      %mul3A_89 = vector.broadcast %mul3A_88 : f32 to vector<16xf32>
      %mul3A_90 = arith.mulf %add3A_87, %mul3A_89 : vector<16xf32>
      %mul3A_91 = arith.mulf %mul3A_59, %mul3A_59 : vector<16xf32>
      %sub3A = arith.subf %mul3A_90, %mul3A_91 : vector<16xf32>
      %bitcast_convert_type3A = tpu.bitcast %sub3A : vector<16xf32> -> vector<16xi32>
      %shift_right_arithmetic3A = arith.constant 1 : i32
      %shift_right_arithmetic3A_92 = vector.broadcast %shift_right_arithmetic3A : i32 to vector<16xi32>
      %shift_right_arithmetic3A_93 = arith.shrsi %bitcast_convert_type3A, %shift_right_arithmetic3A_92 : vector<16xi32>
      %sub3A_94 = arith.constant 1597463007 : i32
      %sub3A_95 = vector.broadcast %sub3A_94 : i32 to vector<16xi32>
      %sub3A_96 = arith.subi %sub3A_95, %shift_right_arithmetic3A_93 : vector<16xi32>
      %bitcast_convert_type3A_97 = tpu.bitcast %sub3A_96 : vector<16xi32> -> vector<16xf32>
      %mul3A_98 = arith.constant 5.000000e-01 : f32
      %mul3A_99 = vector.broadcast %mul3A_98 : f32 to vector<16xf32>
      %mul3A_100 = arith.mulf %mul3A_99, %sub3A : vector<16xf32>
      %mul3A_101 = arith.mulf %mul3A_100, %bitcast_convert_type3A_97 : vector<16xf32>
      %mul3A_102 = arith.mulf %mul3A_101, %bitcast_convert_type3A_97 : vector<16xf32>
      %sub3A_103 = arith.constant 1.500000e+00 : f32
      %sub3A_104 = vector.broadcast %sub3A_103 : f32 to vector<16xf32>
      %sub3A_105 = arith.subf %sub3A_104, %mul3A_102 : vector<16xf32>
      %mul3A_106 = arith.mulf %bitcast_convert_type3A_97, %sub3A_105 : vector<16xf32>
      %mul3A_107 = arith.constant 5.000000e-01 : f32
      %mul3A_108 = vector.broadcast %mul3A_107 : f32 to vector<16xf32>
      %mul3A_109 = arith.mulf %mul3A_108, %sub3A : vector<16xf32>
      %mul3A_110 = arith.mulf %mul3A_109, %mul3A_106 : vector<16xf32>
      %mul3A_111 = arith.mulf %mul3A_110, %mul3A_106 : vector<16xf32>
      %sub3A_112 = arith.constant 1.500000e+00 : f32
      %sub3A_113 = vector.broadcast %sub3A_112 : f32 to vector<16xf32>
      %sub3A_114 = arith.subf %sub3A_113, %mul3A_111 : vector<16xf32>
      %mul3A_115 = arith.mulf %mul3A_106, %sub3A_114 : vector<16xf32>
      %mul3A_116 = arith.constant 5.000000e-01 : f32
      %mul3A_117 = vector.broadcast %mul3A_116 : f32 to vector<16xf32>
      %mul3A_118 = arith.mulf %mul3A_117, %sub3A : vector<16xf32>
      %mul3A_119 = arith.mulf %mul3A_118, %mul3A_115 : vector<16xf32>
      %mul3A_120 = arith.mulf %mul3A_119, %mul3A_115 : vector<16xf32>
      %sub3A_121 = arith.constant 1.500000e+00 : f32
      %sub3A_122 = vector.broadcast %sub3A_121 : f32 to vector<16xf32>
      %sub3A_123 = arith.subf %sub3A_122, %mul3A_120 : vector<16xf32>
      %mul3A_124 = arith.mulf %mul3A_115, %sub3A_123 : vector<16xf32>
      %mul3A_125 = arith.constant 5.000000e-01 : f32
      %mul3A_126 = vector.broadcast %mul3A_125 : f32 to vector<16xf32>
      %mul3A_127 = arith.mulf %mul3A_126, %sub3A : vector<16xf32>
      %mul3A_128 = arith.mulf %mul3A_127, %mul3A_124 : vector<16xf32>
      %mul3A_129 = arith.mulf %mul3A_128, %mul3A_124 : vector<16xf32>
      %sub3A_130 = arith.constant 1.500000e+00 : f32
      %sub3A_131 = vector.broadcast %sub3A_130 : f32 to vector<16xf32>
      %sub3A_132 = arith.subf %sub3A_131, %mul3A_129 : vector<16xf32>
      %mul3A_133 = arith.mulf %mul3A_124, %sub3A_132 : vector<16xf32>
      %scan3A_134 = arith.constant 0 : i32
      %scan3A_135 = arith.constant 0 : i32
      %scan3A_136 = arith.constant 32 : i32
      %scan3A_137 = arith.addi %scan3A_135, %scan3A_136 : i32
      %scan3A_138 = arith.constant 1 : i32
      %scan3A_139 = scf.for %scan3A_170 = %scan3A_135 to %scan3A_137 step %scan3A_138 iter_args(%scan3A_171 = %scan3A_134) -> (i32)  : i32 {
        %mul3A_172 = arith.constant 16 : i32
        %mul3A_173 = arith.muli %scan3A_170, %mul3A_172 : i32
        %get3A = arith.index_cast %mul3A_173 : i32 to index
        %get3A_174 = tpu.vector_load %arg9[%get3A] {strides = array<i32>} : memref<512xf32, #tpu.memory_space<vmem>>, vector<16xf32>,
        %sub3A_175 = arith.subf %get3A_174, %mul3A_59 : vector<16xf32>
        %mul3A_176 = arith.mulf %sub3A_175, %mul3A_133 : vector<16xf32>
        %mul3A_177 = arith.constant 16 : i32
        %mul3A_178 = arith.muli %scan3A_170, %mul3A_177 : i32
        %swap3A_179 = arith.index_cast %mul3A_178 : i32 to index
        %swap3A_180 = tpu.vector_load %arg9[%swap3A_179] {strides = array<i32>} : memref<512xf32, #tpu.memory_space<vmem>>, vector<16xf32>,
        tpu.vector_store %arg9[%swap3A_179], %mul3A_176 {strides = array<i32>} : memref<512xf32, #tpu.memory_space<vmem>>, vector<16xf32>,
        %scan3A_181 = arith.constant 0 : i32
        scf.yield %scan3A_181 : i32
      }
      %scan3A_140 = arith.constant 32 : i32
      %scan3A_141 = arith.constant 0 : i32
      %scan3A_142 = arith.constant 0 : i32
      %scan3A_143 = arith.constant 64 : i32
      %scan3A_144 = arith.addi %scan3A_142, %scan3A_143 : i32
      %scan3A_145 = arith.constant 1 : i32
      %scan3A_146 = scf.for %scan3A_170 = %scan3A_142 to %scan3A_144 step %scan3A_145 iter_args(%scan3A_171 = %scan3A_141) -> (i32)  : i32 {
        %mul3A_172 = arith.constant 8 : i32
        %mul3A_173 = arith.muli %scan3A_170, %mul3A_172 : i32
        %broadcast_in_dim3A_174 = vector.broadcast %mul3A_173 : i32 to vector<16xi32>
        %add3A_175 = arith.constant 0 : i32
        %add3A_176 = vector.broadcast %add3A_175 : i32 to vector<16xi32>
        %add3A_177 = arith.addi %broadcast_in_dim3A_174, %add3A_176 : vector<16xi32>
        %gather3A_178 = tpu.vector_load_idx %arg8[%add3A_177] : memref<512xf32, #tpu.memory_space<vmem>>[vector<16xi32>], vector<16xf32>,
        %add3A_179 = arith.constant 1 : i32
        %add3A_180 = vector.broadcast %add3A_179 : i32 to vector<16xi32>
        %add3A_181 = arith.addi %broadcast_in_dim3A_174, %add3A_180 : vector<16xi32>
        %gather3A_182 = tpu.vector_load_idx %arg8[%add3A_181] : memref<512xf32, #tpu.memory_space<vmem>>[vector<16xi32>], vector<16xf32>,
        %add3A_183 = arith.constant 2 : i32
        %add3A_184 = vector.broadcast %add3A_183 : i32 to vector<16xi32>
        %add3A_185 = arith.addi %broadcast_in_dim3A_174, %add3A_184 : vector<16xi32>
        %gather3A_186 = tpu.vector_load_idx %arg8[%add3A_185] : memref<512xf32, #tpu.memory_space<vmem>>[vector<16xi32>], vector<16xf32>,
        %add3A_187 = arith.constant 3 : i32
        %add3A_188 = vector.broadcast %add3A_187 : i32 to vector<16xi32>
        %add3A_189 = arith.addi %broadcast_in_dim3A_174, %add3A_188 : vector<16xi32>
        %gather3A_190 = tpu.vector_load_idx %arg8[%add3A_189] : memref<512xf32, #tpu.memory_space<vmem>>[vector<16xi32>], vector<16xf32>,
        %add3A_191 = arith.constant 4 : i32
        %add3A_192 = vector.broadcast %add3A_191 : i32 to vector<16xi32>
        %add3A_193 = arith.addi %broadcast_in_dim3A_174, %add3A_192 : vector<16xi32>
        %gather3A_194 = tpu.vector_load_idx %arg8[%add3A_193] : memref<512xf32, #tpu.memory_space<vmem>>[vector<16xi32>], vector<16xf32>,
        %add3A_195 = arith.constant 5 : i32
        %add3A_196 = vector.broadcast %add3A_195 : i32 to vector<16xi32>
        %add3A_197 = arith.addi %broadcast_in_dim3A_174, %add3A_196 : vector<16xi32>
        %gather3A_198 = tpu.vector_load_idx %arg8[%add3A_197] : memref<512xf32, #tpu.memory_space<vmem>>[vector<16xi32>], vector<16xf32>,
        %add3A_199 = arith.constant 6 : i32
        %add3A_200 = vector.broadcast %add3A_199 : i32 to vector<16xi32>
        %add3A_201 = arith.addi %broadcast_in_dim3A_174, %add3A_200 : vector<16xi32>
        %gather3A_202 = tpu.vector_load_idx %arg8[%add3A_201] : memref<512xf32, #tpu.memory_space<vmem>>[vector<16xi32>], vector<16xf32>,
        %add3A_203 = arith.constant 7 : i32
        %add3A_204 = vector.broadcast %add3A_203 : i32 to vector<16xi32>
        %add3A_205 = arith.addi %broadcast_in_dim3A_174, %add3A_204 : vector<16xi32>
        %gather3A_206 = tpu.vector_load_idx %arg8[%add3A_205] : memref<512xf32, #tpu.memory_space<vmem>>[vector<16xi32>], vector<16xf32>,
        %add3A_207 = arith.constant 0 : i32
        %add3A_208 = vector.broadcast %add3A_207 : i32 to vector<16xi32>
        %add3A_209 = arith.addi %broadcast_in_dim3A_174, %add3A_208 : vector<16xi32>
        %gather3A_210 = tpu.vector_load_idx %arg9[%add3A_209] : memref<512xf32, #tpu.memory_space<vmem>>[vector<16xi32>], vector<16xf32>,
        %add3A_211 = arith.constant 1 : i32
        %add3A_212 = vector.broadcast %add3A_211 : i32 to vector<16xi32>
        %add3A_213 = arith.addi %broadcast_in_dim3A_174, %add3A_212 : vector<16xi32>
        %gather3A_214 = tpu.vector_load_idx %arg9[%add3A_213] : memref<512xf32, #tpu.memory_space<vmem>>[vector<16xi32>], vector<16xf32>,
        %add3A_215 = arith.constant 2 : i32
        %add3A_216 = vector.broadcast %add3A_215 : i32 to vector<16xi32>
        %add3A_217 = arith.addi %broadcast_in_dim3A_174, %add3A_216 : vector<16xi32>
        %gather3A_218 = tpu.vector_load_idx %arg9[%add3A_217] : memref<512xf32, #tpu.memory_space<vmem>>[vector<16xi32>], vector<16xf32>,
        %add3A_219 = arith.constant 3 : i32
        %add3A_220 = vector.broadcast %add3A_219 : i32 to vector<16xi32>
        %add3A_221 = arith.addi %broadcast_in_dim3A_174, %add3A_220 : vector<16xi32>
        %gather3A_222 = tpu.vector_load_idx %arg9[%add3A_221] : memref<512xf32, #tpu.memory_space<vmem>>[vector<16xi32>], vector<16xf32>,
        %add3A_223 = arith.constant 4 : i32
        %add3A_224 = vector.broadcast %add3A_223 : i32 to vector<16xi32>
        %add3A_225 = arith.addi %broadcast_in_dim3A_174, %add3A_224 : vector<16xi32>
        %gather3A_226 = tpu.vector_load_idx %arg9[%add3A_225] : memref<512xf32, #tpu.memory_space<vmem>>[vector<16xi32>], vector<16xf32>,
        %add3A_227 = arith.constant 5 : i32
        %add3A_228 = vector.broadcast %add3A_227 : i32 to vector<16xi32>
        %add3A_229 = arith.addi %broadcast_in_dim3A_174, %add3A_228 : vector<16xi32>
        %gather3A_230 = tpu.vector_load_idx %arg9[%add3A_229] : memref<512xf32, #tpu.memory_space<vmem>>[vector<16xi32>], vector<16xf32>,
        %add3A_231 = arith.constant 6 : i32
        %add3A_232 = vector.broadcast %add3A_231 : i32 to vector<16xi32>
        %add3A_233 = arith.addi %broadcast_in_dim3A_174, %add3A_232 : vector<16xi32>
        %gather3A_234 = tpu.vector_load_idx %arg9[%add3A_233] : memref<512xf32, #tpu.memory_space<vmem>>[vector<16xi32>], vector<16xf32>,
        %add3A_235 = arith.constant 7 : i32
        %add3A_236 = vector.broadcast %add3A_235 : i32 to vector<16xi32>
        %add3A_237 = arith.addi %broadcast_in_dim3A_174, %add3A_236 : vector<16xi32>
        %gather3A_238 = tpu.vector_load_idx %arg9[%add3A_237] : memref<512xf32, #tpu.memory_space<vmem>>[vector<16xi32>], vector<16xf32>,
        %add3A_239 = arith.constant 8 : i32
        %add3A_240 = arith.addi %mul3A_173, %add3A_239 : i32
        %add3A_241 = arith.constant 15 : i32
        %add3A_242 = arith.addi %add3A_240, %add3A_241 : i32
        %jit3A_243 = arith.constant 16 : i32
        %div3A_244 = arith.divsi %add3A_242, %jit3A_243 : i32
        %sign3A = arith.constant 0 : i32
        %sign3A_245 = arith.cmpi sgt, %add3A_242, %sign3A : i32
        %sign3A_246 = arith.extui %sign3A_245 : i1 to i32
        %sign3A_247 = arith.constant 0 : i32
        %sign3A_248 = arith.cmpi slt, %add3A_242, %sign3A_247 : i32
        %sign3A_249 = arith.extui %sign3A_248 : i1 to i32
        %sign3A_250 = arith.subi %sign3A_246, %sign3A_249 : i32
        %sign3A_251 = arith.constant 0 : i32
        %sign3A_252 = arith.cmpi sgt, %jit3A_243, %sign3A_251 : i32
        %sign3A_253 = arith.extui %sign3A_252 : i1 to i32
        %sign3A_254 = arith.constant 0 : i32
        %sign3A_255 = arith.cmpi slt, %jit3A_243, %sign3A_254 : i32
        %sign3A_256 = arith.extui %sign3A_255 : i1 to i32
        %sign3A_257 = arith.subi %sign3A_253, %sign3A_256 : i32
        %ne3A = arith.cmpi ne, %sign3A_250, %sign3A_257 : i32
        %rem3A = arith.remsi %add3A_242, %jit3A_243 : i32
        %ne3A_258 = arith.constant 0 : i32
        %ne3A_259 = arith.cmpi ne, %rem3A, %ne3A_258 : i32
        %and3A = arith.andi %ne3A, %ne3A_259 : i1
        %sub3A_260 = arith.constant 1 : i32
        %sub3A_261 = arith.subi %div3A_244, %sub3A_260 : i32
        %select_n3A_262 = arith.select %and3A, %sub3A_261, %div3A_244 : i32
        %max3A = arith.constant 2 : i32
        %max3A_263 = arith.maxsi %select_n3A_262, %max3A : i32
        %sub3A_264 = arith.constant 2 : i32
        %sub3A_265 = arith.subi %max3A_263, %sub3A_264 : i32
        %sub3A_266 = arith.constant 1 : i32
        %sub3A_267 = arith.subi %max3A_263, %sub3A_266 : i32
        %mul3A_268 = arith.constant 16 : i32
        %mul3A_269 = arith.muli %sub3A_265, %mul3A_268 : i32
        %get3A = arith.index_cast %mul3A_269 : i32 to index
        %get3A_270 = tpu.vector_load %arg8[%get3A] {strides = array<i32>} : memref<512xf32, #tpu.memory_space<vmem>>, vector<16xf32>,
        %get3A_271 = arith.index_cast %mul3A_269 : i32 to index
        %get3A_272 = tpu.vector_load %arg9[%get3A_271] {strides = array<i32>} : memref<512xf32, #tpu.memory_space<vmem>>, vector<16xf32>,
        %add3A_273 = vector.broadcast %mul3A_269 : i32 to vector<16xi32>
        %add3A_274 = arith.addi %add3A_273, %iota3A : vector<16xi32>
        %sub3A_275 = arith.subf %get3A_270, %gather3A_178 : vector<16xf32>
        %sub3A_276 = arith.subf %get3A_272, %gather3A_210 : vector<16xf32>
        %abs3A = math.absf %sub3A_276 : vector<16xf32>
        %bitcast_convert_type3A_277 = tpu.bitcast %sub3A_275 : vector<16xf32> -> vector<16xi32>
        %shift_right_logical3A = arith.constant 19 : i32
        %shift_right_logical3A_278 = vector.broadcast %shift_right_logical3A : i32 to vector<16xi32>
        %shift_right_logical3A_279 = arith.shrui %bitcast_convert_type3A_277, %shift_right_logical3A_278 : vector<16xi32>
        %gather3A_280 = tpu.vector_load_idx %arg15[%shift_right_logical3A_279] : memref<8192xi32, #tpu.memory_space<vmem>>[vector<16xi32>], vector<16xi32>,
        %gather3A_281 = tpu.vector_load_idx %arg13[%gather3A_280] : memref<256xf32, #tpu.memory_space<vmem>>[vector<16xi32>], vector<16xf32>,
        %ge3A = arith.cmpf oge, %sub3A_275, %gather3A_281 : vector<16xf32>
        %jit3A_282 = arith.constant 16 : i32
        %jit3A_283 = arith.constant 0 : i32
        %broadcast_in_dim3A_284 = vector.broadcast %jit3A_282 : i32 to vector<16xi32>
        %broadcast_in_dim3A_285 = vector.broadcast %jit3A_283 : i32 to vector<16xi32>
        %select_n3A_286 = arith.select %ge3A, %broadcast_in_dim3A_284, %broadcast_in_dim3A_285 : vector<16xi1>, vector<16xi32>
        %add3A_287 = arith.addi %gather3A_280, %select_n3A_286 : vector<16xi32>
        %bitcast_convert_type3A_288 = tpu.bitcast %abs3A : vector<16xf32> -> vector<16xi32>
        %shift_right_logical3A_289 = arith.constant 19 : i32
        %shift_right_logical3A_290 = vector.broadcast %shift_right_logical3A_289 : i32 to vector<16xi32>
        %shift_right_logical3A_291 = arith.shrui %bitcast_convert_type3A_288, %shift_right_logical3A_290 : vector<16xi32>
        %gather3A_292 = tpu.vector_load_idx %arg16[%shift_right_logical3A_291] : memref<4096xi32, #tpu.memory_space<vmem>>[vector<16xi32>], vector<16xi32>,
        %gather3A_293 = tpu.vector_load_idx %arg14[%gather3A_292] : memref<8192xf32, #tpu.memory_space<vmem>>[vector<16xi32>], vector<16xf32>,
        %ge3A_294 = arith.cmpf oge, %abs3A, %gather3A_293 : vector<16xf32>
        %jit3A_295 = arith.constant 256 : i32
        %jit3A_296 = arith.constant 0 : i32
        %broadcast_in_dim3A_297 = vector.broadcast %jit3A_295 : i32 to vector<16xi32>
        %broadcast_in_dim3A_298 = vector.broadcast %jit3A_296 : i32 to vector<16xi32>
        %select_n3A_299 = arith.select %ge3A_294, %broadcast_in_dim3A_297, %broadcast_in_dim3A_298 : vector<16xi1>, vector<16xi32>
        %add3A_300 = arith.addi %gather3A_292, %select_n3A_299 : vector<16xi32>
        %add3A_301 = arith.addi %add3A_300, %add3A_287 : vector<16xi32>
        %add3A_302 = arith.addi %add3A_301, %iota3A : vector<16xi32>
        %add3A_303 = arith.constant 0 : i32
        %add3A_304 = arith.addi %mul3A_173, %add3A_303 : i32
        %gt3A_305 = vector.broadcast %add3A_304 : i32 to vector<16xi32>
        %gt3A_306 = arith.cmpi sgt, %add3A_274, %gt3A_305 : vector<16xi32>
        tpu.vector_store_idx %arg10[%add3A_302], %broadcast_in_dim3A_6 masked %gt3A_306 {add = true} : memref<6144xf32, #tpu.memory_space<vmem>>[vector<16xi32>], vector<16xf32>, vector<16xi1>
        %sub3A_307 = arith.subf %get3A_270, %gather3A_182 : vector<16xf32>
        %sub3A_308 = arith.subf %get3A_272, %gather3A_214 : vector<16xf32>
        %abs3A_309 = math.absf %sub3A_308 : vector<16xf32>
        %bitcast_convert_type3A_310 = tpu.bitcast %sub3A_307 : vector<16xf32> -> vector<16xi32>
        %shift_right_logical3A_311 = arith.constant 19 : i32
        %shift_right_logical3A_312 = vector.broadcast %shift_right_logical3A_311 : i32 to vector<16xi32>
        %shift_right_logical3A_313 = arith.shrui %bitcast_convert_type3A_310, %shift_right_logical3A_312 : vector<16xi32>
        %gather3A_314 = tpu.vector_load_idx %arg15[%shift_right_logical3A_313] : memref<8192xi32, #tpu.memory_space<vmem>>[vector<16xi32>], vector<16xi32>,
        %gather3A_315 = tpu.vector_load_idx %arg13[%gather3A_314] : memref<256xf32, #tpu.memory_space<vmem>>[vector<16xi32>], vector<16xf32>,
        %ge3A_316 = arith.cmpf oge, %sub3A_307, %gather3A_315 : vector<16xf32>
        %jit3A_317 = arith.constant 16 : i32
        %jit3A_318 = arith.constant 0 : i32
        %broadcast_in_dim3A_319 = vector.broadcast %jit3A_317 : i32 to vector<16xi32>
        %broadcast_in_dim3A_320 = vector.broadcast %jit3A_318 : i32 to vector<16xi32>
        %select_n3A_321 = arith.select %ge3A_316, %broadcast_in_dim3A_319, %broadcast_in_dim3A_320 : vector<16xi1>, vector<16xi32>
        %add3A_322 = arith.addi %gather3A_314, %select_n3A_321 : vector<16xi32>
        %bitcast_convert_type3A_323 = tpu.bitcast %abs3A_309 : vector<16xf32> -> vector<16xi32>
        %shift_right_logical3A_324 = arith.constant 19 : i32
        %shift_right_logical3A_325 = vector.broadcast %shift_right_logical3A_324 : i32 to vector<16xi32>
        %shift_right_logical3A_326 = arith.shrui %bitcast_convert_type3A_323, %shift_right_logical3A_325 : vector<16xi32>
        %gather3A_327 = tpu.vector_load_idx %arg16[%shift_right_logical3A_326] : memref<4096xi32, #tpu.memory_space<vmem>>[vector<16xi32>], vector<16xi32>,
        %gather3A_328 = tpu.vector_load_idx %arg14[%gather3A_327] : memref<8192xf32, #tpu.memory_space<vmem>>[vector<16xi32>], vector<16xf32>,
        %ge3A_329 = arith.cmpf oge, %abs3A_309, %gather3A_328 : vector<16xf32>
        %jit3A_330 = arith.constant 256 : i32
        %jit3A_331 = arith.constant 0 : i32
        %broadcast_in_dim3A_332 = vector.broadcast %jit3A_330 : i32 to vector<16xi32>
        %broadcast_in_dim3A_333 = vector.broadcast %jit3A_331 : i32 to vector<16xi32>
        %select_n3A_334 = arith.select %ge3A_329, %broadcast_in_dim3A_332, %broadcast_in_dim3A_333 : vector<16xi1>, vector<16xi32>
        %add3A_335 = arith.addi %gather3A_327, %select_n3A_334 : vector<16xi32>
        %add3A_336 = arith.addi %add3A_335, %add3A_322 : vector<16xi32>
        %add3A_337 = arith.addi %add3A_336, %iota3A : vector<16xi32>
        %add3A_338 = arith.constant 1 : i32
        %add3A_339 = arith.addi %mul3A_173, %add3A_338 : i32
        %gt3A_340 = vector.broadcast %add3A_339 : i32 to vector<16xi32>
        %gt3A_341 = arith.cmpi sgt, %add3A_274, %gt3A_340 : vector<16xi32>
        tpu.vector_store_idx %arg10[%add3A_337], %broadcast_in_dim3A_6 masked %gt3A_341 {add = true} : memref<6144xf32, #tpu.memory_space<vmem>>[vector<16xi32>], vector<16xf32>, vector<16xi1>
        %sub3A_342 = arith.subf %get3A_270, %gather3A_186 : vector<16xf32>
        %sub3A_343 = arith.subf %get3A_272, %gather3A_218 : vector<16xf32>
        %abs3A_344 = math.absf %sub3A_343 : vector<16xf32>
        %bitcast_convert_type3A_345 = tpu.bitcast %sub3A_342 : vector<16xf32> -> vector<16xi32>
        %shift_right_logical3A_346 = arith.constant 19 : i32
        %shift_right_logical3A_347 = vector.broadcast %shift_right_logical3A_346 : i32 to vector<16xi32>
        %shift_right_logical3A_348 = arith.shrui %bitcast_convert_type3A_345, %shift_right_logical3A_347 : vector<16xi32>
        %gather3A_349 = tpu.vector_load_idx %arg15[%shift_right_logical3A_348] : memref<8192xi32, #tpu.memory_space<vmem>>[vector<16xi32>], vector<16xi32>,
        %gather3A_350 = tpu.vector_load_idx %arg13[%gather3A_349] : memref<256xf32, #tpu.memory_space<vmem>>[vector<16xi32>], vector<16xf32>,
        %ge3A_351 = arith.cmpf oge, %sub3A_342, %gather3A_350 : vector<16xf32>
        %jit3A_352 = arith.constant 16 : i32
        %jit3A_353 = arith.constant 0 : i32
        %broadcast_in_dim3A_354 = vector.broadcast %jit3A_352 : i32 to vector<16xi32>
        %broadcast_in_dim3A_355 = vector.broadcast %jit3A_353 : i32 to vector<16xi32>
        %select_n3A_356 = arith.select %ge3A_351, %broadcast_in_dim3A_354, %broadcast_in_dim3A_355 : vector<16xi1>, vector<16xi32>
        %add3A_357 = arith.addi %gather3A_349, %select_n3A_356 : vector<16xi32>
        %bitcast_convert_type3A_358 = tpu.bitcast %abs3A_344 : vector<16xf32> -> vector<16xi32>
        %shift_right_logical3A_359 = arith.constant 19 : i32
        %shift_right_logical3A_360 = vector.broadcast %shift_right_logical3A_359 : i32 to vector<16xi32>
        %shift_right_logical3A_361 = arith.shrui %bitcast_convert_type3A_358, %shift_right_logical3A_360 : vector<16xi32>
        %gather3A_362 = tpu.vector_load_idx %arg16[%shift_right_logical3A_361] : memref<4096xi32, #tpu.memory_space<vmem>>[vector<16xi32>], vector<16xi32>,
        %gather3A_363 = tpu.vector_load_idx %arg14[%gather3A_362] : memref<8192xf32, #tpu.memory_space<vmem>>[vector<16xi32>], vector<16xf32>,
        %ge3A_364 = arith.cmpf oge, %abs3A_344, %gather3A_363 : vector<16xf32>
        %jit3A_365 = arith.constant 256 : i32
        %jit3A_366 = arith.constant 0 : i32
        %broadcast_in_dim3A_367 = vector.broadcast %jit3A_365 : i32 to vector<16xi32>
        %broadcast_in_dim3A_368 = vector.broadcast %jit3A_366 : i32 to vector<16xi32>
        %select_n3A_369 = arith.select %ge3A_364, %broadcast_in_dim3A_367, %broadcast_in_dim3A_368 : vector<16xi1>, vector<16xi32>
        %add3A_370 = arith.addi %gather3A_362, %select_n3A_369 : vector<16xi32>
        %add3A_371 = arith.addi %add3A_370, %add3A_357 : vector<16xi32>
        %add3A_372 = arith.addi %add3A_371, %iota3A : vector<16xi32>
        %add3A_373 = arith.constant 2 : i32
        %add3A_374 = arith.addi %mul3A_173, %add3A_373 : i32
        %gt3A_375 = vector.broadcast %add3A_374 : i32 to vector<16xi32>
        %gt3A_376 = arith.cmpi sgt, %add3A_274, %gt3A_375 : vector<16xi32>
        tpu.vector_store_idx %arg10[%add3A_372], %broadcast_in_dim3A_6 masked %gt3A_376 {add = true} : memref<6144xf32, #tpu.memory_space<vmem>>[vector<16xi32>], vector<16xf32>, vector<16xi1>
        %sub3A_377 = arith.subf %get3A_270, %gather3A_190 : vector<16xf32>
        %sub3A_378 = arith.subf %get3A_272, %gather3A_222 : vector<16xf32>
        %abs3A_379 = math.absf %sub3A_378 : vector<16xf32>
        %bitcast_convert_type3A_380 = tpu.bitcast %sub3A_377 : vector<16xf32> -> vector<16xi32>
        %shift_right_logical3A_381 = arith.constant 19 : i32
        %shift_right_logical3A_382 = vector.broadcast %shift_right_logical3A_381 : i32 to vector<16xi32>
        %shift_right_logical3A_383 = arith.shrui %bitcast_convert_type3A_380, %shift_right_logical3A_382 : vector<16xi32>
        %gather3A_384 = tpu.vector_load_idx %arg15[%shift_right_logical3A_383] : memref<8192xi32, #tpu.memory_space<vmem>>[vector<16xi32>], vector<16xi32>,
        %gather3A_385 = tpu.vector_load_idx %arg13[%gather3A_384] : memref<256xf32, #tpu.memory_space<vmem>>[vector<16xi32>], vector<16xf32>,
        %ge3A_386 = arith.cmpf oge, %sub3A_377, %gather3A_385 : vector<16xf32>
        %jit3A_387 = arith.constant 16 : i32
        %jit3A_388 = arith.constant 0 : i32
        %broadcast_in_dim3A_389 = vector.broadcast %jit3A_387 : i32 to vector<16xi32>
        %broadcast_in_dim3A_390 = vector.broadcast %jit3A_388 : i32 to vector<16xi32>
        %select_n3A_391 = arith.select %ge3A_386, %broadcast_in_dim3A_389, %broadcast_in_dim3A_390 : vector<16xi1>, vector<16xi32>
        %add3A_392 = arith.addi %gather3A_384, %select_n3A_391 : vector<16xi32>
        %bitcast_convert_type3A_393 = tpu.bitcast %abs3A_379 : vector<16xf32> -> vector<16xi32>
        %shift_right_logical3A_394 = arith.constant 19 : i32
        %shift_right_logical3A_395 = vector.broadcast %shift_right_logical3A_394 : i32 to vector<16xi32>
        %shift_right_logical3A_396 = arith.shrui %bitcast_convert_type3A_393, %shift_right_logical3A_395 : vector<16xi32>
        %gather3A_397 = tpu.vector_load_idx %arg16[%shift_right_logical3A_396] : memref<4096xi32, #tpu.memory_space<vmem>>[vector<16xi32>], vector<16xi32>,
        %gather3A_398 = tpu.vector_load_idx %arg14[%gather3A_397] : memref<8192xf32, #tpu.memory_space<vmem>>[vector<16xi32>], vector<16xf32>,
        %ge3A_399 = arith.cmpf oge, %abs3A_379, %gather3A_398 : vector<16xf32>
        %jit3A_400 = arith.constant 256 : i32
        %jit3A_401 = arith.constant 0 : i32
        %broadcast_in_dim3A_402 = vector.broadcast %jit3A_400 : i32 to vector<16xi32>
        %broadcast_in_dim3A_403 = vector.broadcast %jit3A_401 : i32 to vector<16xi32>
        %select_n3A_404 = arith.select %ge3A_399, %broadcast_in_dim3A_402, %broadcast_in_dim3A_403 : vector<16xi1>, vector<16xi32>
        %add3A_405 = arith.addi %gather3A_397, %select_n3A_404 : vector<16xi32>
        %add3A_406 = arith.addi %add3A_405, %add3A_392 : vector<16xi32>
        %add3A_407 = arith.addi %add3A_406, %iota3A : vector<16xi32>
        %add3A_408 = arith.constant 3 : i32
        %add3A_409 = arith.addi %mul3A_173, %add3A_408 : i32
        %gt3A_410 = vector.broadcast %add3A_409 : i32 to vector<16xi32>
        %gt3A_411 = arith.cmpi sgt, %add3A_274, %gt3A_410 : vector<16xi32>
        tpu.vector_store_idx %arg10[%add3A_407], %broadcast_in_dim3A_6 masked %gt3A_411 {add = true} : memref<6144xf32, #tpu.memory_space<vmem>>[vector<16xi32>], vector<16xf32>, vector<16xi1>
        %sub3A_412 = arith.subf %get3A_270, %gather3A_194 : vector<16xf32>
        %sub3A_413 = arith.subf %get3A_272, %gather3A_226 : vector<16xf32>
        %abs3A_414 = math.absf %sub3A_413 : vector<16xf32>
        %bitcast_convert_type3A_415 = tpu.bitcast %sub3A_412 : vector<16xf32> -> vector<16xi32>
        %shift_right_logical3A_416 = arith.constant 19 : i32
        %shift_right_logical3A_417 = vector.broadcast %shift_right_logical3A_416 : i32 to vector<16xi32>
        %shift_right_logical3A_418 = arith.shrui %bitcast_convert_type3A_415, %shift_right_logical3A_417 : vector<16xi32>
        %gather3A_419 = tpu.vector_load_idx %arg15[%shift_right_logical3A_418] : memref<8192xi32, #tpu.memory_space<vmem>>[vector<16xi32>], vector<16xi32>,
        %gather3A_420 = tpu.vector_load_idx %arg13[%gather3A_419] : memref<256xf32, #tpu.memory_space<vmem>>[vector<16xi32>], vector<16xf32>,
        %ge3A_421 = arith.cmpf oge, %sub3A_412, %gather3A_420 : vector<16xf32>
        %jit3A_422 = arith.constant 16 : i32
        %jit3A_423 = arith.constant 0 : i32
        %broadcast_in_dim3A_424 = vector.broadcast %jit3A_422 : i32 to vector<16xi32>
        %broadcast_in_dim3A_425 = vector.broadcast %jit3A_423 : i32 to vector<16xi32>
        %select_n3A_426 = arith.select %ge3A_421, %broadcast_in_dim3A_424, %broadcast_in_dim3A_425 : vector<16xi1>, vector<16xi32>
        %add3A_427 = arith.addi %gather3A_419, %select_n3A_426 : vector<16xi32>
        %bitcast_convert_type3A_428 = tpu.bitcast %abs3A_414 : vector<16xf32> -> vector<16xi32>
        %shift_right_logical3A_429 = arith.constant 19 : i32
        %shift_right_logical3A_430 = vector.broadcast %shift_right_logical3A_429 : i32 to vector<16xi32>
        %shift_right_logical3A_431 = arith.shrui %bitcast_convert_type3A_428, %shift_right_logical3A_430 : vector<16xi32>
        %gather3A_432 = tpu.vector_load_idx %arg16[%shift_right_logical3A_431] : memref<4096xi32, #tpu.memory_space<vmem>>[vector<16xi32>], vector<16xi32>,
        %gather3A_433 = tpu.vector_load_idx %arg14[%gather3A_432] : memref<8192xf32, #tpu.memory_space<vmem>>[vector<16xi32>], vector<16xf32>,
        %ge3A_434 = arith.cmpf oge, %abs3A_414, %gather3A_433 : vector<16xf32>
        %jit3A_435 = arith.constant 256 : i32
        %jit3A_436 = arith.constant 0 : i32
        %broadcast_in_dim3A_437 = vector.broadcast %jit3A_435 : i32 to vector<16xi32>
        %broadcast_in_dim3A_438 = vector.broadcast %jit3A_436 : i32 to vector<16xi32>
        %select_n3A_439 = arith.select %ge3A_434, %broadcast_in_dim3A_437, %broadcast_in_dim3A_438 : vector<16xi1>, vector<16xi32>
        %add3A_440 = arith.addi %gather3A_432, %select_n3A_439 : vector<16xi32>
        %add3A_441 = arith.addi %add3A_440, %add3A_427 : vector<16xi32>
        %add3A_442 = arith.addi %add3A_441, %iota3A : vector<16xi32>
        %add3A_443 = arith.constant 4 : i32
        %add3A_444 = arith.addi %mul3A_173, %add3A_443 : i32
        %gt3A_445 = vector.broadcast %add3A_444 : i32 to vector<16xi32>
        %gt3A_446 = arith.cmpi sgt, %add3A_274, %gt3A_445 : vector<16xi32>
        tpu.vector_store_idx %arg10[%add3A_442], %broadcast_in_dim3A_6 masked %gt3A_446 {add = true} : memref<6144xf32, #tpu.memory_space<vmem>>[vector<16xi32>], vector<16xf32>, vector<16xi1>
        %sub3A_447 = arith.subf %get3A_270, %gather3A_198 : vector<16xf32>
        %sub3A_448 = arith.subf %get3A_272, %gather3A_230 : vector<16xf32>
        %abs3A_449 = math.absf %sub3A_448 : vector<16xf32>
        %bitcast_convert_type3A_450 = tpu.bitcast %sub3A_447 : vector<16xf32> -> vector<16xi32>
        %shift_right_logical3A_451 = arith.constant 19 : i32
        %shift_right_logical3A_452 = vector.broadcast %shift_right_logical3A_451 : i32 to vector<16xi32>
        %shift_right_logical3A_453 = arith.shrui %bitcast_convert_type3A_450, %shift_right_logical3A_452 : vector<16xi32>
        %gather3A_454 = tpu.vector_load_idx %arg15[%shift_right_logical3A_453] : memref<8192xi32, #tpu.memory_space<vmem>>[vector<16xi32>], vector<16xi32>,
        %gather3A_455 = tpu.vector_load_idx %arg13[%gather3A_454] : memref<256xf32, #tpu.memory_space<vmem>>[vector<16xi32>], vector<16xf32>,
        %ge3A_456 = arith.cmpf oge, %sub3A_447, %gather3A_455 : vector<16xf32>
        %jit3A_457 = arith.constant 16 : i32
        %jit3A_458 = arith.constant 0 : i32
        %broadcast_in_dim3A_459 = vector.broadcast %jit3A_457 : i32 to vector<16xi32>
        %broadcast_in_dim3A_460 = vector.broadcast %jit3A_458 : i32 to vector<16xi32>
        %select_n3A_461 = arith.select %ge3A_456, %broadcast_in_dim3A_459, %broadcast_in_dim3A_460 : vector<16xi1>, vector<16xi32>
        %add3A_462 = arith.addi %gather3A_454, %select_n3A_461 : vector<16xi32>
        %bitcast_convert_type3A_463 = tpu.bitcast %abs3A_449 : vector<16xf32> -> vector<16xi32>
        %shift_right_logical3A_464 = arith.constant 19 : i32
        %shift_right_logical3A_465 = vector.broadcast %shift_right_logical3A_464 : i32 to vector<16xi32>
        %shift_right_logical3A_466 = arith.shrui %bitcast_convert_type3A_463, %shift_right_logical3A_465 : vector<16xi32>
        %gather3A_467 = tpu.vector_load_idx %arg16[%shift_right_logical3A_466] : memref<4096xi32, #tpu.memory_space<vmem>>[vector<16xi32>], vector<16xi32>,
        %gather3A_468 = tpu.vector_load_idx %arg14[%gather3A_467] : memref<8192xf32, #tpu.memory_space<vmem>>[vector<16xi32>], vector<16xf32>,
        %ge3A_469 = arith.cmpf oge, %abs3A_449, %gather3A_468 : vector<16xf32>
        %jit3A_470 = arith.constant 256 : i32
        %jit3A_471 = arith.constant 0 : i32
        %broadcast_in_dim3A_472 = vector.broadcast %jit3A_470 : i32 to vector<16xi32>
        %broadcast_in_dim3A_473 = vector.broadcast %jit3A_471 : i32 to vector<16xi32>
        %select_n3A_474 = arith.select %ge3A_469, %broadcast_in_dim3A_472, %broadcast_in_dim3A_473 : vector<16xi1>, vector<16xi32>
        %add3A_475 = arith.addi %gather3A_467, %select_n3A_474 : vector<16xi32>
        %add3A_476 = arith.addi %add3A_475, %add3A_462 : vector<16xi32>
        %add3A_477 = arith.addi %add3A_476, %iota3A : vector<16xi32>
        %add3A_478 = arith.constant 5 : i32
        %add3A_479 = arith.addi %mul3A_173, %add3A_478 : i32
        %gt3A_480 = vector.broadcast %add3A_479 : i32 to vector<16xi32>
        %gt3A_481 = arith.cmpi sgt, %add3A_274, %gt3A_480 : vector<16xi32>
        tpu.vector_store_idx %arg10[%add3A_477], %broadcast_in_dim3A_6 masked %gt3A_481 {add = true} : memref<6144xf32, #tpu.memory_space<vmem>>[vector<16xi32>], vector<16xf32>, vector<16xi1>
        %sub3A_482 = arith.subf %get3A_270, %gather3A_202 : vector<16xf32>
        %sub3A_483 = arith.subf %get3A_272, %gather3A_234 : vector<16xf32>
        %abs3A_484 = math.absf %sub3A_483 : vector<16xf32>
        %bitcast_convert_type3A_485 = tpu.bitcast %sub3A_482 : vector<16xf32> -> vector<16xi32>
        %shift_right_logical3A_486 = arith.constant 19 : i32
        %shift_right_logical3A_487 = vector.broadcast %shift_right_logical3A_486 : i32 to vector<16xi32>
        %shift_right_logical3A_488 = arith.shrui %bitcast_convert_type3A_485, %shift_right_logical3A_487 : vector<16xi32>
        %gather3A_489 = tpu.vector_load_idx %arg15[%shift_right_logical3A_488] : memref<8192xi32, #tpu.memory_space<vmem>>[vector<16xi32>], vector<16xi32>,
        %gather3A_490 = tpu.vector_load_idx %arg13[%gather3A_489] : memref<256xf32, #tpu.memory_space<vmem>>[vector<16xi32>], vector<16xf32>,
        %ge3A_491 = arith.cmpf oge, %sub3A_482, %gather3A_490 : vector<16xf32>
        %jit3A_492 = arith.constant 16 : i32
        %jit3A_493 = arith.constant 0 : i32
        %broadcast_in_dim3A_494 = vector.broadcast %jit3A_492 : i32 to vector<16xi32>
        %broadcast_in_dim3A_495 = vector.broadcast %jit3A_493 : i32 to vector<16xi32>
        %select_n3A_496 = arith.select %ge3A_491, %broadcast_in_dim3A_494, %broadcast_in_dim3A_495 : vector<16xi1>, vector<16xi32>
        %add3A_497 = arith.addi %gather3A_489, %select_n3A_496 : vector<16xi32>
        %bitcast_convert_type3A_498 = tpu.bitcast %abs3A_484 : vector<16xf32> -> vector<16xi32>
        %shift_right_logical3A_499 = arith.constant 19 : i32
        %shift_right_logical3A_500 = vector.broadcast %shift_right_logical3A_499 : i32 to vector<16xi32>
        %shift_right_logical3A_501 = arith.shrui %bitcast_convert_type3A_498, %shift_right_logical3A_500 : vector<16xi32>
        %gather3A_502 = tpu.vector_load_idx %arg16[%shift_right_logical3A_501] : memref<4096xi32, #tpu.memory_space<vmem>>[vector<16xi32>], vector<16xi32>,
        %gather3A_503 = tpu.vector_load_idx %arg14[%gather3A_502] : memref<8192xf32, #tpu.memory_space<vmem>>[vector<16xi32>], vector<16xf32>,
        %ge3A_504 = arith.cmpf oge, %abs3A_484, %gather3A_503 : vector<16xf32>
        %jit3A_505 = arith.constant 256 : i32
        %jit3A_506 = arith.constant 0 : i32
        %broadcast_in_dim3A_507 = vector.broadcast %jit3A_505 : i32 to vector<16xi32>
        %broadcast_in_dim3A_508 = vector.broadcast %jit3A_506 : i32 to vector<16xi32>
        %select_n3A_509 = arith.select %ge3A_504, %broadcast_in_dim3A_507, %broadcast_in_dim3A_508 : vector<16xi1>, vector<16xi32>
        %add3A_510 = arith.addi %gather3A_502, %select_n3A_509 : vector<16xi32>
        %add3A_511 = arith.addi %add3A_510, %add3A_497 : vector<16xi32>
        %add3A_512 = arith.addi %add3A_511, %iota3A : vector<16xi32>
        %add3A_513 = arith.constant 6 : i32
        %add3A_514 = arith.addi %mul3A_173, %add3A_513 : i32
        %gt3A_515 = vector.broadcast %add3A_514 : i32 to vector<16xi32>
        %gt3A_516 = arith.cmpi sgt, %add3A_274, %gt3A_515 : vector<16xi32>
        tpu.vector_store_idx %arg10[%add3A_512], %broadcast_in_dim3A_6 masked %gt3A_516 {add = true} : memref<6144xf32, #tpu.memory_space<vmem>>[vector<16xi32>], vector<16xf32>, vector<16xi1>
        %sub3A_517 = arith.subf %get3A_270, %gather3A_206 : vector<16xf32>
        %sub3A_518 = arith.subf %get3A_272, %gather3A_238 : vector<16xf32>
        %abs3A_519 = math.absf %sub3A_518 : vector<16xf32>
        %bitcast_convert_type3A_520 = tpu.bitcast %sub3A_517 : vector<16xf32> -> vector<16xi32>
        %shift_right_logical3A_521 = arith.constant 19 : i32
        %shift_right_logical3A_522 = vector.broadcast %shift_right_logical3A_521 : i32 to vector<16xi32>
        %shift_right_logical3A_523 = arith.shrui %bitcast_convert_type3A_520, %shift_right_logical3A_522 : vector<16xi32>
        %gather3A_524 = tpu.vector_load_idx %arg15[%shift_right_logical3A_523] : memref<8192xi32, #tpu.memory_space<vmem>>[vector<16xi32>], vector<16xi32>,
        %gather3A_525 = tpu.vector_load_idx %arg13[%gather3A_524] : memref<256xf32, #tpu.memory_space<vmem>>[vector<16xi32>], vector<16xf32>,
        %ge3A_526 = arith.cmpf oge, %sub3A_517, %gather3A_525 : vector<16xf32>
        %jit3A_527 = arith.constant 16 : i32
        %jit3A_528 = arith.constant 0 : i32
        %broadcast_in_dim3A_529 = vector.broadcast %jit3A_527 : i32 to vector<16xi32>
        %broadcast_in_dim3A_530 = vector.broadcast %jit3A_528 : i32 to vector<16xi32>
        %select_n3A_531 = arith.select %ge3A_526, %broadcast_in_dim3A_529, %broadcast_in_dim3A_530 : vector<16xi1>, vector<16xi32>
        %add3A_532 = arith.addi %gather3A_524, %select_n3A_531 : vector<16xi32>
        %bitcast_convert_type3A_533 = tpu.bitcast %abs3A_519 : vector<16xf32> -> vector<16xi32>
        %shift_right_logical3A_534 = arith.constant 19 : i32
        %shift_right_logical3A_535 = vector.broadcast %shift_right_logical3A_534 : i32 to vector<16xi32>
        %shift_right_logical3A_536 = arith.shrui %bitcast_convert_type3A_533, %shift_right_logical3A_535 : vector<16xi32>
        %gather3A_537 = tpu.vector_load_idx %arg16[%shift_right_logical3A_536] : memref<4096xi32, #tpu.memory_space<vmem>>[vector<16xi32>], vector<16xi32>,
        %gather3A_538 = tpu.vector_load_idx %arg14[%gather3A_537] : memref<8192xf32, #tpu.memory_space<vmem>>[vector<16xi32>], vector<16xf32>,
        %ge3A_539 = arith.cmpf oge, %abs3A_519, %gather3A_538 : vector<16xf32>
        %jit3A_540 = arith.constant 256 : i32
        %jit3A_541 = arith.constant 0 : i32
        %broadcast_in_dim3A_542 = vector.broadcast %jit3A_540 : i32 to vector<16xi32>
        %broadcast_in_dim3A_543 = vector.broadcast %jit3A_541 : i32 to vector<16xi32>
        %select_n3A_544 = arith.select %ge3A_539, %broadcast_in_dim3A_542, %broadcast_in_dim3A_543 : vector<16xi1>, vector<16xi32>
        %add3A_545 = arith.addi %gather3A_537, %select_n3A_544 : vector<16xi32>
        %add3A_546 = arith.addi %add3A_545, %add3A_532 : vector<16xi32>
        %add3A_547 = arith.addi %add3A_546, %iota3A : vector<16xi32>
        %add3A_548 = arith.constant 7 : i32
        %add3A_549 = arith.addi %mul3A_173, %add3A_548 : i32
        %gt3A_550 = vector.broadcast %add3A_549 : i32 to vector<16xi32>
        %gt3A_551 = arith.cmpi sgt, %add3A_274, %gt3A_550 : vector<16xi32>
        tpu.vector_store_idx %arg10[%add3A_547], %broadcast_in_dim3A_6 masked %gt3A_551 {add = true} : memref<6144xf32, #tpu.memory_space<vmem>>[vector<16xi32>], vector<16xf32>, vector<16xi1>
        %mul3A_552 = arith.constant 16 : i32
        %mul3A_553 = arith.muli %sub3A_267, %mul3A_552 : i32
        %get3A_554 = arith.index_cast %mul3A_553 : i32 to index
        %get3A_555 = tpu.vector_load %arg8[%get3A_554] {strides = array<i32>} : memref<512xf32, #tpu.memory_space<vmem>>, vector<16xf32>,
        %get3A_556 = arith.index_cast %mul3A_553 : i32 to index
        %get3A_557 = tpu.vector_load %arg9[%get3A_556] {strides = array<i32>} : memref<512xf32, #tpu.memory_space<vmem>>, vector<16xf32>,
        %add3A_558 = vector.broadcast %mul3A_553 : i32 to vector<16xi32>
        %add3A_559 = arith.addi %add3A_558, %iota3A : vector<16xi32>
        %sub3A_560 = arith.subf %get3A_555, %gather3A_178 : vector<16xf32>
        %sub3A_561 = arith.subf %get3A_557, %gather3A_210 : vector<16xf32>
        %abs3A_562 = math.absf %sub3A_561 : vector<16xf32>
        %bitcast_convert_type3A_563 = tpu.bitcast %sub3A_560 : vector<16xf32> -> vector<16xi32>
        %shift_right_logical3A_564 = arith.constant 19 : i32
        %shift_right_logical3A_565 = vector.broadcast %shift_right_logical3A_564 : i32 to vector<16xi32>
        %shift_right_logical3A_566 = arith.shrui %bitcast_convert_type3A_563, %shift_right_logical3A_565 : vector<16xi32>
        %gather3A_567 = tpu.vector_load_idx %arg15[%shift_right_logical3A_566] : memref<8192xi32, #tpu.memory_space<vmem>>[vector<16xi32>], vector<16xi32>,
        %gather3A_568 = tpu.vector_load_idx %arg13[%gather3A_567] : memref<256xf32, #tpu.memory_space<vmem>>[vector<16xi32>], vector<16xf32>,
        %ge3A_569 = arith.cmpf oge, %sub3A_560, %gather3A_568 : vector<16xf32>
        %jit3A_570 = arith.constant 16 : i32
        %jit3A_571 = arith.constant 0 : i32
        %broadcast_in_dim3A_572 = vector.broadcast %jit3A_570 : i32 to vector<16xi32>
        %broadcast_in_dim3A_573 = vector.broadcast %jit3A_571 : i32 to vector<16xi32>
        %select_n3A_574 = arith.select %ge3A_569, %broadcast_in_dim3A_572, %broadcast_in_dim3A_573 : vector<16xi1>, vector<16xi32>
        %add3A_575 = arith.addi %gather3A_567, %select_n3A_574 : vector<16xi32>
        %bitcast_convert_type3A_576 = tpu.bitcast %abs3A_562 : vector<16xf32> -> vector<16xi32>
        %shift_right_logical3A_577 = arith.constant 19 : i32
        %shift_right_logical3A_578 = vector.broadcast %shift_right_logical3A_577 : i32 to vector<16xi32>
        %shift_right_logical3A_579 = arith.shrui %bitcast_convert_type3A_576, %shift_right_logical3A_578 : vector<16xi32>
        %gather3A_580 = tpu.vector_load_idx %arg16[%shift_right_logical3A_579] : memref<4096xi32, #tpu.memory_space<vmem>>[vector<16xi32>], vector<16xi32>,
        %gather3A_581 = tpu.vector_load_idx %arg14[%gather3A_580] : memref<8192xf32, #tpu.memory_space<vmem>>[vector<16xi32>], vector<16xf32>,
        %ge3A_582 = arith.cmpf oge, %abs3A_562, %gather3A_581 : vector<16xf32>
        %jit3A_583 = arith.constant 256 : i32
        %jit3A_584 = arith.constant 0 : i32
        %broadcast_in_dim3A_585 = vector.broadcast %jit3A_583 : i32 to vector<16xi32>
        %broadcast_in_dim3A_586 = vector.broadcast %jit3A_584 : i32 to vector<16xi32>
        %select_n3A_587 = arith.select %ge3A_582, %broadcast_in_dim3A_585, %broadcast_in_dim3A_586 : vector<16xi1>, vector<16xi32>
        %add3A_588 = arith.addi %gather3A_580, %select_n3A_587 : vector<16xi32>
        %add3A_589 = arith.addi %add3A_588, %add3A_575 : vector<16xi32>
        %add3A_590 = arith.addi %add3A_589, %iota3A : vector<16xi32>
        %add3A_591 = arith.constant 0 : i32
        %add3A_592 = arith.addi %mul3A_173, %add3A_591 : i32
        %gt3A_593 = vector.broadcast %add3A_592 : i32 to vector<16xi32>
        %gt3A_594 = arith.cmpi sgt, %add3A_559, %gt3A_593 : vector<16xi32>
        tpu.vector_store_idx %arg10[%add3A_590], %broadcast_in_dim3A_6 masked %gt3A_594 {add = true} : memref<6144xf32, #tpu.memory_space<vmem>>[vector<16xi32>], vector<16xf32>, vector<16xi1>
        %sub3A_595 = arith.subf %get3A_555, %gather3A_182 : vector<16xf32>
        %sub3A_596 = arith.subf %get3A_557, %gather3A_214 : vector<16xf32>
        %abs3A_597 = math.absf %sub3A_596 : vector<16xf32>
        %bitcast_convert_type3A_598 = tpu.bitcast %sub3A_595 : vector<16xf32> -> vector<16xi32>
        %shift_right_logical3A_599 = arith.constant 19 : i32
        %shift_right_logical3A_600 = vector.broadcast %shift_right_logical3A_599 : i32 to vector<16xi32>
        %shift_right_logical3A_601 = arith.shrui %bitcast_convert_type3A_598, %shift_right_logical3A_600 : vector<16xi32>
        %gather3A_602 = tpu.vector_load_idx %arg15[%shift_right_logical3A_601] : memref<8192xi32, #tpu.memory_space<vmem>>[vector<16xi32>], vector<16xi32>,
        %gather3A_603 = tpu.vector_load_idx %arg13[%gather3A_602] : memref<256xf32, #tpu.memory_space<vmem>>[vector<16xi32>], vector<16xf32>,
        %ge3A_604 = arith.cmpf oge, %sub3A_595, %gather3A_603 : vector<16xf32>
        %jit3A_605 = arith.constant 16 : i32
        %jit3A_606 = arith.constant 0 : i32
        %broadcast_in_dim3A_607 = vector.broadcast %jit3A_605 : i32 to vector<16xi32>
        %broadcast_in_dim3A_608 = vector.broadcast %jit3A_606 : i32 to vector<16xi32>
        %select_n3A_609 = arith.select %ge3A_604, %broadcast_in_dim3A_607, %broadcast_in_dim3A_608 : vector<16xi1>, vector<16xi32>
        %add3A_610 = arith.addi %gather3A_602, %select_n3A_609 : vector<16xi32>
        %bitcast_convert_type3A_611 = tpu.bitcast %abs3A_597 : vector<16xf32> -> vector<16xi32>
        %shift_right_logical3A_612 = arith.constant 19 : i32
        %shift_right_logical3A_613 = vector.broadcast %shift_right_logical3A_612 : i32 to vector<16xi32>
        %shift_right_logical3A_614 = arith.shrui %bitcast_convert_type3A_611, %shift_right_logical3A_613 : vector<16xi32>
        %gather3A_615 = tpu.vector_load_idx %arg16[%shift_right_logical3A_614] : memref<4096xi32, #tpu.memory_space<vmem>>[vector<16xi32>], vector<16xi32>,
        %gather3A_616 = tpu.vector_load_idx %arg14[%gather3A_615] : memref<8192xf32, #tpu.memory_space<vmem>>[vector<16xi32>], vector<16xf32>,
        %ge3A_617 = arith.cmpf oge, %abs3A_597, %gather3A_616 : vector<16xf32>
        %jit3A_618 = arith.constant 256 : i32
        %jit3A_619 = arith.constant 0 : i32
        %broadcast_in_dim3A_620 = vector.broadcast %jit3A_618 : i32 to vector<16xi32>
        %broadcast_in_dim3A_621 = vector.broadcast %jit3A_619 : i32 to vector<16xi32>
        %select_n3A_622 = arith.select %ge3A_617, %broadcast_in_dim3A_620, %broadcast_in_dim3A_621 : vector<16xi1>, vector<16xi32>
        %add3A_623 = arith.addi %gather3A_615, %select_n3A_622 : vector<16xi32>
        %add3A_624 = arith.addi %add3A_623, %add3A_610 : vector<16xi32>
        %add3A_625 = arith.addi %add3A_624, %iota3A : vector<16xi32>
        %add3A_626 = arith.constant 1 : i32
        %add3A_627 = arith.addi %mul3A_173, %add3A_626 : i32
        %gt3A_628 = vector.broadcast %add3A_627 : i32 to vector<16xi32>
        %gt3A_629 = arith.cmpi sgt, %add3A_559, %gt3A_628 : vector<16xi32>
        tpu.vector_store_idx %arg10[%add3A_625], %broadcast_in_dim3A_6 masked %gt3A_629 {add = true} : memref<6144xf32, #tpu.memory_space<vmem>>[vector<16xi32>], vector<16xf32>, vector<16xi1>
        %sub3A_630 = arith.subf %get3A_555, %gather3A_186 : vector<16xf32>
        %sub3A_631 = arith.subf %get3A_557, %gather3A_218 : vector<16xf32>
        %abs3A_632 = math.absf %sub3A_631 : vector<16xf32>
        %bitcast_convert_type3A_633 = tpu.bitcast %sub3A_630 : vector<16xf32> -> vector<16xi32>
        %shift_right_logical3A_634 = arith.constant 19 : i32
        %shift_right_logical3A_635 = vector.broadcast %shift_right_logical3A_634 : i32 to vector<16xi32>
        %shift_right_logical3A_636 = arith.shrui %bitcast_convert_type3A_633, %shift_right_logical3A_635 : vector<16xi32>
        %gather3A_637 = tpu.vector_load_idx %arg15[%shift_right_logical3A_636] : memref<8192xi32, #tpu.memory_space<vmem>>[vector<16xi32>], vector<16xi32>,
        %gather3A_638 = tpu.vector_load_idx %arg13[%gather3A_637] : memref<256xf32, #tpu.memory_space<vmem>>[vector<16xi32>], vector<16xf32>,
        %ge3A_639 = arith.cmpf oge, %sub3A_630, %gather3A_638 : vector<16xf32>
        %jit3A_640 = arith.constant 16 : i32
        %jit3A_641 = arith.constant 0 : i32
        %broadcast_in_dim3A_642 = vector.broadcast %jit3A_640 : i32 to vector<16xi32>
        %broadcast_in_dim3A_643 = vector.broadcast %jit3A_641 : i32 to vector<16xi32>
        %select_n3A_644 = arith.select %ge3A_639, %broadcast_in_dim3A_642, %broadcast_in_dim3A_643 : vector<16xi1>, vector<16xi32>
        %add3A_645 = arith.addi %gather3A_637, %select_n3A_644 : vector<16xi32>
        %bitcast_convert_type3A_646 = tpu.bitcast %abs3A_632 : vector<16xf32> -> vector<16xi32>
        %shift_right_logical3A_647 = arith.constant 19 : i32
        %shift_right_logical3A_648 = vector.broadcast %shift_right_logical3A_647 : i32 to vector<16xi32>
        %shift_right_logical3A_649 = arith.shrui %bitcast_convert_type3A_646, %shift_right_logical3A_648 : vector<16xi32>
        %gather3A_650 = tpu.vector_load_idx %arg16[%shift_right_logical3A_649] : memref<4096xi32, #tpu.memory_space<vmem>>[vector<16xi32>], vector<16xi32>,
        %gather3A_651 = tpu.vector_load_idx %arg14[%gather3A_650] : memref<8192xf32, #tpu.memory_space<vmem>>[vector<16xi32>], vector<16xf32>,
        %ge3A_652 = arith.cmpf oge, %abs3A_632, %gather3A_651 : vector<16xf32>
        %jit3A_653 = arith.constant 256 : i32
        %jit3A_654 = arith.constant 0 : i32
        %broadcast_in_dim3A_655 = vector.broadcast %jit3A_653 : i32 to vector<16xi32>
        %broadcast_in_dim3A_656 = vector.broadcast %jit3A_654 : i32 to vector<16xi32>
        %select_n3A_657 = arith.select %ge3A_652, %broadcast_in_dim3A_655, %broadcast_in_dim3A_656 : vector<16xi1>, vector<16xi32>
        %add3A_658 = arith.addi %gather3A_650, %select_n3A_657 : vector<16xi32>
        %add3A_659 = arith.addi %add3A_658, %add3A_645 : vector<16xi32>
        %add3A_660 = arith.addi %add3A_659, %iota3A : vector<16xi32>
        %add3A_661 = arith.constant 2 : i32
        %add3A_662 = arith.addi %mul3A_173, %add3A_661 : i32
        %gt3A_663 = vector.broadcast %add3A_662 : i32 to vector<16xi32>
        %gt3A_664 = arith.cmpi sgt, %add3A_559, %gt3A_663 : vector<16xi32>
        tpu.vector_store_idx %arg10[%add3A_660], %broadcast_in_dim3A_6 masked %gt3A_664 {add = true} : memref<6144xf32, #tpu.memory_space<vmem>>[vector<16xi32>], vector<16xf32>, vector<16xi1>
        %sub3A_665 = arith.subf %get3A_555, %gather3A_190 : vector<16xf32>
        %sub3A_666 = arith.subf %get3A_557, %gather3A_222 : vector<16xf32>
        %abs3A_667 = math.absf %sub3A_666 : vector<16xf32>
        %bitcast_convert_type3A_668 = tpu.bitcast %sub3A_665 : vector<16xf32> -> vector<16xi32>
        %shift_right_logical3A_669 = arith.constant 19 : i32
        %shift_right_logical3A_670 = vector.broadcast %shift_right_logical3A_669 : i32 to vector<16xi32>
        %shift_right_logical3A_671 = arith.shrui %bitcast_convert_type3A_668, %shift_right_logical3A_670 : vector<16xi32>
        %gather3A_672 = tpu.vector_load_idx %arg15[%shift_right_logical3A_671] : memref<8192xi32, #tpu.memory_space<vmem>>[vector<16xi32>], vector<16xi32>,
        %gather3A_673 = tpu.vector_load_idx %arg13[%gather3A_672] : memref<256xf32, #tpu.memory_space<vmem>>[vector<16xi32>], vector<16xf32>,
        %ge3A_674 = arith.cmpf oge, %sub3A_665, %gather3A_673 : vector<16xf32>
        %jit3A_675 = arith.constant 16 : i32
        %jit3A_676 = arith.constant 0 : i32
        %broadcast_in_dim3A_677 = vector.broadcast %jit3A_675 : i32 to vector<16xi32>
        %broadcast_in_dim3A_678 = vector.broadcast %jit3A_676 : i32 to vector<16xi32>
        %select_n3A_679 = arith.select %ge3A_674, %broadcast_in_dim3A_677, %broadcast_in_dim3A_678 : vector<16xi1>, vector<16xi32>
        %add3A_680 = arith.addi %gather3A_672, %select_n3A_679 : vector<16xi32>
        %bitcast_convert_type3A_681 = tpu.bitcast %abs3A_667 : vector<16xf32> -> vector<16xi32>
        %shift_right_logical3A_682 = arith.constant 19 : i32
        %shift_right_logical3A_683 = vector.broadcast %shift_right_logical3A_682 : i32 to vector<16xi32>
        %shift_right_logical3A_684 = arith.shrui %bitcast_convert_type3A_681, %shift_right_logical3A_683 : vector<16xi32>
        %gather3A_685 = tpu.vector_load_idx %arg16[%shift_right_logical3A_684] : memref<4096xi32, #tpu.memory_space<vmem>>[vector<16xi32>], vector<16xi32>,
        %gather3A_686 = tpu.vector_load_idx %arg14[%gather3A_685] : memref<8192xf32, #tpu.memory_space<vmem>>[vector<16xi32>], vector<16xf32>,
        %ge3A_687 = arith.cmpf oge, %abs3A_667, %gather3A_686 : vector<16xf32>
        %jit3A_688 = arith.constant 256 : i32
        %jit3A_689 = arith.constant 0 : i32
        %broadcast_in_dim3A_690 = vector.broadcast %jit3A_688 : i32 to vector<16xi32>
        %broadcast_in_dim3A_691 = vector.broadcast %jit3A_689 : i32 to vector<16xi32>
        %select_n3A_692 = arith.select %ge3A_687, %broadcast_in_dim3A_690, %broadcast_in_dim3A_691 : vector<16xi1>, vector<16xi32>
        %add3A_693 = arith.addi %gather3A_685, %select_n3A_692 : vector<16xi32>
        %add3A_694 = arith.addi %add3A_693, %add3A_680 : vector<16xi32>
        %add3A_695 = arith.addi %add3A_694, %iota3A : vector<16xi32>
        %add3A_696 = arith.constant 3 : i32
        %add3A_697 = arith.addi %mul3A_173, %add3A_696 : i32
        %gt3A_698 = vector.broadcast %add3A_697 : i32 to vector<16xi32>
        %gt3A_699 = arith.cmpi sgt, %add3A_559, %gt3A_698 : vector<16xi32>
        tpu.vector_store_idx %arg10[%add3A_695], %broadcast_in_dim3A_6 masked %gt3A_699 {add = true} : memref<6144xf32, #tpu.memory_space<vmem>>[vector<16xi32>], vector<16xf32>, vector<16xi1>
        %sub3A_700 = arith.subf %get3A_555, %gather3A_194 : vector<16xf32>
        %sub3A_701 = arith.subf %get3A_557, %gather3A_226 : vector<16xf32>
        %abs3A_702 = math.absf %sub3A_701 : vector<16xf32>
        %bitcast_convert_type3A_703 = tpu.bitcast %sub3A_700 : vector<16xf32> -> vector<16xi32>
        %shift_right_logical3A_704 = arith.constant 19 : i32
        %shift_right_logical3A_705 = vector.broadcast %shift_right_logical3A_704 : i32 to vector<16xi32>
        %shift_right_logical3A_706 = arith.shrui %bitcast_convert_type3A_703, %shift_right_logical3A_705 : vector<16xi32>
        %gather3A_707 = tpu.vector_load_idx %arg15[%shift_right_logical3A_706] : memref<8192xi32, #tpu.memory_space<vmem>>[vector<16xi32>], vector<16xi32>,
        %gather3A_708 = tpu.vector_load_idx %arg13[%gather3A_707] : memref<256xf32, #tpu.memory_space<vmem>>[vector<16xi32>], vector<16xf32>,
        %ge3A_709 = arith.cmpf oge, %sub3A_700, %gather3A_708 : vector<16xf32>
        %jit3A_710 = arith.constant 16 : i32
        %jit3A_711 = arith.constant 0 : i32
        %broadcast_in_dim3A_712 = vector.broadcast %jit3A_710 : i32 to vector<16xi32>
        %broadcast_in_dim3A_713 = vector.broadcast %jit3A_711 : i32 to vector<16xi32>
        %select_n3A_714 = arith.select %ge3A_709, %broadcast_in_dim3A_712, %broadcast_in_dim3A_713 : vector<16xi1>, vector<16xi32>
        %add3A_715 = arith.addi %gather3A_707, %select_n3A_714 : vector<16xi32>
        %bitcast_convert_type3A_716 = tpu.bitcast %abs3A_702 : vector<16xf32> -> vector<16xi32>
        %shift_right_logical3A_717 = arith.constant 19 : i32
        %shift_right_logical3A_718 = vector.broadcast %shift_right_logical3A_717 : i32 to vector<16xi32>
        %shift_right_logical3A_719 = arith.shrui %bitcast_convert_type3A_716, %shift_right_logical3A_718 : vector<16xi32>
        %gather3A_720 = tpu.vector_load_idx %arg16[%shift_right_logical3A_719] : memref<4096xi32, #tpu.memory_space<vmem>>[vector<16xi32>], vector<16xi32>,
        %gather3A_721 = tpu.vector_load_idx %arg14[%gather3A_720] : memref<8192xf32, #tpu.memory_space<vmem>>[vector<16xi32>], vector<16xf32>,
        %ge3A_722 = arith.cmpf oge, %abs3A_702, %gather3A_721 : vector<16xf32>
        %jit3A_723 = arith.constant 256 : i32
        %jit3A_724 = arith.constant 0 : i32
        %broadcast_in_dim3A_725 = vector.broadcast %jit3A_723 : i32 to vector<16xi32>
        %broadcast_in_dim3A_726 = vector.broadcast %jit3A_724 : i32 to vector<16xi32>
        %select_n3A_727 = arith.select %ge3A_722, %broadcast_in_dim3A_725, %broadcast_in_dim3A_726 : vector<16xi1>, vector<16xi32>
        %add3A_728 = arith.addi %gather3A_720, %select_n3A_727 : vector<16xi32>
        %add3A_729 = arith.addi %add3A_728, %add3A_715 : vector<16xi32>
        %add3A_730 = arith.addi %add3A_729, %iota3A : vector<16xi32>
        %add3A_731 = arith.constant 4 : i32
        %add3A_732 = arith.addi %mul3A_173, %add3A_731 : i32
        %gt3A_733 = vector.broadcast %add3A_732 : i32 to vector<16xi32>
        %gt3A_734 = arith.cmpi sgt, %add3A_559, %gt3A_733 : vector<16xi32>
        tpu.vector_store_idx %arg10[%add3A_730], %broadcast_in_dim3A_6 masked %gt3A_734 {add = true} : memref<6144xf32, #tpu.memory_space<vmem>>[vector<16xi32>], vector<16xf32>, vector<16xi1>
        %sub3A_735 = arith.subf %get3A_555, %gather3A_198 : vector<16xf32>
        %sub3A_736 = arith.subf %get3A_557, %gather3A_230 : vector<16xf32>
        %abs3A_737 = math.absf %sub3A_736 : vector<16xf32>
        %bitcast_convert_type3A_738 = tpu.bitcast %sub3A_735 : vector<16xf32> -> vector<16xi32>
        %shift_right_logical3A_739 = arith.constant 19 : i32
        %shift_right_logical3A_740 = vector.broadcast %shift_right_logical3A_739 : i32 to vector<16xi32>
        %shift_right_logical3A_741 = arith.shrui %bitcast_convert_type3A_738, %shift_right_logical3A_740 : vector<16xi32>
        %gather3A_742 = tpu.vector_load_idx %arg15[%shift_right_logical3A_741] : memref<8192xi32, #tpu.memory_space<vmem>>[vector<16xi32>], vector<16xi32>,
        %gather3A_743 = tpu.vector_load_idx %arg13[%gather3A_742] : memref<256xf32, #tpu.memory_space<vmem>>[vector<16xi32>], vector<16xf32>,
        %ge3A_744 = arith.cmpf oge, %sub3A_735, %gather3A_743 : vector<16xf32>
        %jit3A_745 = arith.constant 16 : i32
        %jit3A_746 = arith.constant 0 : i32
        %broadcast_in_dim3A_747 = vector.broadcast %jit3A_745 : i32 to vector<16xi32>
        %broadcast_in_dim3A_748 = vector.broadcast %jit3A_746 : i32 to vector<16xi32>
        %select_n3A_749 = arith.select %ge3A_744, %broadcast_in_dim3A_747, %broadcast_in_dim3A_748 : vector<16xi1>, vector<16xi32>
        %add3A_750 = arith.addi %gather3A_742, %select_n3A_749 : vector<16xi32>
        %bitcast_convert_type3A_751 = tpu.bitcast %abs3A_737 : vector<16xf32> -> vector<16xi32>
        %shift_right_logical3A_752 = arith.constant 19 : i32
        %shift_right_logical3A_753 = vector.broadcast %shift_right_logical3A_752 : i32 to vector<16xi32>
        %shift_right_logical3A_754 = arith.shrui %bitcast_convert_type3A_751, %shift_right_logical3A_753 : vector<16xi32>
        %gather3A_755 = tpu.vector_load_idx %arg16[%shift_right_logical3A_754] : memref<4096xi32, #tpu.memory_space<vmem>>[vector<16xi32>], vector<16xi32>,
        %gather3A_756 = tpu.vector_load_idx %arg14[%gather3A_755] : memref<8192xf32, #tpu.memory_space<vmem>>[vector<16xi32>], vector<16xf32>,
        %ge3A_757 = arith.cmpf oge, %abs3A_737, %gather3A_756 : vector<16xf32>
        %jit3A_758 = arith.constant 256 : i32
        %jit3A_759 = arith.constant 0 : i32
        %broadcast_in_dim3A_760 = vector.broadcast %jit3A_758 : i32 to vector<16xi32>
        %broadcast_in_dim3A_761 = vector.broadcast %jit3A_759 : i32 to vector<16xi32>
        %select_n3A_762 = arith.select %ge3A_757, %broadcast_in_dim3A_760, %broadcast_in_dim3A_761 : vector<16xi1>, vector<16xi32>
        %add3A_763 = arith.addi %gather3A_755, %select_n3A_762 : vector<16xi32>
        %add3A_764 = arith.addi %add3A_763, %add3A_750 : vector<16xi32>
        %add3A_765 = arith.addi %add3A_764, %iota3A : vector<16xi32>
        %add3A_766 = arith.constant 5 : i32
        %add3A_767 = arith.addi %mul3A_173, %add3A_766 : i32
        %gt3A_768 = vector.broadcast %add3A_767 : i32 to vector<16xi32>
        %gt3A_769 = arith.cmpi sgt, %add3A_559, %gt3A_768 : vector<16xi32>
        tpu.vector_store_idx %arg10[%add3A_765], %broadcast_in_dim3A_6 masked %gt3A_769 {add = true} : memref<6144xf32, #tpu.memory_space<vmem>>[vector<16xi32>], vector<16xf32>, vector<16xi1>
        %sub3A_770 = arith.subf %get3A_555, %gather3A_202 : vector<16xf32>
        %sub3A_771 = arith.subf %get3A_557, %gather3A_234 : vector<16xf32>
        %abs3A_772 = math.absf %sub3A_771 : vector<16xf32>
        %bitcast_convert_type3A_773 = tpu.bitcast %sub3A_770 : vector<16xf32> -> vector<16xi32>
        %shift_right_logical3A_774 = arith.constant 19 : i32
        %shift_right_logical3A_775 = vector.broadcast %shift_right_logical3A_774 : i32 to vector<16xi32>
        %shift_right_logical3A_776 = arith.shrui %bitcast_convert_type3A_773, %shift_right_logical3A_775 : vector<16xi32>
        %gather3A_777 = tpu.vector_load_idx %arg15[%shift_right_logical3A_776] : memref<8192xi32, #tpu.memory_space<vmem>>[vector<16xi32>], vector<16xi32>,
        %gather3A_778 = tpu.vector_load_idx %arg13[%gather3A_777] : memref<256xf32, #tpu.memory_space<vmem>>[vector<16xi32>], vector<16xf32>,
        %ge3A_779 = arith.cmpf oge, %sub3A_770, %gather3A_778 : vector<16xf32>
        %jit3A_780 = arith.constant 16 : i32
        %jit3A_781 = arith.constant 0 : i32
        %broadcast_in_dim3A_782 = vector.broadcast %jit3A_780 : i32 to vector<16xi32>
        %broadcast_in_dim3A_783 = vector.broadcast %jit3A_781 : i32 to vector<16xi32>
        %select_n3A_784 = arith.select %ge3A_779, %broadcast_in_dim3A_782, %broadcast_in_dim3A_783 : vector<16xi1>, vector<16xi32>
        %add3A_785 = arith.addi %gather3A_777, %select_n3A_784 : vector<16xi32>
        %bitcast_convert_type3A_786 = tpu.bitcast %abs3A_772 : vector<16xf32> -> vector<16xi32>
        %shift_right_logical3A_787 = arith.constant 19 : i32
        %shift_right_logical3A_788 = vector.broadcast %shift_right_logical3A_787 : i32 to vector<16xi32>
        %shift_right_logical3A_789 = arith.shrui %bitcast_convert_type3A_786, %shift_right_logical3A_788 : vector<16xi32>
        %gather3A_790 = tpu.vector_load_idx %arg16[%shift_right_logical3A_789] : memref<4096xi32, #tpu.memory_space<vmem>>[vector<16xi32>], vector<16xi32>,
        %gather3A_791 = tpu.vector_load_idx %arg14[%gather3A_790] : memref<8192xf32, #tpu.memory_space<vmem>>[vector<16xi32>], vector<16xf32>,
        %ge3A_792 = arith.cmpf oge, %abs3A_772, %gather3A_791 : vector<16xf32>
        %jit3A_793 = arith.constant 256 : i32
        %jit3A_794 = arith.constant 0 : i32
        %broadcast_in_dim3A_795 = vector.broadcast %jit3A_793 : i32 to vector<16xi32>
        %broadcast_in_dim3A_796 = vector.broadcast %jit3A_794 : i32 to vector<16xi32>
        %select_n3A_797 = arith.select %ge3A_792, %broadcast_in_dim3A_795, %broadcast_in_dim3A_796 : vector<16xi1>, vector<16xi32>
        %add3A_798 = arith.addi %gather3A_790, %select_n3A_797 : vector<16xi32>
        %add3A_799 = arith.addi %add3A_798, %add3A_785 : vector<16xi32>
        %add3A_800 = arith.addi %add3A_799, %iota3A : vector<16xi32>
        %add3A_801 = arith.constant 6 : i32
        %add3A_802 = arith.addi %mul3A_173, %add3A_801 : i32
        %gt3A_803 = vector.broadcast %add3A_802 : i32 to vector<16xi32>
        %gt3A_804 = arith.cmpi sgt, %add3A_559, %gt3A_803 : vector<16xi32>
        tpu.vector_store_idx %arg10[%add3A_800], %broadcast_in_dim3A_6 masked %gt3A_804 {add = true} : memref<6144xf32, #tpu.memory_space<vmem>>[vector<16xi32>], vector<16xf32>, vector<16xi1>
        %sub3A_805 = arith.subf %get3A_555, %gather3A_206 : vector<16xf32>
        %sub3A_806 = arith.subf %get3A_557, %gather3A_238 : vector<16xf32>
        %abs3A_807 = math.absf %sub3A_806 : vector<16xf32>
        %bitcast_convert_type3A_808 = tpu.bitcast %sub3A_805 : vector<16xf32> -> vector<16xi32>
        %shift_right_logical3A_809 = arith.constant 19 : i32
        %shift_right_logical3A_810 = vector.broadcast %shift_right_logical3A_809 : i32 to vector<16xi32>
        %shift_right_logical3A_811 = arith.shrui %bitcast_convert_type3A_808, %shift_right_logical3A_810 : vector<16xi32>
        %gather3A_812 = tpu.vector_load_idx %arg15[%shift_right_logical3A_811] : memref<8192xi32, #tpu.memory_space<vmem>>[vector<16xi32>], vector<16xi32>,
        %gather3A_813 = tpu.vector_load_idx %arg13[%gather3A_812] : memref<256xf32, #tpu.memory_space<vmem>>[vector<16xi32>], vector<16xf32>,
        %ge3A_814 = arith.cmpf oge, %sub3A_805, %gather3A_813 : vector<16xf32>
        %jit3A_815 = arith.constant 16 : i32
        %jit3A_816 = arith.constant 0 : i32
        %broadcast_in_dim3A_817 = vector.broadcast %jit3A_815 : i32 to vector<16xi32>
        %broadcast_in_dim3A_818 = vector.broadcast %jit3A_816 : i32 to vector<16xi32>
        %select_n3A_819 = arith.select %ge3A_814, %broadcast_in_dim3A_817, %broadcast_in_dim3A_818 : vector<16xi1>, vector<16xi32>
        %add3A_820 = arith.addi %gather3A_812, %select_n3A_819 : vector<16xi32>
        %bitcast_convert_type3A_821 = tpu.bitcast %abs3A_807 : vector<16xf32> -> vector<16xi32>
        %shift_right_logical3A_822 = arith.constant 19 : i32
        %shift_right_logical3A_823 = vector.broadcast %shift_right_logical3A_822 : i32 to vector<16xi32>
        %shift_right_logical3A_824 = arith.shrui %bitcast_convert_type3A_821, %shift_right_logical3A_823 : vector<16xi32>
        %gather3A_825 = tpu.vector_load_idx %arg16[%shift_right_logical3A_824] : memref<4096xi32, #tpu.memory_space<vmem>>[vector<16xi32>], vector<16xi32>,
        %gather3A_826 = tpu.vector_load_idx %arg14[%gather3A_825] : memref<8192xf32, #tpu.memory_space<vmem>>[vector<16xi32>], vector<16xf32>,
        %ge3A_827 = arith.cmpf oge, %abs3A_807, %gather3A_826 : vector<16xf32>
        %jit3A_828 = arith.constant 256 : i32
        %jit3A_829 = arith.constant 0 : i32
        %broadcast_in_dim3A_830 = vector.broadcast %jit3A_828 : i32 to vector<16xi32>
        %broadcast_in_dim3A_831 = vector.broadcast %jit3A_829 : i32 to vector<16xi32>
        %select_n3A_832 = arith.select %ge3A_827, %broadcast_in_dim3A_830, %broadcast_in_dim3A_831 : vector<16xi1>, vector<16xi32>
        %add3A_833 = arith.addi %gather3A_825, %select_n3A_832 : vector<16xi32>
        %add3A_834 = arith.addi %add3A_833, %add3A_820 : vector<16xi32>
        %add3A_835 = arith.addi %add3A_834, %iota3A : vector<16xi32>
        %add3A_836 = arith.constant 7 : i32
        %add3A_837 = arith.addi %mul3A_173, %add3A_836 : i32
        %gt3A_838 = vector.broadcast %add3A_837 : i32 to vector<16xi32>
        %gt3A_839 = arith.cmpi sgt, %add3A_559, %gt3A_838 : vector<16xi32>
        tpu.vector_store_idx %arg10[%add3A_835], %broadcast_in_dim3A_6 masked %gt3A_839 {add = true} : memref<6144xf32, #tpu.memory_space<vmem>>[vector<16xi32>], vector<16xf32>, vector<16xi1>
        %parallel_loop3A = arith.constant 32 : i32
        %parallel_loop3A_840 = arith.constant 1 : i32
        scf.for %parallel_loop3A_842 = %max3A_263 to %parallel_loop3A step %parallel_loop3A_840  : i32 {
          %parallel_loop3A_843 = arith.constant 16 : i32
          %parallel_loop3A_844 = arith.muli %parallel_loop3A_842, %parallel_loop3A_843 : i32
          %parallel_loop3A_845 = arith.index_cast %parallel_loop3A_844 : i32 to index
          %parallel_loop3A_846 = tpu.vector_load %arg8[%parallel_loop3A_845] {strides = array<i32>} : memref<512xf32, #tpu.memory_space<vmem>>, vector<16xf32>,
          %parallel_loop3A_847 = arith.index_cast %parallel_loop3A_844 : i32 to index
          %parallel_loop3A_848 = tpu.vector_load %arg9[%parallel_loop3A_847] {strides = array<i32>} : memref<512xf32, #tpu.memory_space<vmem>>, vector<16xf32>,
          %parallel_loop3A_849 = arith.subf %parallel_loop3A_846, %gather3A_178 : vector<16xf32>
          %parallel_loop3A_850 = arith.subf %parallel_loop3A_848, %gather3A_210 : vector<16xf32>
          %parallel_loop3A_851 = math.absf %parallel_loop3A_850 : vector<16xf32>
          %parallel_loop3A_852 = tpu.bitcast %parallel_loop3A_849 : vector<16xf32> -> vector<16xi32>
          %parallel_loop3A_853 = arith.constant 19 : i32
          %parallel_loop3A_854 = vector.broadcast %parallel_loop3A_853 : i32 to vector<16xi32>
          %parallel_loop3A_855 = arith.shrui %parallel_loop3A_852, %parallel_loop3A_854 : vector<16xi32>
          %parallel_loop3A_856 = tpu.vector_load_idx %arg15[%parallel_loop3A_855] : memref<8192xi32, #tpu.memory_space<vmem>>[vector<16xi32>], vector<16xi32>,
          %parallel_loop3A_857 = tpu.vector_load_idx %arg13[%parallel_loop3A_856] : memref<256xf32, #tpu.memory_space<vmem>>[vector<16xi32>], vector<16xf32>,
          %parallel_loop3A_858 = arith.cmpf oge, %parallel_loop3A_849, %parallel_loop3A_857 : vector<16xf32>
          %parallel_loop3A_859 = arith.constant 16 : i32
          %parallel_loop3A_860 = arith.constant 0 : i32
          %parallel_loop3A_861 = vector.broadcast %parallel_loop3A_859 : i32 to vector<16xi32>
          %parallel_loop3A_862 = vector.broadcast %parallel_loop3A_860 : i32 to vector<16xi32>
          %parallel_loop3A_863 = arith.select %parallel_loop3A_858, %parallel_loop3A_861, %parallel_loop3A_862 : vector<16xi1>, vector<16xi32>
          %parallel_loop3A_864 = arith.addi %parallel_loop3A_856, %parallel_loop3A_863 : vector<16xi32>
          %parallel_loop3A_865 = tpu.bitcast %parallel_loop3A_851 : vector<16xf32> -> vector<16xi32>
          %parallel_loop3A_866 = arith.constant 19 : i32
          %parallel_loop3A_867 = vector.broadcast %parallel_loop3A_866 : i32 to vector<16xi32>
          %parallel_loop3A_868 = arith.shrui %parallel_loop3A_865, %parallel_loop3A_867 : vector<16xi32>
          %parallel_loop3A_869 = tpu.vector_load_idx %arg16[%parallel_loop3A_868] : memref<4096xi32, #tpu.memory_space<vmem>>[vector<16xi32>], vector<16xi32>,
          %parallel_loop3A_870 = tpu.vector_load_idx %arg14[%parallel_loop3A_869] : memref<8192xf32, #tpu.memory_space<vmem>>[vector<16xi32>], vector<16xf32>,
          %parallel_loop3A_871 = arith.cmpf oge, %parallel_loop3A_851, %parallel_loop3A_870 : vector<16xf32>
          %parallel_loop3A_872 = arith.constant 256 : i32
          %parallel_loop3A_873 = arith.constant 0 : i32
          %parallel_loop3A_874 = vector.broadcast %parallel_loop3A_872 : i32 to vector<16xi32>
          %parallel_loop3A_875 = vector.broadcast %parallel_loop3A_873 : i32 to vector<16xi32>
          %parallel_loop3A_876 = arith.select %parallel_loop3A_871, %parallel_loop3A_874, %parallel_loop3A_875 : vector<16xi1>, vector<16xi32>
          %parallel_loop3A_877 = arith.addi %parallel_loop3A_869, %parallel_loop3A_876 : vector<16xi32>
          %parallel_loop3A_878 = arith.addi %parallel_loop3A_877, %parallel_loop3A_864 : vector<16xi32>
          %parallel_loop3A_879 = arith.addi %parallel_loop3A_878, %iota3A : vector<16xi32>
          tpu.vector_store_idx %arg10[%parallel_loop3A_879], %broadcast_in_dim3A_6 {add = true} : memref<6144xf32, #tpu.memory_space<vmem>>[vector<16xi32>], vector<16xf32>,
          %parallel_loop3A_880 = arith.subf %parallel_loop3A_846, %gather3A_182 : vector<16xf32>
          %parallel_loop3A_881 = arith.subf %parallel_loop3A_848, %gather3A_214 : vector<16xf32>
          %parallel_loop3A_882 = math.absf %parallel_loop3A_881 : vector<16xf32>
          %parallel_loop3A_883 = tpu.bitcast %parallel_loop3A_880 : vector<16xf32> -> vector<16xi32>
          %parallel_loop3A_884 = arith.constant 19 : i32
          %parallel_loop3A_885 = vector.broadcast %parallel_loop3A_884 : i32 to vector<16xi32>
          %parallel_loop3A_886 = arith.shrui %parallel_loop3A_883, %parallel_loop3A_885 : vector<16xi32>
          %parallel_loop3A_887 = tpu.vector_load_idx %arg15[%parallel_loop3A_886] : memref<8192xi32, #tpu.memory_space<vmem>>[vector<16xi32>], vector<16xi32>,
          %parallel_loop3A_888 = tpu.vector_load_idx %arg13[%parallel_loop3A_887] : memref<256xf32, #tpu.memory_space<vmem>>[vector<16xi32>], vector<16xf32>,
          %parallel_loop3A_889 = arith.cmpf oge, %parallel_loop3A_880, %parallel_loop3A_888 : vector<16xf32>
          %parallel_loop3A_890 = arith.constant 16 : i32
          %parallel_loop3A_891 = arith.constant 0 : i32
          %parallel_loop3A_892 = vector.broadcast %parallel_loop3A_890 : i32 to vector<16xi32>
          %parallel_loop3A_893 = vector.broadcast %parallel_loop3A_891 : i32 to vector<16xi32>
          %parallel_loop3A_894 = arith.select %parallel_loop3A_889, %parallel_loop3A_892, %parallel_loop3A_893 : vector<16xi1>, vector<16xi32>
          %parallel_loop3A_895 = arith.addi %parallel_loop3A_887, %parallel_loop3A_894 : vector<16xi32>
          %parallel_loop3A_896 = tpu.bitcast %parallel_loop3A_882 : vector<16xf32> -> vector<16xi32>
          %parallel_loop3A_897 = arith.constant 19 : i32
          %parallel_loop3A_898 = vector.broadcast %parallel_loop3A_897 : i32 to vector<16xi32>
          %parallel_loop3A_899 = arith.shrui %parallel_loop3A_896, %parallel_loop3A_898 : vector<16xi32>
          %parallel_loop3A_900 = tpu.vector_load_idx %arg16[%parallel_loop3A_899] : memref<4096xi32, #tpu.memory_space<vmem>>[vector<16xi32>], vector<16xi32>,
          %parallel_loop3A_901 = tpu.vector_load_idx %arg14[%parallel_loop3A_900] : memref<8192xf32, #tpu.memory_space<vmem>>[vector<16xi32>], vector<16xf32>,
          %parallel_loop3A_902 = arith.cmpf oge, %parallel_loop3A_882, %parallel_loop3A_901 : vector<16xf32>
          %parallel_loop3A_903 = arith.constant 256 : i32
          %parallel_loop3A_904 = arith.constant 0 : i32
          %parallel_loop3A_905 = vector.broadcast %parallel_loop3A_903 : i32 to vector<16xi32>
          %parallel_loop3A_906 = vector.broadcast %parallel_loop3A_904 : i32 to vector<16xi32>
          %parallel_loop3A_907 = arith.select %parallel_loop3A_902, %parallel_loop3A_905, %parallel_loop3A_906 : vector<16xi1>, vector<16xi32>
          %parallel_loop3A_908 = arith.addi %parallel_loop3A_900, %parallel_loop3A_907 : vector<16xi32>
          %parallel_loop3A_909 = arith.addi %parallel_loop3A_908, %parallel_loop3A_895 : vector<16xi32>
          %parallel_loop3A_910 = arith.addi %parallel_loop3A_909, %iota3A : vector<16xi32>
          tpu.vector_store_idx %arg10[%parallel_loop3A_910], %broadcast_in_dim3A_6 {add = true} : memref<6144xf32, #tpu.memory_space<vmem>>[vector<16xi32>], vector<16xf32>,
          %parallel_loop3A_911 = arith.subf %parallel_loop3A_846, %gather3A_186 : vector<16xf32>
          %parallel_loop3A_912 = arith.subf %parallel_loop3A_848, %gather3A_218 : vector<16xf32>
          %parallel_loop3A_913 = math.absf %parallel_loop3A_912 : vector<16xf32>
          %parallel_loop3A_914 = tpu.bitcast %parallel_loop3A_911 : vector<16xf32> -> vector<16xi32>
          %parallel_loop3A_915 = arith.constant 19 : i32
          %parallel_loop3A_916 = vector.broadcast %parallel_loop3A_915 : i32 to vector<16xi32>
          %parallel_loop3A_917 = arith.shrui %parallel_loop3A_914, %parallel_loop3A_916 : vector<16xi32>
          %parallel_loop3A_918 = tpu.vector_load_idx %arg15[%parallel_loop3A_917] : memref<8192xi32, #tpu.memory_space<vmem>>[vector<16xi32>], vector<16xi32>,
          %parallel_loop3A_919 = tpu.vector_load_idx %arg13[%parallel_loop3A_918] : memref<256xf32, #tpu.memory_space<vmem>>[vector<16xi32>], vector<16xf32>,
          %parallel_loop3A_920 = arith.cmpf oge, %parallel_loop3A_911, %parallel_loop3A_919 : vector<16xf32>
          %parallel_loop3A_921 = arith.constant 16 : i32
          %parallel_loop3A_922 = arith.constant 0 : i32
          %parallel_loop3A_923 = vector.broadcast %parallel_loop3A_921 : i32 to vector<16xi32>
          %parallel_loop3A_924 = vector.broadcast %parallel_loop3A_922 : i32 to vector<16xi32>
          %parallel_loop3A_925 = arith.select %parallel_loop3A_920, %parallel_loop3A_923, %parallel_loop3A_924 : vector<16xi1>, vector<16xi32>
          %parallel_loop3A_926 = arith.addi %parallel_loop3A_918, %parallel_loop3A_925 : vector<16xi32>
          %parallel_loop3A_927 = tpu.bitcast %parallel_loop3A_913 : vector<16xf32> -> vector<16xi32>
          %parallel_loop3A_928 = arith.constant 19 : i32
          %parallel_loop3A_929 = vector.broadcast %parallel_loop3A_928 : i32 to vector<16xi32>
          %parallel_loop3A_930 = arith.shrui %parallel_loop3A_927, %parallel_loop3A_929 : vector<16xi32>
          %parallel_loop3A_931 = tpu.vector_load_idx %arg16[%parallel_loop3A_930] : memref<4096xi32, #tpu.memory_space<vmem>>[vector<16xi32>], vector<16xi32>,
          %parallel_loop3A_932 = tpu.vector_load_idx %arg14[%parallel_loop3A_931] : memref<8192xf32, #tpu.memory_space<vmem>>[vector<16xi32>], vector<16xf32>,
          %parallel_loop3A_933 = arith.cmpf oge, %parallel_loop3A_913, %parallel_loop3A_932 : vector<16xf32>
          %parallel_loop3A_934 = arith.constant 256 : i32
          %parallel_loop3A_935 = arith.constant 0 : i32
          %parallel_loop3A_936 = vector.broadcast %parallel_loop3A_934 : i32 to vector<16xi32>
          %parallel_loop3A_937 = vector.broadcast %parallel_loop3A_935 : i32 to vector<16xi32>
          %parallel_loop3A_938 = arith.select %parallel_loop3A_933, %parallel_loop3A_936, %parallel_loop3A_937 : vector<16xi1>, vector<16xi32>
          %parallel_loop3A_939 = arith.addi %parallel_loop3A_931, %parallel_loop3A_938 : vector<16xi32>
          %parallel_loop3A_940 = arith.addi %parallel_loop3A_939, %parallel_loop3A_926 : vector<16xi32>
          %parallel_loop3A_941 = arith.addi %parallel_loop3A_940, %iota3A : vector<16xi32>
          tpu.vector_store_idx %arg10[%parallel_loop3A_941], %broadcast_in_dim3A_6 {add = true} : memref<6144xf32, #tpu.memory_space<vmem>>[vector<16xi32>], vector<16xf32>,
          %parallel_loop3A_942 = arith.subf %parallel_loop3A_846, %gather3A_190 : vector<16xf32>
          %parallel_loop3A_943 = arith.subf %parallel_loop3A_848, %gather3A_222 : vector<16xf32>
          %parallel_loop3A_944 = math.absf %parallel_loop3A_943 : vector<16xf32>
          %parallel_loop3A_945 = tpu.bitcast %parallel_loop3A_942 : vector<16xf32> -> vector<16xi32>
          %parallel_loop3A_946 = arith.constant 19 : i32
          %parallel_loop3A_947 = vector.broadcast %parallel_loop3A_946 : i32 to vector<16xi32>
          %parallel_loop3A_948 = arith.shrui %parallel_loop3A_945, %parallel_loop3A_947 : vector<16xi32>
          %parallel_loop3A_949 = tpu.vector_load_idx %arg15[%parallel_loop3A_948] : memref<8192xi32, #tpu.memory_space<vmem>>[vector<16xi32>], vector<16xi32>,
          %parallel_loop3A_950 = tpu.vector_load_idx %arg13[%parallel_loop3A_949] : memref<256xf32, #tpu.memory_space<vmem>>[vector<16xi32>], vector<16xf32>,
          %parallel_loop3A_951 = arith.cmpf oge, %parallel_loop3A_942, %parallel_loop3A_950 : vector<16xf32>
          %parallel_loop3A_952 = arith.constant 16 : i32
          %parallel_loop3A_953 = arith.constant 0 : i32
          %parallel_loop3A_954 = vector.broadcast %parallel_loop3A_952 : i32 to vector<16xi32>
          %parallel_loop3A_955 = vector.broadcast %parallel_loop3A_953 : i32 to vector<16xi32>
          %parallel_loop3A_956 = arith.select %parallel_loop3A_951, %parallel_loop3A_954, %parallel_loop3A_955 : vector<16xi1>, vector<16xi32>
          %parallel_loop3A_957 = arith.addi %parallel_loop3A_949, %parallel_loop3A_956 : vector<16xi32>
          %parallel_loop3A_958 = tpu.bitcast %parallel_loop3A_944 : vector<16xf32> -> vector<16xi32>
          %parallel_loop3A_959 = arith.constant 19 : i32
          %parallel_loop3A_960 = vector.broadcast %parallel_loop3A_959 : i32 to vector<16xi32>
          %parallel_loop3A_961 = arith.shrui %parallel_loop3A_958, %parallel_loop3A_960 : vector<16xi32>
          %parallel_loop3A_962 = tpu.vector_load_idx %arg16[%parallel_loop3A_961] : memref<4096xi32, #tpu.memory_space<vmem>>[vector<16xi32>], vector<16xi32>,
          %parallel_loop3A_963 = tpu.vector_load_idx %arg14[%parallel_loop3A_962] : memref<8192xf32, #tpu.memory_space<vmem>>[vector<16xi32>], vector<16xf32>,
          %parallel_loop3A_964 = arith.cmpf oge, %parallel_loop3A_944, %parallel_loop3A_963 : vector<16xf32>
          %parallel_loop3A_965 = arith.constant 256 : i32
          %parallel_loop3A_966 = arith.constant 0 : i32
          %parallel_loop3A_967 = vector.broadcast %parallel_loop3A_965 : i32 to vector<16xi32>
          %parallel_loop3A_968 = vector.broadcast %parallel_loop3A_966 : i32 to vector<16xi32>
          %parallel_loop3A_969 = arith.select %parallel_loop3A_964, %parallel_loop3A_967, %parallel_loop3A_968 : vector<16xi1>, vector<16xi32>
          %parallel_loop3A_970 = arith.addi %parallel_loop3A_962, %parallel_loop3A_969 : vector<16xi32>
          %parallel_loop3A_971 = arith.addi %parallel_loop3A_970, %parallel_loop3A_957 : vector<16xi32>
          %parallel_loop3A_972 = arith.addi %parallel_loop3A_971, %iota3A : vector<16xi32>
          tpu.vector_store_idx %arg10[%parallel_loop3A_972], %broadcast_in_dim3A_6 {add = true} : memref<6144xf32, #tpu.memory_space<vmem>>[vector<16xi32>], vector<16xf32>,
          %parallel_loop3A_973 = arith.subf %parallel_loop3A_846, %gather3A_194 : vector<16xf32>
          %parallel_loop3A_974 = arith.subf %parallel_loop3A_848, %gather3A_226 : vector<16xf32>
          %parallel_loop3A_975 = math.absf %parallel_loop3A_974 : vector<16xf32>
          %parallel_loop3A_976 = tpu.bitcast %parallel_loop3A_973 : vector<16xf32> -> vector<16xi32>
          %parallel_loop3A_977 = arith.constant 19 : i32
          %parallel_loop3A_978 = vector.broadcast %parallel_loop3A_977 : i32 to vector<16xi32>
          %parallel_loop3A_979 = arith.shrui %parallel_loop3A_976, %parallel_loop3A_978 : vector<16xi32>
          %parallel_loop3A_980 = tpu.vector_load_idx %arg15[%parallel_loop3A_979] : memref<8192xi32, #tpu.memory_space<vmem>>[vector<16xi32>], vector<16xi32>,
          %parallel_loop3A_981 = tpu.vector_load_idx %arg13[%parallel_loop3A_980] : memref<256xf32, #tpu.memory_space<vmem>>[vector<16xi32>], vector<16xf32>,
          %parallel_loop3A_982 = arith.cmpf oge, %parallel_loop3A_973, %parallel_loop3A_981 : vector<16xf32>
          %parallel_loop3A_983 = arith.constant 16 : i32
          %parallel_loop3A_984 = arith.constant 0 : i32
          %parallel_loop3A_985 = vector.broadcast %parallel_loop3A_983 : i32 to vector<16xi32>
          %parallel_loop3A_986 = vector.broadcast %parallel_loop3A_984 : i32 to vector<16xi32>
          %parallel_loop3A_987 = arith.select %parallel_loop3A_982, %parallel_loop3A_985, %parallel_loop3A_986 : vector<16xi1>, vector<16xi32>
          %parallel_loop3A_988 = arith.addi %parallel_loop3A_980, %parallel_loop3A_987 : vector<16xi32>
          %parallel_loop3A_989 = tpu.bitcast %parallel_loop3A_975 : vector<16xf32> -> vector<16xi32>
          %parallel_loop3A_990 = arith.constant 19 : i32
          %parallel_loop3A_991 = vector.broadcast %parallel_loop3A_990 : i32 to vector<16xi32>
          %parallel_loop3A_992 = arith.shrui %parallel_loop3A_989, %parallel_loop3A_991 : vector<16xi32>
          %parallel_loop3A_993 = tpu.vector_load_idx %arg16[%parallel_loop3A_992] : memref<4096xi32, #tpu.memory_space<vmem>>[vector<16xi32>], vector<16xi32>,
          %parallel_loop3A_994 = tpu.vector_load_idx %arg14[%parallel_loop3A_993] : memref<8192xf32, #tpu.memory_space<vmem>>[vector<16xi32>], vector<16xf32>,
          %parallel_loop3A_995 = arith.cmpf oge, %parallel_loop3A_975, %parallel_loop3A_994 : vector<16xf32>
          %parallel_loop3A_996 = arith.constant 256 : i32
          %parallel_loop3A_997 = arith.constant 0 : i32
          %parallel_loop3A_998 = vector.broadcast %parallel_loop3A_996 : i32 to vector<16xi32>
          %parallel_loop3A_999 = vector.broadcast %parallel_loop3A_997 : i32 to vector<16xi32>
          %parallel_loop3A_1000 = arith.select %parallel_loop3A_995, %parallel_loop3A_998, %parallel_loop3A_999 : vector<16xi1>, vector<16xi32>
          %parallel_loop3A_1001 = arith.addi %parallel_loop3A_993, %parallel_loop3A_1000 : vector<16xi32>
          %parallel_loop3A_1002 = arith.addi %parallel_loop3A_1001, %parallel_loop3A_988 : vector<16xi32>
          %parallel_loop3A_1003 = arith.addi %parallel_loop3A_1002, %iota3A : vector<16xi32>
          tpu.vector_store_idx %arg10[%parallel_loop3A_1003], %broadcast_in_dim3A_6 {add = true} : memref<6144xf32, #tpu.memory_space<vmem>>[vector<16xi32>], vector<16xf32>,
          %parallel_loop3A_1004 = arith.subf %parallel_loop3A_846, %gather3A_198 : vector<16xf32>
          %parallel_loop3A_1005 = arith.subf %parallel_loop3A_848, %gather3A_230 : vector<16xf32>
          %parallel_loop3A_1006 = math.absf %parallel_loop3A_1005 : vector<16xf32>
          %parallel_loop3A_1007 = tpu.bitcast %parallel_loop3A_1004 : vector<16xf32> -> vector<16xi32>
          %parallel_loop3A_1008 = arith.constant 19 : i32
          %parallel_loop3A_1009 = vector.broadcast %parallel_loop3A_1008 : i32 to vector<16xi32>
          %parallel_loop3A_1010 = arith.shrui %parallel_loop3A_1007, %parallel_loop3A_1009 : vector<16xi32>
          %parallel_loop3A_1011 = tpu.vector_load_idx %arg15[%parallel_loop3A_1010] : memref<8192xi32, #tpu.memory_space<vmem>>[vector<16xi32>], vector<16xi32>,
          %parallel_loop3A_1012 = tpu.vector_load_idx %arg13[%parallel_loop3A_1011] : memref<256xf32, #tpu.memory_space<vmem>>[vector<16xi32>], vector<16xf32>,
          %parallel_loop3A_1013 = arith.cmpf oge, %parallel_loop3A_1004, %parallel_loop3A_1012 : vector<16xf32>
          %parallel_loop3A_1014 = arith.constant 16 : i32
          %parallel_loop3A_1015 = arith.constant 0 : i32
          %parallel_loop3A_1016 = vector.broadcast %parallel_loop3A_1014 : i32 to vector<16xi32>
          %parallel_loop3A_1017 = vector.broadcast %parallel_loop3A_1015 : i32 to vector<16xi32>
          %parallel_loop3A_1018 = arith.select %parallel_loop3A_1013, %parallel_loop3A_1016, %parallel_loop3A_1017 : vector<16xi1>, vector<16xi32>
          %parallel_loop3A_1019 = arith.addi %parallel_loop3A_1011, %parallel_loop3A_1018 : vector<16xi32>
          %parallel_loop3A_1020 = tpu.bitcast %parallel_loop3A_1006 : vector<16xf32> -> vector<16xi32>
          %parallel_loop3A_1021 = arith.constant 19 : i32
          %parallel_loop3A_1022 = vector.broadcast %parallel_loop3A_1021 : i32 to vector<16xi32>
          %parallel_loop3A_1023 = arith.shrui %parallel_loop3A_1020, %parallel_loop3A_1022 : vector<16xi32>
          %parallel_loop3A_1024 = tpu.vector_load_idx %arg16[%parallel_loop3A_1023] : memref<4096xi32, #tpu.memory_space<vmem>>[vector<16xi32>], vector<16xi32>,
          %parallel_loop3A_1025 = tpu.vector_load_idx %arg14[%parallel_loop3A_1024] : memref<8192xf32, #tpu.memory_space<vmem>>[vector<16xi32>], vector<16xf32>,
          %parallel_loop3A_1026 = arith.cmpf oge, %parallel_loop3A_1006, %parallel_loop3A_1025 : vector<16xf32>
          %parallel_loop3A_1027 = arith.constant 256 : i32
          %parallel_loop3A_1028 = arith.constant 0 : i32
          %parallel_loop3A_1029 = vector.broadcast %parallel_loop3A_1027 : i32 to vector<16xi32>
          %parallel_loop3A_1030 = vector.broadcast %parallel_loop3A_1028 : i32 to vector<16xi32>
          %parallel_loop3A_1031 = arith.select %parallel_loop3A_1026, %parallel_loop3A_1029, %parallel_loop3A_1030 : vector<16xi1>, vector<16xi32>
          %parallel_loop3A_1032 = arith.addi %parallel_loop3A_1024, %parallel_loop3A_1031 : vector<16xi32>
          %parallel_loop3A_1033 = arith.addi %parallel_loop3A_1032, %parallel_loop3A_1019 : vector<16xi32>
          %parallel_loop3A_1034 = arith.addi %parallel_loop3A_1033, %iota3A : vector<16xi32>
          tpu.vector_store_idx %arg10[%parallel_loop3A_1034], %broadcast_in_dim3A_6 {add = true} : memref<6144xf32, #tpu.memory_space<vmem>>[vector<16xi32>], vector<16xf32>,
          %parallel_loop3A_1035 = arith.subf %parallel_loop3A_846, %gather3A_202 : vector<16xf32>
          %parallel_loop3A_1036 = arith.subf %parallel_loop3A_848, %gather3A_234 : vector<16xf32>
          %parallel_loop3A_1037 = math.absf %parallel_loop3A_1036 : vector<16xf32>
          %parallel_loop3A_1038 = tpu.bitcast %parallel_loop3A_1035 : vector<16xf32> -> vector<16xi32>
          %parallel_loop3A_1039 = arith.constant 19 : i32
          %parallel_loop3A_1040 = vector.broadcast %parallel_loop3A_1039 : i32 to vector<16xi32>
          %parallel_loop3A_1041 = arith.shrui %parallel_loop3A_1038, %parallel_loop3A_1040 : vector<16xi32>
          %parallel_loop3A_1042 = tpu.vector_load_idx %arg15[%parallel_loop3A_1041] : memref<8192xi32, #tpu.memory_space<vmem>>[vector<16xi32>], vector<16xi32>,
          %parallel_loop3A_1043 = tpu.vector_load_idx %arg13[%parallel_loop3A_1042] : memref<256xf32, #tpu.memory_space<vmem>>[vector<16xi32>], vector<16xf32>,
          %parallel_loop3A_1044 = arith.cmpf oge, %parallel_loop3A_1035, %parallel_loop3A_1043 : vector<16xf32>
          %parallel_loop3A_1045 = arith.constant 16 : i32
          %parallel_loop3A_1046 = arith.constant 0 : i32
          %parallel_loop3A_1047 = vector.broadcast %parallel_loop3A_1045 : i32 to vector<16xi32>
          %parallel_loop3A_1048 = vector.broadcast %parallel_loop3A_1046 : i32 to vector<16xi32>
          %parallel_loop3A_1049 = arith.select %parallel_loop3A_1044, %parallel_loop3A_1047, %parallel_loop3A_1048 : vector<16xi1>, vector<16xi32>
          %parallel_loop3A_1050 = arith.addi %parallel_loop3A_1042, %parallel_loop3A_1049 : vector<16xi32>
          %parallel_loop3A_1051 = tpu.bitcast %parallel_loop3A_1037 : vector<16xf32> -> vector<16xi32>
          %parallel_loop3A_1052 = arith.constant 19 : i32
          %parallel_loop3A_1053 = vector.broadcast %parallel_loop3A_1052 : i32 to vector<16xi32>
          %parallel_loop3A_1054 = arith.shrui %parallel_loop3A_1051, %parallel_loop3A_1053 : vector<16xi32>
          %parallel_loop3A_1055 = tpu.vector_load_idx %arg16[%parallel_loop3A_1054] : memref<4096xi32, #tpu.memory_space<vmem>>[vector<16xi32>], vector<16xi32>,
          %parallel_loop3A_1056 = tpu.vector_load_idx %arg14[%parallel_loop3A_1055] : memref<8192xf32, #tpu.memory_space<vmem>>[vector<16xi32>], vector<16xf32>,
          %parallel_loop3A_1057 = arith.cmpf oge, %parallel_loop3A_1037, %parallel_loop3A_1056 : vector<16xf32>
          %parallel_loop3A_1058 = arith.constant 256 : i32
          %parallel_loop3A_1059 = arith.constant 0 : i32
          %parallel_loop3A_1060 = vector.broadcast %parallel_loop3A_1058 : i32 to vector<16xi32>
          %parallel_loop3A_1061 = vector.broadcast %parallel_loop3A_1059 : i32 to vector<16xi32>
          %parallel_loop3A_1062 = arith.select %parallel_loop3A_1057, %parallel_loop3A_1060, %parallel_loop3A_1061 : vector<16xi1>, vector<16xi32>
          %parallel_loop3A_1063 = arith.addi %parallel_loop3A_1055, %parallel_loop3A_1062 : vector<16xi32>
          %parallel_loop3A_1064 = arith.addi %parallel_loop3A_1063, %parallel_loop3A_1050 : vector<16xi32>
          %parallel_loop3A_1065 = arith.addi %parallel_loop3A_1064, %iota3A : vector<16xi32>
          tpu.vector_store_idx %arg10[%parallel_loop3A_1065], %broadcast_in_dim3A_6 {add = true} : memref<6144xf32, #tpu.memory_space<vmem>>[vector<16xi32>], vector<16xf32>,
          %parallel_loop3A_1066 = arith.subf %parallel_loop3A_846, %gather3A_206 : vector<16xf32>
          %parallel_loop3A_1067 = arith.subf %parallel_loop3A_848, %gather3A_238 : vector<16xf32>
          %parallel_loop3A_1068 = math.absf %parallel_loop3A_1067 : vector<16xf32>
          %parallel_loop3A_1069 = tpu.bitcast %parallel_loop3A_1066 : vector<16xf32> -> vector<16xi32>
          %parallel_loop3A_1070 = arith.constant 19 : i32
          %parallel_loop3A_1071 = vector.broadcast %parallel_loop3A_1070 : i32 to vector<16xi32>
          %parallel_loop3A_1072 = arith.shrui %parallel_loop3A_1069, %parallel_loop3A_1071 : vector<16xi32>
          %parallel_loop3A_1073 = tpu.vector_load_idx %arg15[%parallel_loop3A_1072] : memref<8192xi32, #tpu.memory_space<vmem>>[vector<16xi32>], vector<16xi32>,
          %parallel_loop3A_1074 = tpu.vector_load_idx %arg13[%parallel_loop3A_1073] : memref<256xf32, #tpu.memory_space<vmem>>[vector<16xi32>], vector<16xf32>,
          %parallel_loop3A_1075 = arith.cmpf oge, %parallel_loop3A_1066, %parallel_loop3A_1074 : vector<16xf32>
          %parallel_loop3A_1076 = arith.constant 16 : i32
          %parallel_loop3A_1077 = arith.constant 0 : i32
          %parallel_loop3A_1078 = vector.broadcast %parallel_loop3A_1076 : i32 to vector<16xi32>
          %parallel_loop3A_1079 = vector.broadcast %parallel_loop3A_1077 : i32 to vector<16xi32>
          %parallel_loop3A_1080 = arith.select %parallel_loop3A_1075, %parallel_loop3A_1078, %parallel_loop3A_1079 : vector<16xi1>, vector<16xi32>
          %parallel_loop3A_1081 = arith.addi %parallel_loop3A_1073, %parallel_loop3A_1080 : vector<16xi32>
          %parallel_loop3A_1082 = tpu.bitcast %parallel_loop3A_1068 : vector<16xf32> -> vector<16xi32>
          %parallel_loop3A_1083 = arith.constant 19 : i32
          %parallel_loop3A_1084 = vector.broadcast %parallel_loop3A_1083 : i32 to vector<16xi32>
          %parallel_loop3A_1085 = arith.shrui %parallel_loop3A_1082, %parallel_loop3A_1084 : vector<16xi32>
          %parallel_loop3A_1086 = tpu.vector_load_idx %arg16[%parallel_loop3A_1085] : memref<4096xi32, #tpu.memory_space<vmem>>[vector<16xi32>], vector<16xi32>,
          %parallel_loop3A_1087 = tpu.vector_load_idx %arg14[%parallel_loop3A_1086] : memref<8192xf32, #tpu.memory_space<vmem>>[vector<16xi32>], vector<16xf32>,
          %parallel_loop3A_1088 = arith.cmpf oge, %parallel_loop3A_1068, %parallel_loop3A_1087 : vector<16xf32>
          %parallel_loop3A_1089 = arith.constant 256 : i32
          %parallel_loop3A_1090 = arith.constant 0 : i32
          %parallel_loop3A_1091 = vector.broadcast %parallel_loop3A_1089 : i32 to vector<16xi32>
          %parallel_loop3A_1092 = vector.broadcast %parallel_loop3A_1090 : i32 to vector<16xi32>
          %parallel_loop3A_1093 = arith.select %parallel_loop3A_1088, %parallel_loop3A_1091, %parallel_loop3A_1092 : vector<16xi1>, vector<16xi32>
          %parallel_loop3A_1094 = arith.addi %parallel_loop3A_1086, %parallel_loop3A_1093 : vector<16xi32>
          %parallel_loop3A_1095 = arith.addi %parallel_loop3A_1094, %parallel_loop3A_1081 : vector<16xi32>
          %parallel_loop3A_1096 = arith.addi %parallel_loop3A_1095, %iota3A : vector<16xi32>
          tpu.vector_store_idx %arg10[%parallel_loop3A_1096], %broadcast_in_dim3A_6 {add = true} : memref<6144xf32, #tpu.memory_space<vmem>>[vector<16xi32>], vector<16xf32>,
        } {sc.loop_unroll_factor = 1 : i64, sc.parallel_access}
        %scan3A_841 = arith.constant 0 : i32
        scf.yield %scan3A_841 : i32
      }
      %scan3A_147 = arith.constant 64 : i32
      %scan3A_148 = arith.constant 0 : i32
      %scan3A_149 = arith.constant 24 : i32
      %scan3A_150 = arith.addi %scan3A_148, %scan3A_149 : i32
      %scan3A_151 = arith.constant 1 : i32
      %scan3A_152 = scf.for %scan3A_170 = %scan3A_148 to %scan3A_150 step %scan3A_151 iter_args(%scan3A_171 = %broadcast_in_dim3A_4) -> (vector<16xf32>)  : i32 {
        %mul3A_172 = arith.constant 256 : i32
        %mul3A_173 = arith.muli %scan3A_170, %mul3A_172 : i32
        %add3A_174 = vector.broadcast %mul3A_173 : i32 to vector<16xi32>
        %add3A_175 = arith.addi %add3A_174, %mul3A_3 : vector<16xi32>
        %add3A_176 = arith.constant 0 : i32
        %add3A_177 = vector.broadcast %add3A_176 : i32 to vector<16xi32>
        %add3A_178 = arith.addi %add3A_175, %add3A_177 : vector<16xi32>
        %gather3A_179 = tpu.vector_load_idx %arg10[%add3A_178] : memref<6144xf32, #tpu.memory_space<vmem>>[vector<16xi32>], vector<16xf32>,
        %add3A_180 = arith.addf %broadcast_in_dim3A_4, %gather3A_179 : vector<16xf32>
        %add3A_181 = vector.broadcast %mul3A_173 : i32 to vector<16xi32>
        %add3A_182 = arith.addi %add3A_181, %mul3A_3 : vector<16xi32>
        %add3A_183 = arith.constant 1 : i32
        %add3A_184 = vector.broadcast %add3A_183 : i32 to vector<16xi32>
        %add3A_185 = arith.addi %add3A_182, %add3A_184 : vector<16xi32>
        %gather3A_186 = tpu.vector_load_idx %arg10[%add3A_185] : memref<6144xf32, #tpu.memory_space<vmem>>[vector<16xi32>], vector<16xf32>,
        %add3A_187 = arith.addf %add3A_180, %gather3A_186 : vector<16xf32>
        %add3A_188 = vector.broadcast %mul3A_173 : i32 to vector<16xi32>
        %add3A_189 = arith.addi %add3A_188, %mul3A_3 : vector<16xi32>
        %add3A_190 = arith.constant 2 : i32
        %add3A_191 = vector.broadcast %add3A_190 : i32 to vector<16xi32>
        %add3A_192 = arith.addi %add3A_189, %add3A_191 : vector<16xi32>
        %gather3A_193 = tpu.vector_load_idx %arg10[%add3A_192] : memref<6144xf32, #tpu.memory_space<vmem>>[vector<16xi32>], vector<16xf32>,
        %add3A_194 = arith.addf %add3A_187, %gather3A_193 : vector<16xf32>
        %add3A_195 = vector.broadcast %mul3A_173 : i32 to vector<16xi32>
        %add3A_196 = arith.addi %add3A_195, %mul3A_3 : vector<16xi32>
        %add3A_197 = arith.constant 3 : i32
        %add3A_198 = vector.broadcast %add3A_197 : i32 to vector<16xi32>
        %add3A_199 = arith.addi %add3A_196, %add3A_198 : vector<16xi32>
        %gather3A_200 = tpu.vector_load_idx %arg10[%add3A_199] : memref<6144xf32, #tpu.memory_space<vmem>>[vector<16xi32>], vector<16xf32>,
        %add3A_201 = arith.addf %add3A_194, %gather3A_200 : vector<16xf32>
        %add3A_202 = vector.broadcast %mul3A_173 : i32 to vector<16xi32>
        %add3A_203 = arith.addi %add3A_202, %mul3A_3 : vector<16xi32>
        %add3A_204 = arith.constant 4 : i32
        %add3A_205 = vector.broadcast %add3A_204 : i32 to vector<16xi32>
        %add3A_206 = arith.addi %add3A_203, %add3A_205 : vector<16xi32>
        %gather3A_207 = tpu.vector_load_idx %arg10[%add3A_206] : memref<6144xf32, #tpu.memory_space<vmem>>[vector<16xi32>], vector<16xf32>,
        %add3A_208 = arith.addf %add3A_201, %gather3A_207 : vector<16xf32>
        %add3A_209 = vector.broadcast %mul3A_173 : i32 to vector<16xi32>
        %add3A_210 = arith.addi %add3A_209, %mul3A_3 : vector<16xi32>
        %add3A_211 = arith.constant 5 : i32
        %add3A_212 = vector.broadcast %add3A_211 : i32 to vector<16xi32>
        %add3A_213 = arith.addi %add3A_210, %add3A_212 : vector<16xi32>
        %gather3A_214 = tpu.vector_load_idx %arg10[%add3A_213] : memref<6144xf32, #tpu.memory_space<vmem>>[vector<16xi32>], vector<16xf32>,
        %add3A_215 = arith.addf %add3A_208, %gather3A_214 : vector<16xf32>
        %add3A_216 = vector.broadcast %mul3A_173 : i32 to vector<16xi32>
        %add3A_217 = arith.addi %add3A_216, %mul3A_3 : vector<16xi32>
        %add3A_218 = arith.constant 6 : i32
        %add3A_219 = vector.broadcast %add3A_218 : i32 to vector<16xi32>
        %add3A_220 = arith.addi %add3A_217, %add3A_219 : vector<16xi32>
        %gather3A_221 = tpu.vector_load_idx %arg10[%add3A_220] : memref<6144xf32, #tpu.memory_space<vmem>>[vector<16xi32>], vector<16xf32>,
        %add3A_222 = arith.addf %add3A_215, %gather3A_221 : vector<16xf32>
        %add3A_223 = vector.broadcast %mul3A_173 : i32 to vector<16xi32>
        %add3A_224 = arith.addi %add3A_223, %mul3A_3 : vector<16xi32>
        %add3A_225 = arith.constant 7 : i32
        %add3A_226 = vector.broadcast %add3A_225 : i32 to vector<16xi32>
        %add3A_227 = arith.addi %add3A_224, %add3A_226 : vector<16xi32>
        %gather3A_228 = tpu.vector_load_idx %arg10[%add3A_227] : memref<6144xf32, #tpu.memory_space<vmem>>[vector<16xi32>], vector<16xf32>,
        %add3A_229 = arith.addf %add3A_222, %gather3A_228 : vector<16xf32>
        %add3A_230 = vector.broadcast %mul3A_173 : i32 to vector<16xi32>
        %add3A_231 = arith.addi %add3A_230, %mul3A_3 : vector<16xi32>
        %add3A_232 = arith.constant 8 : i32
        %add3A_233 = vector.broadcast %add3A_232 : i32 to vector<16xi32>
        %add3A_234 = arith.addi %add3A_231, %add3A_233 : vector<16xi32>
        %gather3A_235 = tpu.vector_load_idx %arg10[%add3A_234] : memref<6144xf32, #tpu.memory_space<vmem>>[vector<16xi32>], vector<16xf32>,
        %add3A_236 = arith.addf %add3A_229, %gather3A_235 : vector<16xf32>
        %add3A_237 = vector.broadcast %mul3A_173 : i32 to vector<16xi32>
        %add3A_238 = arith.addi %add3A_237, %mul3A_3 : vector<16xi32>
        %add3A_239 = arith.constant 9 : i32
        %add3A_240 = vector.broadcast %add3A_239 : i32 to vector<16xi32>
        %add3A_241 = arith.addi %add3A_238, %add3A_240 : vector<16xi32>
        %gather3A_242 = tpu.vector_load_idx %arg10[%add3A_241] : memref<6144xf32, #tpu.memory_space<vmem>>[vector<16xi32>], vector<16xf32>,
        %add3A_243 = arith.addf %add3A_236, %gather3A_242 : vector<16xf32>
        %add3A_244 = vector.broadcast %mul3A_173 : i32 to vector<16xi32>
        %add3A_245 = arith.addi %add3A_244, %mul3A_3 : vector<16xi32>
        %add3A_246 = arith.constant 10 : i32
        %add3A_247 = vector.broadcast %add3A_246 : i32 to vector<16xi32>
        %add3A_248 = arith.addi %add3A_245, %add3A_247 : vector<16xi32>
        %gather3A_249 = tpu.vector_load_idx %arg10[%add3A_248] : memref<6144xf32, #tpu.memory_space<vmem>>[vector<16xi32>], vector<16xf32>,
        %add3A_250 = arith.addf %add3A_243, %gather3A_249 : vector<16xf32>
        %add3A_251 = vector.broadcast %mul3A_173 : i32 to vector<16xi32>
        %add3A_252 = arith.addi %add3A_251, %mul3A_3 : vector<16xi32>
        %add3A_253 = arith.constant 11 : i32
        %add3A_254 = vector.broadcast %add3A_253 : i32 to vector<16xi32>
        %add3A_255 = arith.addi %add3A_252, %add3A_254 : vector<16xi32>
        %gather3A_256 = tpu.vector_load_idx %arg10[%add3A_255] : memref<6144xf32, #tpu.memory_space<vmem>>[vector<16xi32>], vector<16xf32>,
        %add3A_257 = arith.addf %add3A_250, %gather3A_256 : vector<16xf32>
        %add3A_258 = vector.broadcast %mul3A_173 : i32 to vector<16xi32>
        %add3A_259 = arith.addi %add3A_258, %mul3A_3 : vector<16xi32>
        %add3A_260 = arith.constant 12 : i32
        %add3A_261 = vector.broadcast %add3A_260 : i32 to vector<16xi32>
        %add3A_262 = arith.addi %add3A_259, %add3A_261 : vector<16xi32>
        %gather3A_263 = tpu.vector_load_idx %arg10[%add3A_262] : memref<6144xf32, #tpu.memory_space<vmem>>[vector<16xi32>], vector<16xf32>,
        %add3A_264 = arith.addf %add3A_257, %gather3A_263 : vector<16xf32>
        %add3A_265 = vector.broadcast %mul3A_173 : i32 to vector<16xi32>
        %add3A_266 = arith.addi %add3A_265, %mul3A_3 : vector<16xi32>
        %add3A_267 = arith.constant 13 : i32
        %add3A_268 = vector.broadcast %add3A_267 : i32 to vector<16xi32>
        %add3A_269 = arith.addi %add3A_266, %add3A_268 : vector<16xi32>
        %gather3A_270 = tpu.vector_load_idx %arg10[%add3A_269] : memref<6144xf32, #tpu.memory_space<vmem>>[vector<16xi32>], vector<16xf32>,
        %add3A_271 = arith.addf %add3A_264, %gather3A_270 : vector<16xf32>
        %add3A_272 = vector.broadcast %mul3A_173 : i32 to vector<16xi32>
        %add3A_273 = arith.addi %add3A_272, %mul3A_3 : vector<16xi32>
        %add3A_274 = arith.constant 14 : i32
        %add3A_275 = vector.broadcast %add3A_274 : i32 to vector<16xi32>
        %add3A_276 = arith.addi %add3A_273, %add3A_275 : vector<16xi32>
        %gather3A_277 = tpu.vector_load_idx %arg10[%add3A_276] : memref<6144xf32, #tpu.memory_space<vmem>>[vector<16xi32>], vector<16xf32>,
        %add3A_278 = arith.addf %add3A_271, %gather3A_277 : vector<16xf32>
        %add3A_279 = vector.broadcast %mul3A_173 : i32 to vector<16xi32>
        %add3A_280 = arith.addi %add3A_279, %mul3A_3 : vector<16xi32>
        %add3A_281 = arith.constant 15 : i32
        %add3A_282 = vector.broadcast %add3A_281 : i32 to vector<16xi32>
        %add3A_283 = arith.addi %add3A_280, %add3A_282 : vector<16xi32>
        %gather3A_284 = tpu.vector_load_idx %arg10[%add3A_283] : memref<6144xf32, #tpu.memory_space<vmem>>[vector<16xi32>], vector<16xf32>,
        %add3A_285 = arith.addf %add3A_278, %gather3A_284 : vector<16xf32>
        %mul3A_286 = arith.constant 16 : i32
        %mul3A_287 = arith.muli %scan3A_170, %mul3A_286 : i32
        %swap3A_288 = arith.index_cast %mul3A_287 : i32 to index
        %swap3A_289 = tpu.vector_load %arg11[%swap3A_288] {strides = array<i32>} : memref<384xf32, #tpu.memory_space<vmem>>, vector<16xf32>,
        tpu.vector_store %arg11[%swap3A_288], %add3A_285 {strides = array<i32>} : memref<384xf32, #tpu.memory_space<vmem>>, vector<16xf32>,
        %add3A_290 = arith.addf %scan3A_171, %add3A_285 : vector<16xf32>
        scf.yield %add3A_290 : vector<16xf32>
      }
      %scan3A_153 = arith.constant 24 : i32
      %gt3A = arith.constant 0.000000e+00 : f32
      %gt3A_154 = vector.broadcast %gt3A : f32 to vector<16xf32>
      %gt3A_155 = arith.cmpf ogt, %scan3A_152, %gt3A_154 : vector<16xf32>
      %jit3A = arith.constant 1.000000e+00 : f32
      %broadcast_in_dim3A_156 = vector.broadcast %jit3A : f32 to vector<16xf32>
      %select_n3A = arith.select %gt3A_155, %scan3A_152, %broadcast_in_dim3A_156 : vector<16xi1>, vector<16xf32>
      %div3A = arith.constant 1.000000e+00 : f32
      %div3A_157 = vector.broadcast %div3A : f32 to vector<16xf32>
      %div3A_158 = arith.divf %div3A_157, %select_n3A : vector<16xf32>
      %jit3A_159 = arith.constant 0.000000e+00 : f32
      %broadcast_in_dim3A_160 = vector.broadcast %jit3A_159 : f32 to vector<16xf32>
      %select_n3A_161 = arith.select %gt3A_155, %div3A_158, %broadcast_in_dim3A_160 : vector<16xi1>, vector<16xf32>
      %scan3A_162 = arith.constant 0 : i32
      %scan3A_163 = arith.constant 0 : i32
      %scan3A_164 = arith.constant 24 : i32
      %scan3A_165 = arith.addi %scan3A_163, %scan3A_164 : i32
      %scan3A_166 = arith.constant 1 : i32
      %scan3A_167 = scf.for %scan3A_170 = %scan3A_163 to %scan3A_165 step %scan3A_166 iter_args(%scan3A_171 = %scan3A_162) -> (i32)  : i32 {
        %mul3A_172 = arith.constant 16 : i32
        %mul3A_173 = arith.muli %scan3A_170, %mul3A_172 : i32
        %get3A = arith.index_cast %mul3A_173 : i32 to index
        %get3A_174 = tpu.vector_load %arg11[%get3A] {strides = array<i32>} : memref<384xf32, #tpu.memory_space<vmem>>, vector<16xf32>,
        %mul3A_175 = arith.mulf %get3A_174, %select_n3A_161 : vector<16xf32>
        %mul3A_176 = arith.constant 16 : i32
        %mul3A_177 = arith.muli %scan3A_170, %mul3A_176 : i32
        %swap3A_178 = arith.index_cast %mul3A_177 : i32 to index
        %swap3A_179 = tpu.vector_load %arg11[%swap3A_178] {strides = array<i32>} : memref<384xf32, #tpu.memory_space<vmem>>, vector<16xf32>,
        tpu.vector_store %arg11[%swap3A_178], %mul3A_175 {strides = array<i32>} : memref<384xf32, #tpu.memory_space<vmem>>, vector<16xf32>,
        %scan3A_180 = arith.constant 0 : i32
        scf.yield %scan3A_180 : i32
      }
      %scan3A_168 = arith.constant 24 : i32
      "tpu.region"() ({
        %run_scoped3A_170 = tpu.sem_alloc : memref<!tpu.dma_semaphore, #tpu.memory_space<semaphore_mem>>
        %dma_start3A = arith.constant 0 : i32
        %dma_start3A_171 = tpu.memref_slice %arg7[%add3A_17, %dma_start3A] : memref<256x384xf32, #tpu.memory_space<hbm>> -> memref<1x384xf32, #tpu.memory_space<hbm>>
        %dma_start3A_172 = tpu.memref_squeeze %dma_start3A_171 : memref<1x384xf32, #tpu.memory_space<hbm>> -> memref<384xf32, #tpu.memory_space<hbm>>
        %dma_start3A_173 = arith.constant 0 : i32
        %dma_start3A_174 = tpu.memref_slice %arg7[%add3A_17, %dma_start3A_173] : memref<256x384xf32, #tpu.memory_space<hbm>> -> memref<1x384xf32, #tpu.memory_space<hbm>>
        %dma_start3A_175 = tpu.memref_squeeze %dma_start3A_174 : memref<1x384xf32, #tpu.memory_space<hbm>> -> memref<384xf32, #tpu.memory_space<hbm>>
        tpu.enqueue_dma source(%arg11 : memref<384xf32, #tpu.memory_space<vmem>>) target(%dma_start3A_175 : memref<384xf32, #tpu.memory_space<hbm>>) target_semaphore(%run_scoped3A_170 : memref<!tpu.dma_semaphore, #tpu.memory_space<semaphore_mem>>)
        %dma_wait3A = arith.constant 0 : i32
        %dma_wait3A_176 = tpu.memref_slice %arg7[%add3A_17, %dma_wait3A] : memref<256x384xf32, #tpu.memory_space<hbm>> -> memref<1x384xf32, #tpu.memory_space<hbm>>
        %dma_wait3A_177 = tpu.memref_squeeze %dma_wait3A_176 : memref<1x384xf32, #tpu.memory_space<hbm>> -> memref<384xf32, #tpu.memory_space<hbm>>
        %dma_wait3A_178 = arith.constant 0 : i32
        %dma_wait3A_179 = tpu.memref_slice %arg7[%add3A_17, %dma_wait3A_178] : memref<256x384xf32, #tpu.memory_space<hbm>> -> memref<1x384xf32, #tpu.memory_space<hbm>>
        %dma_wait3A_180 = tpu.memref_squeeze %dma_wait3A_179 : memref<1x384xf32, #tpu.memory_space<hbm>> -> memref<384xf32, #tpu.memory_space<hbm>>
        tpu.wait_dma2 semaphore(%run_scoped3A_170 : memref<!tpu.dma_semaphore, #tpu.memory_space<semaphore_mem>>) src(%arg11 : memref<384xf32, #tpu.memory_space<vmem>>) dst(%dma_wait3A_180 : memref<384xf32, #tpu.memory_space<hbm>>)
        tpu.yield
      }) : () -> ()
      %scan3A_169 = arith.constant 0 : i32
      scf.yield %scan3A_169 : i32
    }
    %scan3A_12 = arith.constant 8 : i32
    return
  }
}

</mosaic_0001>

<sc_bundles>
// kernel: kernel.3.cloned.1.call-start
scs
__scs_entry_jumppad:
0x0: {  	(pc) =	sbr.rel $0x88, $3  }
0x1: {  	(tag) =	ssettag $0x0;
	lr =	simm.s32 $0x1  }
0x2: {  	[smem:$0x3F94] =	sst lr;
	_ =	strace $0xD0000000  }
0x3: {  	_ = 	snop  }
0x4: {  	_ = 	snop  }
0x5: {  	_ = 	snop  }
0x6: {  	_ = 	snop  }
0x7: {  	_ = 	snop  }
__scs_overlays_trampoline_lowered:
0x8: {  	[smem:$0x3FA3] =	sst s0  }
0x9: {  	[smem:$0x3FA4] =	sst s1  }
0xa: {  	[smem:$0x3FA5] =	sst s2  }
0xb: {  	[smem:$0x3FA6] =	sst s3  }
0xc: {  	[smem:$0x3FA7] =	sst s4  }
0xd: {  	[smem:$0x3FA8] =	sst s5  }
0xe: {  	[smem:$0x3FA9] =	sst s6  }
0xf: {  	[smem:$0x3FAA] =	sst s7  }
0x10: {  	[smem:$0x3FAB] =	sst s8  }
0x11: {  	[smem:$0x3FAC] =	sst s9;
	s0 =	simm.s32 @!p0 $0x0  }
0x12: {  	s1 =	sld [smem:$0x3F92];
	s0 =	simm.s32 @p0 $0x1  }
0x13: {  	[smem:$0x3FAD] =	sst s0;
	s0 =	simm.s32 @!p1 $0x0  }
0x14: {  	s2 =	sld [smem:$0x3F91];
	s0 =	simm.s32 @p1 $0x1  }
0x15: {  	[smem:$0x3FAE] =	sst s0;
	s0 =	simm.s32 @!p2 $0x0  }
0x16: {  	s3 =	sld [smem:$0x3FDB];
	s0 =	simm.s32 @p2 $0x1  }
0x17: {  	s4 =	simm.s32 $0x1BF5;
	[smem:$0x3FB0] =	sst s0  }
0x18: {  	s0 =	sld [smem:$0x3F93];
	_ =	swait.ge [sflag:s4], $0x0  }
0x19: {  	s7 =	sld [smem:$0x3F94]  }
0x1a: {  	s8 =	sadd.s32 $0xFFFFE003, lr  }
0x1b: {  	s9 =	sadd.s32 $0xFFFFFEF7, lr;
	s5 =	simm.s32 $0xFFFFFFFF;
	p2 =	slt.u32 s8, $0xFFFFF086  }
0x1c: {  	p1 =	slt.u32 s9, $0xF7A;
	s5 =	simm.s32 @!p2 $0x0  }
0x1d: {  	s5 =	simm.s32 @p1 $0x1;
	p0 =	seq.s32 s7, s2  }
0x1e: {  	s7 =	smul.u32 @!p0 $0xF7A, s2;
	p2 =	seq.s32 @!p0 s5, $0x0  }
0x1f: {  	s9 =	smul.u32 $0xF7A, s1;
	s8 =	simm.s32 @!p0 $0x1BF5;
	p2 =	por !p2, p0  }
0x20: {  	[sflag:s8] =	ssyncset.s32 @!p0 $0xFFFFF086;
	s6 =	sadd.s32 @!p0 s3, s7;
	s7 =	simm.s32 @!p0 $0x108  }
0x21: {  	s3 =	sadd.s32 s3, s9;
	s6 =	sadd.s32 @!p0 $0x88, s6;
	s7 =	simm.s32 @p2 $0x1082  }
0x22: {  	[simem:s7], [sflag:s8] =	dma.local @!p0 [hbm:s6], $0xF7A  }
0x23: {  	s9 =	sor.u32 $0xD0000000, s2;
	s6 =	simm.s32 $0x108;
	_ =	swait.ge @!p0 [sflag:s8], $0x0  }
0x24: {  	s3 =	sadd.s32 $0x88, s3;
	s6 =	simm.s32 @!p1 $0x1082;
	[sflag:s4] =	ssyncset.s32 $0xFFFFF086  }
0x25: {  	[simem:s6], [sflag:s4] =	dma.local [hbm:s3], $0xF7A  }
0x26: {  	[smem:$0x3F94] =	sst s1;
	(tag) =	ssettag s2;
	_ =	strace s9  }
0x27: {  	s1 =	sld [smem:$0x3FA4]  }
0x28: {  	s2 =	sld [smem:$0x3FA5]  }
0x29: {  	s4 =	sld [smem:$0x3FA7]  }
0x2a: {  	p0 =	seq.s32 s5, $0x0;
	s5 =	sld [smem:$0x3FA8]  }
0x2b: {  	s6 =	sld [smem:$0x3FA9]  }
0x2c: {  	s7 =	sld [smem:$0x3FAA]  }
0x2d: {  	s3 =	simm.s32 $0x108;
	s8 =	sld [smem:$0x3FAB]  }
0x2e: {  	s3 =	simm.s32 @!p0 $0x1082;
	s9 =	sld [smem:$0x3FAC]  }
0x2f: {  	lr =	sadd.s32 s0, s3;
	s0 =	sld [smem:$0x3FA3]  }
0x30: {  	s3 =	sld [smem:$0x3FA6]  }
0x31: {  	[smem:$0x3FAF] =	sst s10  }
0x32: {  	s10 =	sld [smem:$0x3FAD];
	_ =	sdelay $0x3  }
0x33: {  	p0 =	seq.s32 s10, $0x1;
	s10 =	sld [smem:$0x3FAF];
	_ =	sdelay $0x3  }
0x34: {  	[smem:$0x3FAF] =	sst s10  }
0x35: {  	s10 =	sld [smem:$0x3FAE];
	_ =	sdelay $0x3  }
0x36: {  	p1 =	seq.s32 s10, $0x1;
	s10 =	sld [smem:$0x3FAF];
	_ =	sdelay $0x3  }
0x37: {  	[smem:$0x3FAF] =	sst s10  }
0x38: {  	s10 =	sld [smem:$0x3FB0]  }
0x39: {  	_ = 	snop;
	(pc) =	sbr.ind lr, $3  }
0x3a: {  	_ = 	snop  }
0x3b: {  	_ = 	snop  }
0x3c: {  	p2 =	seq.s32 s10, $0x1;
	s10 =	sld [smem:$0x3FAF]  }
0x3d: {  	_ =	shalt  }
0x3e: {  	_ =	shalt  }
0x3f: {  	_ =	shalt  }
0x40: {  	_ =	shalt  }
0x41: {  	_ =	shalt  }
0x42: {  	_ =	shalt  }
0x43: {  	_ =	shalt  }
0x44: {  	_ =	shalt  }
0x45: {  	_ =	shalt  }
0x46: {  	_ =	shalt  }
0x47: {  	_ =	shalt  }
0x48: {  	_ =	shalt  }
0x49: {  	_ =	shalt  }
0x4a: {  	_ =	shalt  }
0x4b: {  	_ =	shalt  }
0x4c: {  	_ =	shalt  }
0x4d: {  	_ =	shalt  }
0x4e: {  	_ =	shalt  }
0x4f: {  	_ =	shalt  }
0x50: {  	_ =	shalt  }
0x51: {  	_ =	shalt  }
0x52: {  	_ =	shalt  }
0x53: {  	_ =	shalt  }
0x54: {  	_ =	shalt  }
0x55: {  	_ =	shalt  }
0x56: {  	_ =	shalt  }
0x57: {  	_ =	shalt  }
0x58: {  	_ =	shalt  }
0x59: {  	_ =	shalt  }
0x5a: {  	_ =	shalt  }
0x5b: {  	_ =	shalt  }
0x5c: {  	_ =	shalt  }
0x5d: {  	_ =	shalt  }
0x5e: {  	_ =	shalt  }
0x5f: {  	_ =	shalt  }
0x60: {  	_ =	shalt  }
0x61: {  	_ =	shalt  }
0x62: {  	_ =	shalt  }
0x63: {  	_ =	shalt  }
0x64: {  	_ =	shalt  }
0x65: {  	_ =	shalt  }
0x66: {  	_ =	shalt  }
0x67: {  	_ =	shalt  }
0x68: {  	_ =	shalt  }
0x69: {  	_ =	shalt  }
0x6a: {  	_ =	shalt  }
0x6b: {  	_ =	shalt  }
0x6c: {  	_ =	shalt  }
0x6d: {  	_ =	shalt  }
0x6e: {  	_ =	shalt  }
0x6f: {  	_ =	shalt  }
0x70: {  	_ =	shalt  }
0x71: {  	_ =	shalt  }
0x72: {  	_ =	shalt  }
0x73: {  	_ =	shalt  }
0x74: {  	_ =	shalt  }
0x75: {  	_ =	shalt  }
0x76: {  	_ =	shalt  }
0x77: {  	_ =	shalt  }
0x78: {  	_ =	shalt  }
0x79: {  	_ =	shalt  }
0x7a: {  	_ =	shalt  }
0x7b: {  	_ =	shalt  }
0x7c: {  	_ =	shalt  }
0x7d: {  	_ =	shalt  }
0x7e: {  	_ =	shalt  }
0x7f: {  	_ =	shalt  }
0x80: {  	_ =	shalt  }
0x81: {  	_ =	shalt  }
0x82: {  	_ =	shalt  }
0x83: {  	_ =	shalt  }
0x84: {  	_ =	shalt  }
0x85: {  	_ =	shalt  }
0x86: {  	_ =	shalt  }
0x87: {  	_ =	shalt  }
.Lfunc_end0:
.L_simem_size_0:
called_computation_lowered:
.L_overlay_start_0:
0x88: {  	s2 =	sld [smem:$0x3FD9]  }
0x89: {  	s3 =	sld [smem:$0x3FFE];
	_ =	sdelay $0x1  }
0x8a: {  	s1 =	srdreg.scid  }
0x8b: {  	s0 =	sand.u32 $0x1, s1  }
0x8c: {  	s17 =	sshll.u32 s0, $0xA;
	s2 =	sadd.s32 s3, s2  }
0x8d: {  	s2 =	sadd.s32 s2, s17  }
0x8e: {  	[smem:$0x3FBB] =	sst s2  }
0x8f: {  	_ = 	snop  }
0x90: {  	s2 =	sld [smem:$0x3FD0];
	(tm) =	ssettm $0x1  }
0x91: {  	s18 =	sld [smem:$0x3FFB];
	_ =	sdelay $0x3  }
0x92: {  	_ =	strace s18  }
0x93: {  	s3 =	sld [smem:$0x3FFC];
	_ =	sdelay $0x3  }
0x94: {  	_ =	strace s3  }
0x95: {  	s3 =	sld [smem:$0x3FFD];
	_ =	sdelay $0x3  }
0x96: {  	_ =	strace s3  }
0x97: {  	_ =	strace $0x8FFFFFFF  }
0x98: {  	s19 =	sld [smem:$0x3FDB];
	_ =	sdelay $0x1  }
0x99: {  	s4 =	simm.s32 $_scs_section_size  }
0x9a: {  	s5 =	simm.s32 $_size__tile_overlayer_lowered;
	s6 =	simm.s32 $_tile_overlayer_lowered  }
0x9b: {  	s22 =	simm.s32 $0x1BFF;
	s21 =	sshll.u32 s6, $0x1;
	s3 =	sadd.s32 s4, s19  }
0x9c: {  	s7 =	simm.s32 $0x0;
	s20 =	sshll.u32 s5, $0x1;
	s5 =	sadd.s32 s21, s3  }
0x9d: {  	[timem:s7], [sflag:s22] =	dma.local [hbm:s5], s20  }
0x9e: {  	_ =	swait.ge [sflag:s22], s20  }
0x9f: {  	s4 =	ssub.s32 $0x0, s20;
	[sflag:s22] =	ssyncset.done $0x0  }
0xa0: {  	[sflag:s22] =	ssyncadd.s32 s4;
	_ =	sdelay $0x1  }
0xa1: {  	s23 =	simm.s32 $0x1B8B  }
0xa2: {  	_ =	swait.ge [sflag:s23], $0x1  }
0xa3: {  	[sflag:s23] =	ssyncset.done $0x0  }
0xa4: {  	s25 =	simm.s32 $0x1B8E;
	s24 =	sld [smem:$0x3FFE];
	[sflag:s23] =	ssyncadd.s32 $0xFFFFFFFF  }
0xa5: {  	s26 =	simm.s32 $execute0_lowered;
	[smem:$0x3FD2] =	sst s25  }
0xa6: {  	s5 =	sshll.u32 s26, $0x1;
	_ =	strace $0x80000046;
	[dreg:$0x1] =	wrdreg $0xFFFFFFFF  }
0xa7: {  	s28 =	simm.s32 $_size_execute0_lowered;
	s3 =	sadd.s32 s3, s5;
	[dreg:$0x0] =	wrdreg $0x0  }
0xa8: {  	s5 =	sshll.u32 s28, $0x1;
	[dreg:$0x2] =	wrdreg s3  }
0xa9: {  	[dreg:$0x3] =	wrdreg s5  }
0xaa: {  	[dreg:$0x4] =	wrdreg $0xC0  }
0xab: {  	_ =	task [dreg:s7], $0x5FFFF  }
0xac: {  	[dreg:$0x1] =	wrdreg $0xFFFFFFFF  }
0xad: {  	[dreg:$0x0] =	wrdreg $0x60  }
0xae: {  	[dreg:$0x2] =	wrdreg s24  }
0xaf: {  	[dreg:$0x3] =	wrdreg s2  }
0xb0: {  	[dreg:$0x4] =	wrdreg $0x9  }
0xb1: {  	_ =	task.clear_ibuf [dreg:s7], $0x5FFFF;
	_ =	strace $0x90000046  }
0xb2: {  	s29 =	simm.s32 $0x9;
	_ =	strace $0x80000048  }
0xb3: {  	_ =	swait.ge [sflag:s29], $0x1  }
0xb4: {  	[sflag:s29] =	ssyncadd.s32 $0xFFFFFFFF  }
0xb5: {  	_ =	strace $0x90000048  }
0xb6: {  	_ =	sfence  }
0xb7: {  	s30 =	sld [smem:$0x0];
	_ =	sdelay $0x2  }
0xb8: {  	s31 =	sshll.u32 s1, $0xD;
	s1 =	sshrl.u32 s1, $0x2  }
0xb9: {  	s3 =	sand.u32 $0x4000, s31;
	s1 =	sadd.s32 s1, s30  }
0xba: {  	s0 =	sor.u32 s3, s0;
	s1 =	sshll.u32 s1, $0x11  }
0xbb: {  	s0 =	sor.u32 s1, s0  }
0xbc: {  	s0 =	sadd.s32 $0x8F2B, s0  }
0xbd: {  	[sflag:s0] =	ssyncadd.remote.s32 $0x1  }
0xbe: {  	_ =	sfence.sel $0xFFFF  }
0xbf: {  	[dreg:$0x0] =	wrdreg $0xFFFFFFFF;
	(pc) =	sbr.abs _section_cstart, $3  }
0xc0: {  	[dreg:$0x1] =	wrdreg $0xFFFFFFFF  }
0xc1: {  	_ =	task.clear_ibuf [dreg:s7], $0x2FFFF;
	_ =	strace $0x9FFFFFFF  }
0xc2: {  	(tm) =	ssettm $0x7FFFFFFF  }
0xc3: {  	_ =	shalt  }
tec
execute0_lowered:
.L_overlay_start_1:
0x0: {  	(tag) =	ssettag $0x1  }
0x1: {  	v0 =	vimm.s32 $0xFEDCBA98;
	v1 =	vimm.s32 $0x76543210;
	v2 =	vimm.s32 $0xBA98FEDC  }
0x2: {  	v3 =	vimm.s32 $0x32107654;
	v4 =	vimm.s32 $0xDCFE98BA;
	v5 =	vimm.s32 $0x54761032  }
0x3: {  	s0 =	rddreg [dreg:$0x0];
	s2 =	simm.s32 $0x0;
	v6 =	vimm.s32 $0xEFCDAB89;
	v7 =	vimm.s32 $0x67452301;
	v0 =	vunpack.c.l.s4.s8 v0  }
0x4: {  	s29 =	srdreg.scid;
	s4 =	stileid.u32;
	s13 =	simm.s32 $0x1E00;
	v1 =	vunpack.c.l.s4.s8 v1;
	v2 =	vunpack.c.l.s4.s8 v2;
	v3 =	vunpack.c.l.s4.s8 v3  }
0x5: {  	s14 =	simm.s32 $0x1;
	s15 =	simm.s32 $0x1F00;
	s16 =	simm.s32 $0x3F00;
	v4 =	vunpack.c.l.s4.s8 v4;
	v5 =	vunpack.c.l.s4.s8 v5;
	v6 =	vunpack.c.l.s4.s8 v6  }
0x6: {  	s17 =	simm.s32 $0x5F00;
	s18 =	simm.s32 $0x80;
	s19 =	simm.s32 $0x200;
	v7 =	vunpack.c.l.s4.s8 v7;
	v0 =	vunpack.c.0.s8.s32 v0;
	v2 =	vunpack.c.0.s8.s32 v2  }
0x7: {  	s20 =	simm.s32 $0x1D80;
	s21 =	simm.s32 $0x400;
	s22 =	simm.s32 $0x1C00;
	v3 =	vunpack.c.0.s8.s32 v3;
	v4 =	vunpack.c.0.s8.s32 v4;
	v1 =	vunpack.c.0.s8.s32 v1  }
0x8: {  	s23 =	simm.s32 $0x0;
	[smem:$0x7FF] =	sst s2;
	s3 =	sadd.s32 $0x2400, s0;
	v5 =	vunpack.c.0.s8.s32 v5;
	v6 =	vunpack.c.0.s8.s32 v6;
	v0 =	vand.u32 $0xF, v0  }
0x9: {  	s1 =	sadd.s32 $0x12400, s0;
	s5 =	sadd.s32 $0x12600, s0;
	s4 =	sshll.u32 s4, $0x4;
	v7 =	vunpack.c.0.s8.s32 v7;
	v2 =	vcombine.low v3, v2;
	v0 =	vcombine.low v0, v1  }
0xa: {  	_ =	strace $0x80000047;
	[dreg:$0x3] =	wrdreg s1;
	s1 =	sand.u32 $0x1, s29;
	v3 =	vcombine.low v5, v4  }
0xb: {  	s7 =	sadd.s32 $0x12A00, s0;
	s30 =	sshll.u32 s1, $0x3;
	s1 =	ssub.s32 $0x2, s1;
	v4 =	vcombine.low v7, v6;
	v61 =	vand.u32 $0xF, v2;
	[tilespmem:$0x1FFC0] =	vst v0  }
0xc: {  	s9 =	sadd.s32 $0x12E00, s0;
	s8 =	sor.u32 s30, s4;
	s31 =	sshrl.u32 s1, $0x1;
	v62 =	vand.u32 $0xF, v3;
	[tilespmem:$0x1FFD0] =	vst v61  }
0xd: {  	[dreg:$0x4] =	wrdreg s5;
	s5 =	sshrl.u32 s8, $0x3;
	s1 =	ssub.s32 s1, s31;
	v63 =	vand.u32 $0xF, v4;
	[tilespmem:$0x1FFE0] =	vst v62  }
0xe: {  	s10 =	sadd.s32 $0x2410, s0;
	v5 =	vimm.s32 $0x0;
	v6 =	vimm.f32 $1.000000000e+00;
	s11 =	smul.u32 $0xC00, s5;
	s12 =	smax.u32 s1, $0x1;
	v4 =	vlaneseq.u32;
	[tilespmem:$0x1FFF0] =	vst v63  }
.LBB2_1:
0xf: {  	s0 =	rddreg [dreg:$0x3]  }
0x10: {  	[tilespmem:s13], [sflag:$0x1] =	stream.linear.gather [hbm4b:s0+s2], $0x100, $0x38;
	[tilespmem:$0x6F00] =	vst v63  }
0x11: {  	_ =	swait.ge [sflag:s14], $0x100  }
0x12: {  	[sflag:s14] =	ssyncset.done $0x0  }
0x13: {  	s30 =	rddreg [dreg:$0x4];
	[sflag:s14] =	ssyncadd.s32 $0xFFFFFF00  }
0x14: {  	[tilespmem:s15], [sflag:$0x1] =	stream.linear.gather [hbm4b:s30+s2], $0x2000, $0x38;
	[tilespmem:$0x6F00] =	vst v63  }
0x15: {  	_ =	swait.ge [sflag:s14], $0x2000  }
0x16: {  	[sflag:s14] =	ssyncset.done $0x0  }
0x17: {  	[sflag:s14] =	ssyncadd.s32 $0xFFFFE000  }
0x18: {  	[tilespmem:s16], [sflag:$0x1] =	stream.linear.gather [hbm4b:s7+s2], $0x2000, $0x38;
	[tilespmem:$0x6F00] =	vst v63  }
0x19: {  	_ =	swait.ge [sflag:s14], $0x2000  }
0x1a: {  	[sflag:s14] =	ssyncset.done $0x0  }
0x1b: {  	[sflag:s14] =	ssyncadd.s32 $0xFFFFE000  }
0x1c: {  	s31 =	rddreg [dreg:$0x1]  }
0x1d: {  	[tilespmem:s17], [sflag:$0x1] =	stream.linear.gather [hbm4b:s31+s2], $0x1000, $0x38;
	[tilespmem:$0x6F00] =	vst v63  }
0x1e: {  	_ =	swait.ge [sflag:s14], $0x1000  }
0x1f: {  	[sflag:s14] =	ssyncset.done $0x0  }
0x20: {  	s24 =	simm.s32 $0x0;
	[sflag:s14] =	ssyncadd.s32 $0xFFFFF000  }
.LBB2_2:
0x21: {  	s0 =	sor.u32 s8, s24  }
0x22: {  	s0 =	sshll.u32 s0, $0x8  }
0x23: {  	s4 =	simm.s32 $0x0;
	s1 =	sadd.s32 s3, s0  }
0x24: {  	[tilespmem:s4], [sflag:$0x1] =	stream.strided.gather [hbm4b:s1+s18], $0x200, s19, s18, $0x38;
	[tilespmem:$0x6F00] =	vst v63  }
0x25: {  	_ =	swait.ge [sflag:s14], $0x200  }
0x26: {  	[sflag:s14] =	ssyncset.done $0x0  }
0x27: {  	s0 =	sadd.s32 s0, s10;
	[sflag:s14] =	ssyncadd.s32 $0xFFFFFE00  }
0x28: {  	[tilespmem:s19], [sflag:$0x1] =	stream.strided.gather [hbm4b:s0+s18], $0x200, s19, s18, $0x38;
	[tilespmem:$0x6F00] =	vst v63  }
0x29: {  	_ =	swait.ge [sflag:s14], $0x200  }
0x2a: {  	[sflag:s14] =	ssyncset.done $0x0  }
0x2b: {  	v0 =	vimm.f32 $0.0e+00;
	s1 =	simm.s32 $0x0;
	s0 =	simm.s32 $0x40;
	[sflag:s14] =	ssyncadd.s32 $0xFFFFFE00  }
.LBB2_3:
0x2c: {  	p0 =	sne.s32 s0, $0x5FC0;
	[tilespmem:s1+$0x400] =	vst v0;
	s1 =	smov.u32 s0;
	s0 =	sadd.s32 $0x40, s0  }
.Ltmp0:
0x2d: {  	(pc) =	sbr.rel @p0 .LBB2_3-.Ltmp0, $2  }
0x2e: {  	_ =	sdelay $0x2  }
0x2f: {  	s1 =	sshra.s32 s1, $0x2  }
0x30: {  	[tilespmem:s1+$0x400] =	vst v0;
	s31 =	simm.s32 $0x0  }
0x31: {  	v2 =	vld [tilespmem:s31+$0x200]  }
0x32: {  	s0 =	simm.s32 $0x40;
	v1 =	vmov v0  }
.LBB2_5:
0x33: {  	p0 =	sne.s32 s0, $0x7C0  }
.Ltmp1:
0x34: {  	_ = 	snop;
	(pc) =	sbr.rel @p0 .LBB2_5-.Ltmp1, $4  }
0x35: {  	_ = 	snop  }
0x36: {  	s1 =	sshra.s32 s0, $0x2;
	s0 =	sadd.s32 $0x40, s0;
	v0 =	vadd.f32 v2, v0;
	v3 =	vmul.f32 v2, v2  }
0x37: {  	v2 =	vld [tilespmem:s1+$0x200]  }
0x38: {  	v1 =	vadd.f32 v3, v1  }
0x39: {  	v7 =	vld [tilespmem:$0x1FFC0];
	_ =	sdelay $0x4  }
0x3a: {  	v0 =	vadd.f32 v2, v0;
	_ =	sdelay $0x1  }
0x3b: {  	v8 =	vld [tilespmem:$0x1FFD0];
	[tilespmem:$0x1D80] =	vst v0  }
0x3c: {  	v3 =	vld.idx.msk [tilespmem:v7+s20+$0x0], $0xffff;
	_ =	sdelay $0x4  }
0x3d: {  	v0 =	vadd.f32 v3, v0;
	_ =	sdelay $0x1  }
0x3e: {  	v9 =	vld [tilespmem:$0x1FFE0];
	[tilespmem:$0x1D80] =	vst v0  }
0x3f: {  	v3 =	vld.idx.msk [tilespmem:v8+s20+$0x0], $0xffff;
	_ =	sdelay $0x4  }
0x40: {  	v0 =	vadd.f32 v3, v0;
	_ =	sdelay $0x1  }
0x41: {  	v10 =	vld [tilespmem:$0x1FFF0];
	[tilespmem:$0x1D80] =	vst v0  }
0x42: {  	v3 =	vld.idx.msk [tilespmem:v9+s20+$0x0], $0xffff;
	_ =	sdelay $0x3  }
0x43: {  	v2 =	vmul.f32 v2, v2  }
0x44: {  	v0 =	vadd.f32 v3, v0  }
0x45: {  	v1 =	vadd.f32 v2, v1  }
0x46: {  	[tilespmem:$0x1D80] =	vst v0  }
0x47: {  	v2 =	vld.idx.msk [tilespmem:v10+s20+$0x0], $0xffff;
	[tilespmem:$0x1D80] =	vst v1  }
0x48: {  	v3 =	vld.idx.msk [tilespmem:v7+s20+$0x0], $0xffff;
	_ =	sdelay $0x4  }
0x49: {  	v1 =	vadd.f32 v3, v1;
	_ =	sdelay $0x1  }
0x4a: {  	[tilespmem:$0x1D80] =	vst v1  }
0x4b: {  	v3 =	vld.idx.msk [tilespmem:v8+s20+$0x0], $0xffff;
	_ =	sdelay $0x4  }
0x4c: {  	v1 =	vadd.f32 v3, v1;
	_ =	sdelay $0x1  }
0x4d: {  	[tilespmem:$0x1D80] =	vst v1  }
0x4e: {  	v3 =	vld.idx.msk [tilespmem:v9+s20+$0x0], $0xffff;
	_ =	sdelay $0x4  }
0x4f: {  	v1 =	vadd.f32 v3, v1;
	_ =	sdelay $0x1  }
0x50: {  	[tilespmem:$0x1D80] =	vst v1  }
0x51: {  	v3 =	vld.idx.msk [tilespmem:v10+s20+$0x0], $0xffff;
	_ =	sdelay $0x2  }
0x52: {  	v0 =	vadd.f32 v2, v0;
	_ =	sdelay $0x1  }
0x53: {  	v0 =	vmul.f32 $1.953125000e-03, v0;
	v1 =	vadd.f32 v3, v1;
	_ =	sdelay $0x1  }
0x54: {  	v2 =	vmul.f32 v0, v0;
	v1 =	vmul.f32 $1.953125000e-03, v1;
	_ =	sdelay $0x1  }
0x55: {  	v1 =	vsub.f32 v1, v2;
	_ =	sdelay $0x1  }
0x56: {  	v2 =	vshra.s32 v1, $0x1;
	v1 =	vmul.f32 $5.000000000e-01, v1  }
0x57: {  	v2 =	vsub.s32 $0x5F3759DF, v2  }
0x58: {  	v3 =	vmul.f32 v2, v1;
	_ =	sdelay $0x1  }
0x59: {  	v3 =	vmul.f32 v2, v3;
	_ =	sdelay $0x1  }
0x5a: {  	v3 =	vsub.f32 $1.500000000e+00, v3;
	_ =	sdelay $0x1  }
0x5b: {  	v2 =	vmul.f32 v2, v3;
	_ =	sdelay $0x1  }
0x5c: {  	v3 =	vmul.f32 v2, v1;
	_ =	sdelay $0x1  }
0x5d: {  	v3 =	vmul.f32 v3, v2;
	_ =	sdelay $0x1  }
0x5e: {  	v3 =	vsub.f32 $1.500000000e+00, v3;
	_ =	sdelay $0x1  }
0x5f: {  	v2 =	vmul.f32 v3, v2;
	_ =	sdelay $0x1  }
0x60: {  	v3 =	vmul.f32 v2, v1;
	_ =	sdelay $0x1  }
0x61: {  	v3 =	vmul.f32 v3, v2;
	_ =	sdelay $0x1  }
0x62: {  	v3 =	vsub.f32 $1.500000000e+00, v3;
	_ =	sdelay $0x1  }
0x63: {  	v2 =	vmul.f32 v3, v2;
	_ =	sdelay $0x1  }
0x64: {  	v1 =	vmul.f32 v2, v1;
	_ =	sdelay $0x1  }
0x65: {  	v1 =	vmul.f32 v1, v2;
	_ =	sdelay $0x1  }
0x66: {  	v1 =	vsub.f32 $1.500000000e+00, v1;
	_ =	sdelay $0x1  }
0x67: {  	s25 =	simm.s32 $0x0;
	s0 =	simm.s32 $0x0;
	s1 =	simm.s32 $0x40;
	v1 =	vmul.f32 v1, v2  }
.LBB2_7:
0x68: {  	p0 =	sne.s32 s1, $0x7C0;
	v2 =	vld [tilespmem:s0+$0x200];
	_ =	sdelay $0x4  }
.Ltmp2:
0x69: {  	v2 =	vsub.f32 v2, v0;
	(pc) =	sbr.rel @p0 .LBB2_7-.Ltmp2, $3  }
0x6a: {  	_ = 	snop  }
0x6b: {  	v2 =	vmul.f32 v2, v1;
	_ =	sdelay $0x1  }
0x6c: {  	[tilespmem:s0+$0x200] =	vst v2;
	s0 =	sshra.s32 s1, $0x2;
	s1 =	sadd.s32 $0x40, s1  }
0x6d: {  	v2 =	vld [tilespmem:s0+$0x200];
	_ =	sdelay $0x4  }
.Ltmp3:
0x6e: {  	v0 =	vsub.f32 v2, v0;
	(pc) =	sbr.rel .LBB2_9-.Ltmp3, $3  }
0x6f: {  	_ = 	snop  }
0x70: {  	v0 =	vmul.f32 v0, v1;
	_ =	sdelay $0x1  }
0x71: {  	s26 =	simm.s32 $0x10;
	[tilespmem:s0+$0x200] =	vst v0  }
.LBB2_11:
0x72: {  	_ = 	snop  }
0x73: {  	_ = 	snop  }
0x74: {  	_ = 	snop  }
0x75: {  	_ = 	snop  }
0x76: {  	_ = 	snop  }
0x77: {  	v29 =	vmov v24;
	v22 =	vmov v25  }
.LBB2_22:
0x78: {  	vm2 =	vge.f32 v30, v61  }
0x79: {  	vm13 =	vge.f32 v39, v63;
	v1 =	vadd.s32 v50, v41;
	v0 =	vsel vm2, $0x10, v5  }
0x7a: {  	v2 =	vsel vm13, $0x100, v5;
	v0 =	vadd.s32 v0, v1  }
0x7b: {  	v41 =	vsub.f32 v29, v19;
	v0 =	vadd.s32 v2, v0  }
0x7c: {  	v0 =	vadd.s32 v4, v0  }
0x7d: {  	v50 =	vshrl.u32 v37, $0x13;
	v1 =	vand.u32 $0x7FFFFFFF, v41  }
0x7e: {  	v3 =	vshrl.u32 v1, $0x13;
	_ =	sdelay $0x2  }
0x7f: {  	[tilespmem:v0+s21+$0x0] =	vst.idx.add.f32.msk $0xffff, v6  }
0x80: {  	v0 =	vld.idx.msk [tilespmem:v50+s16+$0x0], $0xffff  }
0x81: {  	v51 =	vld.idx.msk [tilespmem:v3+s17+$0x0], $0xffff;
	_ =	sdelay $0x6  }
0x82: {  	v3 =	vld.idx.msk [tilespmem:v0+s13+$0x0], $0xffff  }
0x83: {  	v61 =	vld.idx.msk [tilespmem:v51+s15+$0x0], $0xffff;
	_ =	sdelay $0x3  }
0x84: {  	vm14 =	vge.f32 v37, v3  }
0x85: {  	v0 =	vadd.s32 v51, v0;
	vm15 =	vge.f32 v1, v61;
	v3 =	vsel vm14, $0x10, v5  }
0x86: {  	v41 =	vsub.f32 v29, v18;
	v18 =	vld.idx.msk @p0 [tilespmem:v57+s13+$0x0], $0xffff;
	v1 =	vsel vm15, $0x100, v5;
	v0 =	vadd.s32 v3, v0  }
0x87: {  	v63 =	vsub.f32 v22, v17;
	v19 =	vld.idx.msk @p0 [tilespmem:v59+s15+$0x0], $0xffff;
	v0 =	vadd.s32 v1, v0  }
0x88: {  	v0 =	vadd.s32 v4, v0  }
0x89: {  	v3 =	vshrl.u32 v63, $0x13;
	v1 =	vand.u32 $0x7FFFFFFF, v41  }
0x8a: {  	v50 =	vshrl.u32 v1, $0x13  }
0x8b: {  	vm2 =	vge.f32 @p0 v52, v18  }
0x8c: {  	v18 =	vadd.s32 @p0 v59, v57;
	v17 =	vsel @p0 vm2, $0x10, v5;
	vm2 =	vge.f32 @p0 v55, v19  }
0x8d: {  	v19 =	vsel @p0 vm2, $0x100, v5;
	v17 =	vadd.s32 @p0 v17, v18;
	[tilespmem:v0+s21+$0x0] =	vst.idx.add.f32.msk $0xffff, v6  }
0x8e: {  	v18 =	vsub.f32 @p0 v21, v15;
	v17 =	vadd.s32 @p0 v19, v17;
	v0 =	vld.idx.msk [tilespmem:v3+s16+$0x0], $0xffff  }
0x8f: {  	v17 =	vadd.s32 @p0 v4, v17;
	v3 =	vld.idx.msk [tilespmem:v50+s17+$0x0], $0xffff  }
0x90: {  	v23 =	vshrl.u32 @p0 v18, $0x13;
	_ =	sdelay $0x2  }
0x91: {  	v19 =	vsub.f32 @p0 v31, v16  }
0x92: {  	[tilespmem:v17+s21+$0x0] =	vst.idx.add.f32.msk @p0 $0xffff, v6  }
0x93: {  	v19 =	vand.u32 @p0 $0x7FFFFFFF, v19;
	v17 =	vld.idx.msk @p0 [tilespmem:v23+s16+$0x0], $0xffff  }
0x94: {  	v30 =	vshrl.u32 @p0 v19, $0x13;
	v32 =	vld.idx.msk [tilespmem:v0+s13+$0x0], $0xffff  }
0x95: {  	v51 =	vld.idx.msk [tilespmem:v3+s15+$0x0], $0xffff;
	_ =	sdelay $0x3  }
0x96: {  	v23 =	vld.idx.msk @p0 [tilespmem:v30+s17+$0x0], $0xffff;
	vm4 =	vge.f32 v63, v32  }
0x97: {  	v0 =	vadd.s32 v3, v0;
	vm5 =	vge.f32 v1, v51;
	v2 =	vsel vm4, $0x10, v5  }
0x98: {  	v55 =	vsub.f32 v29, v16;
	v16 =	vld.idx.msk @p0 [tilespmem:v17+s13+$0x0], $0xffff;
	v1 =	vsel vm5, $0x100, v5;
	v0 =	vadd.s32 v2, v0  }
0x99: {  	v52 =	vsub.f32 v22, v15;
	v0 =	vadd.s32 v1, v0  }
0x9a: {  	v0 =	vadd.s32 v4, v0  }
0x9b: {  	[tilespmem:v44+s21+$0x0] =	vst.idx.add.f32.msk @p1 $0xffff, v6;
	v3 =	vshrl.u32 v52, $0x13;
	v1 =	vand.u32 $0x7FFFFFFF, v55  }
0x9c: {  	v15 =	vld.idx.msk @p1 [tilespmem:v47+s16+$0x0], $0xffff;
	v57 =	vshrl.u32 v1, $0x13  }
0x9d: {  	vm2 =	vge.f32 @p0 v18, v16;
	v16 =	vld.idx.msk @p1 [tilespmem:v48+s17+$0x0], $0xffff  }
0x9e: {  	v30 =	vld.idx.msk @p0 [tilespmem:v23+s15+$0x0], $0xffff  }
0x9f: {  	[tilespmem:v0+s21+$0x0] =	vst.idx.add.f32.msk $0xffff, v6  }
0xa0: {  	v0 =	vld.idx.msk [tilespmem:v3+s16+$0x0], $0xffff  }
0xa1: {  	v3 =	vld.idx.msk [tilespmem:v57+s17+$0x0], $0xffff;
	_ =	sdelay $0x1  }
0xa2: {  	v18 =	vsel @p0 vm2, $0x10, v5;
	vm2 =	vge.f32 @p0 v19, v30  }
0xa3: {  	v37 =	vld.idx.msk @p1 [tilespmem:v15+s13+$0x0], $0xffff;
	v19 =	vmov @p0 v21;
	v21 =	vsel @p0 vm2, $0x100, v5  }
0xa4: {  	v17 =	vadd.s32 @p0 v23, v17;
	v39 =	vld.idx.msk @p1 [tilespmem:v16+s15+$0x0], $0xffff  }
0xa5: {  	v17 =	vadd.s32 @p0 v18, v17;
	v59 =	vld [tilespmem:$0x1FFA0]  }
0xa6: {  	v17 =	vadd.s32 @p0 v21, v17;
	v21 =	vmov @p0 v31;
	v44 =	vld [tilespmem:$0x1FFB0]  }
0xa7: {  	v18 =	vsub.f32 @p0 v19, v13;
	v30 =	vsub.f32 @p0 v21, v14;
	v61 =	vld.idx.msk [tilespmem:v0+s13+$0x0], $0xffff  }
0xa8: {  	v48 =	vsub.f32 v29, v14;
	vm2 =	vge.f32 @p1 v58, v37;
	v17 =	vadd.s32 @p0 v4, v17;
	v63 =	vld.idx.msk [tilespmem:v3+s15+$0x0], $0xffff  }
0xa9: {  	v23 =	vshrl.u32 @p0 v18, $0x13;
	v17 =	vpsel p0, v17, v40;
	v30 =	vand.u32 @p0 $0x7FFFFFFF, v30  }
0xaa: {  	v14 =	vadd.s32 @p1 v16, v15;
	v40 =	vshrl.u32 @p0 v30, $0x13;
	v23 =	vpsel p0, v23, v59  }
0xab: {  	v0 =	vadd.s32 v3, v0;
	v3 =	vsel @p1 vm2, $0x10, v5;
	vm2 =	vge.f32 @p1 v60, v39  }
0xac: {  	v40 =	vpsel p0, v40, v44;
	v16 =	vsel @p1 vm2, $0x100, v5;
	vm6 =	vge.f32 v52, v61  }
0xad: {  	v3 =	vadd.s32 @p1 v3, v14;
	vm7 =	vge.f32 v1, v63;
	v2 =	vsel vm6, $0x10, v5  }
0xae: {  	v3 =	vadd.s32 @p1 v16, v3;
	v1 =	vsel vm7, $0x100, v5;
	v0 =	vadd.s32 v2, v0  }
0xaf: {  	v47 =	vsub.f32 v22, v13;
	v3 =	vadd.s32 @p1 v4, v3;
	v0 =	vadd.s32 v1, v0  }
0xb0: {  	[tilespmem:v17+s21+$0x0] =	vst.idx.add.f32.msk @p0 $0xffff, v6;
	v0 =	vadd.s32 v4, v0  }
0xb1: {  	v50 =	vshrl.u32 v47, $0x13;
	v17 =	vld.idx.msk @p0 [tilespmem:v23+s16+$0x0], $0xffff;
	v1 =	vand.u32 $0x7FFFFFFF, v48  }
0xb2: {  	v13 =	vld.idx.msk @p0 [tilespmem:v40+s17+$0x0], $0xffff;
	v51 =	vshrl.u32 v1, $0x13;
	_ =	sdelay $0x1  }
0xb3: {  	v23 =	vsub.f32 @p1 v20, v11;
	[tilespmem:v3+s21+$0x0] =	vst.idx.add.f32.msk @p1 $0xffff, v6  }
0xb4: {  	v16 =	vsub.f32 @p1 v27, v12;
	[tilespmem:v0+s21+$0x0] =	vst.idx.add.f32.msk $0xffff, v6  }
0xb5: {  	v32 =	vshrl.u32 @p1 v23, $0x13;
	v15 =	vld.idx.msk [tilespmem:v50+s16+$0x0], $0xffff  }
0xb6: {  	v34 =	vadd.s32 @p2 v35, v34;
	v16 =	vand.u32 @p1 $0x7FFFFFFF, v16;
	v0 =	vsel @p2 vm1, $0x100, v5;
	v14 =	vld.idx.msk [tilespmem:v51+s17+$0x0], $0xffff  }
0xb7: {  	v0 =	vadd.s32 @p2 v0, v34;
	v34 =	vshrl.u32 @p1 v16, $0x13;
	v52 =	vld [tilespmem:$0x1FF90]  }
0xb8: {  	v31 =	vld.idx.msk @p0 [tilespmem:v17+s13+$0x0], $0xffff;
	v0 =	vadd.s32 @p2 v4, v0  }
0xb9: {  	v35 =	vld.idx.msk @p0 [tilespmem:v13+s15+$0x0], $0xffff  }
0xba: {  	v3 =	vld.idx.msk @p1 [tilespmem:v32+s16+$0x0], $0xffff;
	v32 =	vand.u32 @p2 $0x7FFFFFFF, v33  }
0xbb: {  	v13 =	vadd.s32 @p0 v13, v17;
	v17 =	vshrl.u32 @p2 v32, $0x13  }
0xbc: {  	v18 =	vpsel p0, v18, v52;
	v34 =	vld.idx.msk @p1 [tilespmem:v34+s17+$0x0], $0xffff  }
0xbd: {  	v30 =	vpsel p0, v30, v42;
	vm1 =	vge.f32 @p0 v18, v31;
	[tilespmem:v0+s21+$0x0] =	vst.idx.add.f32.msk @p2 $0xffff, v6  }
0xbe: {  	v0 =	vsel @p0 vm1, $0x10, v5;
	vm1 =	vge.f32 @p0 v30, v35;
	v55 =	vld.idx.msk [tilespmem:v15+s13+$0x0], $0xffff  }
0xbf: {  	v33 =	vshrl.u32 @p2 v53, $0x13;
	v18 =	vsel @p0 vm1, $0x100, v5;
	v0 =	vadd.s32 @p0 v0, v13;
	v57 =	vld.idx.msk [tilespmem:v14+s15+$0x0], $0xffff  }
0xc0: {  	v21 =	vpsel p0, v21, v28;
	v17 =	vld.idx.msk @p2 [tilespmem:v17+s17+$0x0], $0xffff;
	v0 =	vadd.s32 @p0 v18, v0  }
0xc1: {  	v28 =	vsub.f32 @p0 v21, v12;
	v0 =	vadd.s32 @p0 v4, v0  }
0xc2: {  	v19 =	vpsel p0, v19, v26  }
0xc3: {  	v26 =	vsub.f32 @p0 v19, v11;
	v28 =	vand.u32 @p0 $0x7FFFFFFF, v28;
	v31 =	vld.idx.msk @p1 [tilespmem:v3+s13+$0x0], $0xffff;
	vm8 =	vge.f32 v47, v55  }
0xc4: {  	v58 =	vadd.s32 v14, v15;
	v30 =	vld.idx.msk @p2 [tilespmem:v33+s16+$0x0], $0xffff;
	vm9 =	vge.f32 v1, v57;
	v13 =	vsel vm8, $0x10, v5  }
0xc5: {  	v33 =	vshrl.u32 @p0 v26, $0x13;
	v2 =	vld.idx.msk @p1 [tilespmem:v34+s15+$0x0], $0xffff;
	v59 =	vsel vm9, $0x100, v5;
	v1 =	vadd.s32 v13, v58  }
0xc6: {  	v35 =	vshrl.u32 @p0 v28, $0x13;
	[tilespmem:v0+s21+$0x0] =	vst.idx.add.f32.msk @p0 $0xffff, v6;
	v0 =	vadd.s32 v59, v1  }
0xc7: {  	v60 =	vsub.f32 v22, v11;
	v0 =	vadd.s32 v4, v0  }
0xc8: {  	v61 =	vsub.f32 v29, v12;
	vm1 =	vge.f32 @p1 v23, v31;
	v23 =	vmov @p1 v27;
	v27 =	vld.idx.msk @p2 [tilespmem:v17+s15+$0x0], $0xffff  }
0xc9: {  	v37 =	vld [tilespmem:$0x1FF80]  }
0xca: {  	v63 =	vshrl.u32 v60, $0x13;
	v15 =	vsel @p1 vm1, $0x10, v5;
	v14 =	vld.idx.msk @p0 [tilespmem:v33+s16+$0x0], $0xffff;
	v1 =	vand.u32 $0x7FFFFFFF, v61  }
0xcb: {  	v18 =	vld.idx.msk @p0 [tilespmem:v35+s17+$0x0], $0xffff;
	vm1 =	vge.f32 @p1 v16, v2;
	v2 =	vadd.s32 @p1 v34, v3;
	v3 =	vshrl.u32 v1, $0x13  }
0xcc: {  	[tilespmem:v0+s21+$0x0] =	vst.idx.add.f32.msk $0xffff, v6  }
0xcd: {  	v0 =	vld [tilespmem:$0x1FF70]  }
0xce: {  	vm0 =	vmmov @p1 vm1;
	v2 =	vpsel p1, v2, v62;
	v15 =	vpsel p1, v15, v37;
	v39 =	vld [tilespmem:$0x1FF60]  }
0xcf: {  	v33 =	vsel @p1 vm0, $0x100, v5;
	v2 =	vadd.s32 @p1 v15, v2;
	v40 =	vld.idx.msk [tilespmem:v63+s16+$0x0], $0xffff  }
0xd0: {  	v13 =	vmov @p1 v20;
	v2 =	vadd.s32 @p1 v33, v2;
	v3 =	vld.idx.msk [tilespmem:v3+s17+$0x0], $0xffff  }
0xd1: {  	v12 =	vsub.f32 @p1 v13, v9;
	v16 =	vld.idx.msk @p2 [tilespmem:v30+s13+$0x0], $0xffff;
	v2 =	vadd.s32 @p1 v4, v2  }
0xd2: {  	v31 =	vsub.f32 @p1 v23, v10  }
0xd3: {  	v33 =	vld.idx.msk @p0 [tilespmem:v14+s13+$0x0], $0xffff;
	v12 =	vpsel p1, v12, v39  }
0xd4: {  	v34 =	vld.idx.msk @p0 [tilespmem:v18+s15+$0x0], $0xffff;
	v0 =	vpsel p1, v31, v0;
	v20 =	vshrl.u32 @p1 v12, $0x13  }
0xd5: {  	v50 =	vsub.f32 v29, v10;
	vm1 =	vge.f32 @p2 v32, v27;
	v0 =	vand.u32 @p1 $0x7FFFFFFF, v0  }
0xd6: {  	v27 =	vsub.f32 @p0 v21, v10;
	vm0 =	vge.f32 @p2 v53, v16;
	[tilespmem:v2+s21+$0x0] =	vst.idx.add.f32.msk @p1 $0xffff, v6;
	v31 =	vshrl.u32 @p1 v0, $0x13  }
0xd7: {  	v16 =	vadd.s32 @p2 v17, v30;
	v17 =	vsel @p2 vm1, $0x100, v5;
	v30 =	vsub.f32 @p0 v19, v9;
	v41 =	vld.idx.msk [tilespmem:v40+s13+$0x0], $0xffff  }
0xd8: {  	v14 =	vadd.s32 @p0 v18, v14;
	v2 =	vsel @p2 vm0, $0x10, v5;
	vm0 =	vge.f32 @p0 v26, v33;
	v42 =	vld.idx.msk [tilespmem:v3+s15+$0x0], $0xffff  }
0xd9: {  	v44 =	vadd.s32 v3, v40;
	v26 =	vsel @p0 vm0, $0x10, v5;
	vm0 =	vge.f32 @p0 v28, v34;
	v20 =	vld.idx.msk @p1 [tilespmem:v20+s16+$0x0], $0xffff  }
0xda: {  	v14 =	vpsel p0, v14, v0;
	vm0 =	vmmov @p0 vm0;
	v26 =	vpsel p0, v26, v0  }
0xdb: {  	v2 =	vadd.s32 @p2 v2, v16;
	v14 =	vadd.s32 @p0 v26, v14;
	v16 =	vld.idx.msk @p1 [tilespmem:v31+s17+$0x0], $0xffff;
	v31 =	vsel @p0 vm0, $0x100, v5  }
0xdc: {  	v2 =	vadd.s32 @p2 v17, v2;
	v17 =	vpsel p0, v27, v0;
	v14 =	vadd.s32 @p0 v31, v14  }
0xdd: {  	v26 =	vpsel p0, v30, v0;
	vm10 =	vge.f32 v60, v41;
	v14 =	vadd.s32 @p0 v4, v14  }
0xde: {  	v17 =	vand.u32 @p0 $0x7FFFFFFF, v17;
	vm11 =	vge.f32 v1, v42;
	v11 =	vsel vm10, $0x10, v5  }
0xdf: {  	v27 =	vshrl.u32 @p0 v26, $0x13;
	v47 =	vsel vm11, $0x100, v5;
	v1 =	vadd.s32 v11, v44  }
0xe0: {  	v30 =	vshrl.u32 @p0 v17, $0x13;
	v1 =	vadd.s32 v47, v1  }
0xe1: {  	v10 =	vand.u32 $0x7FFFFFFF, v50;
	v1 =	vadd.s32 v4, v1;
	v3 =	vld.idx.msk @p1 [tilespmem:v20+s13+$0x0], $0xffff  }
0xe2: {  	v48 =	vsub.f32 v22, v9;
	v52 =	vshrl.u32 v10, $0x13;
	[tilespmem:v14+s21+$0x0] =	vst.idx.add.f32.msk @p0 $0xffff, v6  }
0xe3: {  	v2 =	vadd.s32 @p2 v4, v2;
	v11 =	vld.idx.msk @p1 [tilespmem:v16+s15+$0x0], $0xffff  }
0xe4: {  	v51 =	vshrl.u32 v48, $0x13;
	v15 =	vsub.f32 @p2 v46, v7;
	v14 =	vsub.f32 @p2 v49, v8;
	v18 =	vld.idx.msk @p0 [tilespmem:v27+s16+$0x0], $0xffff  }
0xe5: {  	v28 =	vld.idx.msk @p0 [tilespmem:v30+s17+$0x0], $0xffff  }
0xe6: {  	v31 =	vshrl.u32 @p2 v15, $0x13;
	v14 =	vand.u32 @p2 $0x7FFFFFFF, v14;
	[tilespmem:v1+s21+$0x0] =	vst.idx.add.f32.msk $0xffff, v6  }
0xe7: {  	v1 =	vshrl.u32 @p2 v14, $0x13;
	v53 =	vld.idx.msk [tilespmem:v52+s17+$0x0], $0xffff;
	vm0 =	vge.f32 @p1 v12, v3;
	v3 =	vpsel p1, v13, v25  }
0xe8: {  	[tilespmem:v2+s21+$0x0] =	vst.idx.add.f32.msk @p2 $0xffff, v6;
	v2 =	vsel @p1 vm0, $0x10, v5;
	vm0 =	vge.f32 @p1 v0, v11;
	v0 =	vadd.s32 @p1 v16, v20  }
0xe9: {  	v11 =	vsel @p1 vm0, $0x100, v5;
	v0 =	vadd.s32 @p1 v2, v0;
	v2 =	vsub.f32 @p1 v3, v7;
	v3 =	vld.idx.msk [tilespmem:v51+s16+$0x0], $0xffff  }
0xea: {  	v0 =	vadd.s32 @p1 v11, v0  }
0xeb: {  	v12 =	vld.idx.msk @p2 [tilespmem:v31+s16+$0x0], $0xffff;
	v0 =	vadd.s32 @p1 v4, v0  }
0xec: {  	v16 =	vld.idx.msk @p0 [tilespmem:v18+s13+$0x0], $0xffff  }
0xed: {  	v20 =	vpsel p1, v23, v24;
	v1 =	vld.idx.msk @p2 [tilespmem:v1+s17+$0x0], $0xffff;
	v13 =	vshrl.u32 @p1 v2, $0x13  }
0xee: {  	v20 =	vsub.f32 @p1 v20, v8;
	v23 =	vld.idx.msk @p0 [tilespmem:v28+s15+$0x0], $0xffff  }
0xef: {  	v57 =	vld.idx.msk [tilespmem:v53+s15+$0x0], $0xffff  }
0xf0: {  	[tilespmem:v0+s21+$0x0] =	vst.idx.add.f32.msk @p1 $0xffff, v6;
	v0 =	vand.u32 @p1 $0x7FFFFFFF, v20  }
0xf1: {  	vm0 =	vge.f32 @p0 v26, v16;
	v20 =	vshrl.u32 @p1 v0, $0x13;
	v55 =	vld.idx.msk [tilespmem:v3+s13+$0x0], $0xffff  }
0xf2: {  	v13 =	vld.idx.msk @p1 [tilespmem:v13+s16+$0x0], $0xffff;
	v19 =	vpsel p0, v19, v0;
	v24 =	vsel @p0 vm0, $0x10, v5  }
0xf3: {  	vm0 =	vge.f32 @p0 v17, v23;
	v17 =	vadd.s32 @p0 v28, v18;
	v21 =	vpsel p0, v21, v0  }
0xf4: {  	v3 =	vadd.s32 v53, v3;
	v23 =	vsel @p0 vm0, $0x100, v5;
	v17 =	vadd.s32 @p0 v24, v17  }
0xf5: {  	v19 =	vsub.f32 @p0 v19, v7;
	v21 =	vsub.f32 @p0 v21, v8;
	v17 =	vadd.s32 @p0 v23, v17  }
0xf6: {  	vm13 =	vge.f32 v10, v57;
	v17 =	vadd.s32 @p0 v4, v17;
	v20 =	vld.idx.msk @p1 [tilespmem:v20+s17+$0x0], $0xffff;
	vm12 =	vge.f32 v48, v55  }
0xf7: {  	v21 =	vand.u32 @p0 $0x7FFFFFFF, v21;
	v23 =	vshrl.u32 @p0 v19, $0x13;
	v9 =	vsel vm12, $0x10, v5  }
0xf8: {  	v10 =	vld.idx.msk @p2 [tilespmem:v12+s13+$0x0], $0xffff;
	v58 =	vsel vm13, $0x100, v5;
	v11 =	vshrl.u32 @p0 v21, $0x13;
	v3 =	vadd.s32 v9, v3  }
0xf9: {  	v7 =	vsub.f32 v22, v7;
	v8 =	vsub.f32 v29, v8;
	v9 =	vld.idx.msk @p2 [tilespmem:v1+s15+$0x0], $0xffff;
	v3 =	vadd.s32 v58, v3  }
0xfa: {  	v16 =	vld.idx.msk @p1 [tilespmem:v13+s13+$0x0], $0xffff;
	v3 =	vadd.s32 v4, v3  }
0xfb: {  	v14 =	vpsel p2, v14, v0;
	v8 =	vand.u32 $0x7FFFFFFF, v8;
	v59 =	vshrl.u32 v7, $0x13;
	[tilespmem:v17+s21+$0x0] =	vst.idx.add.f32.msk @p0 $0xffff, v6  }
0xfc: {  	v2 =	vpsel p1, v2, v0;
	vm0 =	vge.f32 @p3 v36, v54;
	v60 =	vshrl.u32 v8, $0x13;
	v18 =	vld.idx.msk @p0 [tilespmem:v23+s16+$0x0], $0xffff  }
0xfd: {  	v24 =	vadd.s32 @p3 v45, v43;
	v12 =	vpsel p2, v12, v0;
	v23 =	vsel @p3 vm0, $0x10, v5;
	v11 =	vld.idx.msk @p0 [tilespmem:v11+s17+$0x0], $0xffff  }
0xfe: {  	v10 =	vpsel p2, v10, v0;
	v1 =	vpsel p2, v1, v0;
	v23 =	vadd.s32 @p3 v23, v24;
	v24 =	vld.idx.msk @p1 [tilespmem:v20+s15+$0x0], $0xffff  }
0xff: {  	v1 =	vadd.s32 @p2 v1, v12;
	vm0 =	vge.f32 @p3 v38, v56;
	[tilespmem:v3+s21+$0x0] =	vst.idx.add.f32.msk $0xffff, v6  }
0x100: {  	v25 =	vsel @p3 vm0, $0x100, v5;
	v9 =	vpsel p2, v9, v0;
	v3 =	vpsel p2, v15, v0;
	v61 =	vld.idx.msk [tilespmem:v59+s16+$0x0], $0xffff  }
0x101: {  	v12 =	vpsel p1, v16, v0;
	v0 =	vpsel p1, v0, v0;
	vm0 =	vge.f32 @p2 v3, v10;
	v3 =	vld.idx.msk [tilespmem:v60+s17+$0x0], $0xffff  }
0x102: {  	v13 =	vpsel p1, v13, v0  }
0x103: {  	v17 =	vpsel p1, v20, v0;
	v10 =	vsel @p2 vm0, $0x10, v5;
	vm0 =	vge.f32 @p2 v14, v9  }
0x104: {  	v9 =	vsel @p2 vm0, $0x100, v5;
	v16 =	vld.idx.msk @p0 [tilespmem:v18+s13+$0x0], $0xffff;
	vm0 =	vge.f32 @p1 v2, v12;
	v14 =	vpsel p1, v24, v0  }
0x105: {  	v2 =	vld.idx.msk @p0 [tilespmem:v11+s15+$0x0], $0xffff;
	v12 =	vsel @p1 vm0, $0x10, v5;
	vm0 =	vge.f32 @p1 v0, v14;
	v0 =	vadd.s32 @p1 v17, v13  }
0x106: {  	v1 =	vadd.s32 @p2 v10, v1;
	v10 =	vsel @p1 vm0, $0x100, v5;
	v0 =	vadd.s32 @p1 v12, v0  }
0x107: {  	v0 =	vadd.s32 @p1 v10, v0  }
0x108: {  	v23 =	vadd.s32 @p3 v25, v23;
	v1 =	vadd.s32 @p2 v9, v1;
	v0 =	vadd.s32 @p1 v4, v0;
	v62 =	vld.idx.msk [tilespmem:v61+s13+$0x0], $0xffff  }
0x109: {  	v1 =	vadd.s32 @p2 v4, v1;
	v12 =	vadd.s32 @p3 v4, v23;
	v10 =	vpsel p0, v19, v0;
	v63 =	vld.idx.msk [tilespmem:v3+s15+$0x0], $0xffff  }
0x10a: {  	v14 =	vpsel p0, v16, v0;
	v16 =	vpsel p0, v21, v0;
	v2 =	vpsel p0, v2, v0  }
0x10b: {  	v17 =	vpsel p0, v18, v0;
	v11 =	vpsel p0, v11, v0;
	vm0 =	vge.f32 @p0 v10, v14  }
0x10c: {  	v3 =	vadd.s32 v3, v61;
	v10 =	vsel @p0 vm0, $0x10, v5;
	vm0 =	vge.f32 @p0 v16, v2  }
0x10d: {  	v2 =	vadd.s32 @p0 v11, v17;
	v11 =	vsel @p0 vm0, $0x100, v5;
	vm14 =	vge.f32 v7, v62  }
0x10e: {  	v2 =	vadd.s32 @p0 v10, v2;
	vm15 =	vge.f32 v8, v63;
	v7 =	vsel vm14, $0x10, v5  }
0x10f: {  	v2 =	vadd.s32 @p0 v11, v2;
	v8 =	vsel vm15, $0x100, v5;
	v3 =	vadd.s32 v7, v3  }
0x110: {  	v2 =	vadd.s32 @p0 v4, v2;
	v3 =	vadd.s32 v8, v3  }
0x111: {  	v3 =	vadd.s32 v4, v3  }
0x112: {  	[tilespmem:v1+s21+$0x0] =	vst.idx.add.f32.msk @p2 $0xffff, v6  }
0x113: {  	[tilespmem:v12+s21+$0x0] =	vst.idx.add.f32.msk @p3 $0xffff, v6  }
0x114: {  	[tilespmem:v0+s21+$0x0] =	vst.idx.add.f32.msk @p1 $0xffff, v6  }
0x115: {  	[tilespmem:v2+s21+$0x0] =	vst.idx.add.f32.msk @p0 $0xffff, v6  }
0x116: {  	[tilespmem:v3+s21+$0x0] =	vst.idx.add.f32.msk $0xffff, v6  }
.LBB2_23:
0x117: {  	s25 =	sadd.s32 $0x1, s25  }
0x118: {  	p0 =	sne.s32 s25, $0x40  }
.Ltmp4:
0x119: {  	_ = 	snop;
	(pc) =	sbr.rel @!p0 .LBB2_24-.Ltmp4, $2  }
0x11a: {  	_ =	sdelay $0x2  }
0x11b: {  	s26 =	sadd.s32 $0x8, s26  }
.LBB2_9:
0x11c: {  	s28 =	sshll.u32 s25, $0x3  }
0x11d: {  	s0 =	sadd.s32 $0x10, s28  }
0x11e: {  	v2 =	vmov s28;
	s0 =	sshrl.u32 s0, $0x4  }
0x11f: {  	s0 =	smax.u32 s0, $0x2  }
0x120: {  	s29 =	sshll.u32 s0, $0x4  }
0x121: {  	v0 =	vld [tilespmem:s29+$0xFFFFFFE0]  }
0x122: {  	v1 =	vld [tilespmem:s29+$0x1E0]  }
0x123: {  	v20 =	vld.idx.msk [tilespmem:v2+s2+$0x0], $0xffff  }
0x124: {  	v21 =	vld.idx.msk [tilespmem:v2+s19+$0x0], $0xffff;
	_ =	sdelay $0x4  }
0x125: {  	v3 =	vsub.f32 v0, v20;
	v7 =	vsub.f32 v1, v21;
	_ =	sdelay $0x1  }
0x126: {  	v7 =	vand.u32 $0x7FFFFFFF, v7;
	v8 =	vshrl.u32 v3, $0x13  }
0x127: {  	v9 =	vshrl.u32 v7, $0x13;
	_ =	sdelay $0x3  }
0x128: {  	v8 =	vld.idx.msk [tilespmem:v8+s16+$0x0], $0xffff  }
0x129: {  	v10 =	vor.u32 $0x1, v2;
	v9 =	vld.idx.msk [tilespmem:v9+s17+$0x0], $0xffff  }
0x12a: {  	v12 =	vor.u32 $0x2, v2;
	_ =	sdelay $0x2  }
0x12b: {  	v14 =	vor.u32 $0x3, v2  }
0x12c: {  	v23 =	vld.idx.msk [tilespmem:v10+s2+$0x0], $0xffff  }
0x12d: {  	v22 =	vor.u32 $0x4, v2;
	v17 =	vld.idx.msk [tilespmem:v12+s2+$0x0], $0xffff  }
0x12e: {  	v11 =	vld.idx.msk [tilespmem:v8+s13+$0x0], $0xffff  }
0x12f: {  	v24 =	vor.u32 $0x5, v2;
	v16 =	vld.idx.msk [tilespmem:v9+s15+$0x0], $0xffff  }
0x130: {  	v25 =	vor.u32 $0x6, v2;
	v15 =	vld.idx.msk [tilespmem:v14+s2+$0x0], $0xffff  }
0x131: {  	v19 =	vld.idx.msk [tilespmem:v10+s19+$0x0], $0xffff  }
0x132: {  	s0 =	sadd.s32 $0xFFFFFFE0, s29;
	v13 =	vld.idx.msk [tilespmem:v22+s2+$0x0], $0xffff  }
0x133: {  	v26 =	vor.u32 $0x7, v2;
	v2 =	vor.u32 s0, v4;
	v18 =	vld.idx.msk [tilespmem:v12+s19+$0x0], $0xffff;
	vm0 =	vge.f32 v3, v11  }
0x134: {  	v12 =	vld.idx.msk [tilespmem:v24+s19+$0x0], $0xffff;
	v3 =	vadd.s32 v9, v8;
	v50 =	vsel vm0, $0x10, v5;
	vm5 =	vge.f32 v7, v16  }
0x135: {  	vm6 =	vgt.s32 v2, s28;
	v10 =	vld.idx.msk [tilespmem:v25+s19+$0x0], $0xffff;
	v8 =	vsel vm5, $0x100, v5;
	v3 =	vadd.s32 v50, v3  }
0x136: {  	v27 =	vsub.f32 v0, v23;
	v11 =	vld.idx.msk [tilespmem:v24+s2+$0x0], $0xffff;
	v3 =	vadd.s32 v8, v3;
	v8 =	vsub.f32 v1, v19  }
0x137: {  	v16 =	vld.idx.msk [tilespmem:v14+s19+$0x0], $0xffff;
	v3 =	vadd.s32 v4, v3  }
0x138: {  	v28 =	vshrl.u32 v27, $0x13;
	v14 =	vld.idx.msk [tilespmem:v22+s19+$0x0], $0xffff;
	v22 =	vand.u32 $0x7FFFFFFF, v8  }
0x139: {  	v9 =	vld.idx.msk [tilespmem:v25+s2+$0x0], $0xffff;
	v51 =	vshrl.u32 v22, $0x13  }
0x13a: {  	v7 =	vld.idx.msk [tilespmem:v26+s2+$0x0], $0xffff  }
0x13b: {  	v8 =	vld.idx.msk [tilespmem:v26+s19+$0x0], $0xffff  }
0x13c: {  	[tilespmem:v3+s21+$0x0] =	vst.idx.add.f32.msk vm6, v6  }
0x13d: {  	v3 =	vld.idx.msk [tilespmem:v28+s16+$0x0], $0xffff  }
0x13e: {  	v24 =	vld.idx.msk [tilespmem:v51+s17+$0x0], $0xffff;
	_ =	sdelay $0x6  }
0x13f: {  	v52 =	vld.idx.msk [tilespmem:v3+s13+$0x0], $0xffff  }
0x140: {  	v53 =	vld.idx.msk [tilespmem:v24+s15+$0x0], $0xffff;
	_ =	sdelay $0x3  }
0x141: {  	vm7 =	vge.f32 v27, v52  }
0x142: {  	s30 =	sor.u32 $0x1, s28;
	v3 =	vadd.s32 v24, v3;
	v25 =	vsel vm7, $0x10, v5;
	vm8 =	vge.f32 v22, v53  }
0x143: {  	vm9 =	vgt.s32 v2, s30;
	v22 =	vsel vm8, $0x100, v5;
	v3 =	vadd.s32 v25, v3  }
0x144: {  	v54 =	vsub.f32 v1, v18;
	v3 =	vadd.s32 v22, v3;
	v22 =	vsub.f32 v0, v17  }
0x145: {  	v3 =	vadd.s32 v4, v3  }
0x146: {  	v24 =	vand.u32 $0x7FFFFFFF, v54;
	v55 =	vshrl.u32 v22, $0x13  }
0x147: {  	v56 =	vshrl.u32 v24, $0x13;
	_ =	sdelay $0x2  }
0x148: {  	[tilespmem:v3+s21+$0x0] =	vst.idx.add.f32.msk vm9, v6  }
0x149: {  	v3 =	vld.idx.msk [tilespmem:v55+s16+$0x0], $0xffff  }
0x14a: {  	v57 =	vld.idx.msk [tilespmem:v56+s17+$0x0], $0xffff;
	_ =	sdelay $0x6  }
0x14b: {  	v58 =	vld.idx.msk [tilespmem:v3+s13+$0x0], $0xffff  }
0x14c: {  	v59 =	vld.idx.msk [tilespmem:v57+s15+$0x0], $0xffff;
	_ =	sdelay $0x3  }
0x14d: {  	vm10 =	vge.f32 v22, v58  }
0x14e: {  	s31 =	sor.u32 $0x2, s28;
	v3 =	vadd.s32 v57, v3;
	vm11 =	vge.f32 v24, v59;
	v22 =	vsel vm10, $0x10, v5  }
0x14f: {  	vm12 =	vgt.s32 v2, s31;
	v24 =	vsel vm11, $0x100, v5;
	v3 =	vadd.s32 v22, v3  }
0x150: {  	v60 =	vsub.f32 v1, v16;
	v22 =	vsub.f32 v0, v15;
	v3 =	vadd.s32 v24, v3  }
0x151: {  	v3 =	vadd.s32 v4, v3  }
0x152: {  	v24 =	vand.u32 $0x7FFFFFFF, v60;
	v61 =	vshrl.u32 v22, $0x13  }
0x153: {  	v62 =	vshrl.u32 v24, $0x13;
	_ =	sdelay $0x2  }
0x154: {  	[tilespmem:v3+s21+$0x0] =	vst.idx.add.f32.msk vm12, v6  }
0x155: {  	v3 =	vld.idx.msk [tilespmem:v61+s16+$0x0], $0xffff  }
0x156: {  	v63 =	vld.idx.msk [tilespmem:v62+s17+$0x0], $0xffff;
	_ =	sdelay $0x6  }
0x157: {  	v30 =	vld.idx.msk [tilespmem:v3+s13+$0x0], $0xffff  }
0x158: {  	v31 =	vld.idx.msk [tilespmem:v63+s15+$0x0], $0xffff;
	_ =	sdelay $0x3  }
0x159: {  	vm13 =	vge.f32 v22, v30  }
0x15a: {  	s0 =	sor.u32 $0x3, s28;
	v3 =	vadd.s32 v63, v3;
	vm14 =	vge.f32 v24, v31;
	v22 =	vsel vm13, $0x10, v5  }
0x15b: {  	vm15 =	vgt.s32 v2, s0;
	v24 =	vsel vm14, $0x100, v5;
	v3 =	vadd.s32 v22, v3  }
0x15c: {  	v32 =	vsub.f32 v1, v14;
	v22 =	vsub.f32 v0, v13;
	v3 =	vadd.s32 v24, v3  }
0x15d: {  	v3 =	vadd.s32 v4, v3  }
0x15e: {  	v24 =	vand.u32 $0x7FFFFFFF, v32;
	v33 =	vshrl.u32 v22, $0x13  }
0x15f: {  	v34 =	vshrl.u32 v24, $0x13;
	_ =	sdelay $0x2  }
0x160: {  	[tilespmem:v3+s21+$0x0] =	vst.idx.add.f32.msk vm15, v6  }
0x161: {  	v3 =	vld.idx.msk [tilespmem:v33+s16+$0x0], $0xffff  }
0x162: {  	v35 =	vld.idx.msk [tilespmem:v34+s17+$0x0], $0xffff;
	_ =	sdelay $0x6  }
0x163: {  	v36 =	vld.idx.msk [tilespmem:v3+s13+$0x0], $0xffff  }
0x164: {  	v37 =	vld.idx.msk [tilespmem:v35+s15+$0x0], $0xffff;
	_ =	sdelay $0x3  }
0x165: {  	vm4 =	vge.f32 v22, v36  }
0x166: {  	v3 =	vadd.s32 v35, v3;
	vm5 =	vge.f32 v24, v37;
	v22 =	vsel vm4, $0x10, v5  }
0x167: {  	s5 =	sor.u32 $0x4, s28;
	v38 =	vsub.f32 v1, v12;
	v24 =	vsel vm5, $0x100, v5;
	v3 =	vadd.s32 v22, v3  }
0x168: {  	vm6 =	vgt.s32 v2, s5;
	v22 =	vsub.f32 v0, v11;
	v3 =	vadd.s32 v24, v3  }
0x169: {  	v3 =	vadd.s32 v4, v3  }
0x16a: {  	v24 =	vand.u32 $0x7FFFFFFF, v38;
	v39 =	vshrl.u32 v22, $0x13  }
0x16b: {  	v40 =	vshrl.u32 v24, $0x13;
	_ =	sdelay $0x2  }
0x16c: {  	[tilespmem:v3+s21+$0x0] =	vst.idx.add.f32.msk vm6, v6  }
0x16d: {  	v3 =	vld.idx.msk [tilespmem:v39+s16+$0x0], $0xffff  }
0x16e: {  	v41 =	vld.idx.msk [tilespmem:v40+s17+$0x0], $0xffff;
	_ =	sdelay $0x6  }
0x16f: {  	v42 =	vld.idx.msk [tilespmem:v3+s13+$0x0], $0xffff  }
0x170: {  	v43 =	vld.idx.msk [tilespmem:v41+s15+$0x0], $0xffff;
	_ =	sdelay $0x3  }
0x171: {  	vm7 =	vge.f32 v22, v42  }
0x172: {  	v3 =	vadd.s32 v41, v3;
	vm8 =	vge.f32 v24, v43;
	v22 =	vsel vm7, $0x10, v5  }
0x173: {  	s1 =	sor.u32 $0x5, s28;
	v44 =	vsub.f32 v1, v10;
	v24 =	vsel vm8, $0x100, v5;
	v3 =	vadd.s32 v22, v3  }
0x174: {  	vm9 =	vgt.s32 v2, s1;
	v22 =	vsub.f32 v0, v9;
	v3 =	vadd.s32 v24, v3  }
0x175: {  	v3 =	vadd.s32 v4, v3  }
0x176: {  	v24 =	vand.u32 $0x7FFFFFFF, v44;
	v45 =	vshrl.u32 v22, $0x13  }
0x177: {  	v46 =	vshrl.u32 v24, $0x13;
	_ =	sdelay $0x2  }
0x178: {  	[tilespmem:v3+s21+$0x0] =	vst.idx.add.f32.msk vm9, v6  }
0x179: {  	v3 =	vld.idx.msk [tilespmem:v45+s16+$0x0], $0xffff  }
0x17a: {  	v47 =	vld.idx.msk [tilespmem:v46+s17+$0x0], $0xffff;
	_ =	sdelay $0x6  }
0x17b: {  	v48 =	vld.idx.msk [tilespmem:v3+s13+$0x0], $0xffff  }
0x17c: {  	v49 =	vld.idx.msk [tilespmem:v47+s15+$0x0], $0xffff;
	_ =	sdelay $0x3  }
0x17d: {  	vm10 =	vge.f32 v22, v48  }
0x17e: {  	v3 =	vadd.s32 v47, v3;
	vm11 =	vge.f32 v24, v49;
	v22 =	vsel vm10, $0x10, v5  }
0x17f: {  	s4 =	sor.u32 $0x6, s28;
	v1 =	vsub.f32 v1, v8;
	v24 =	vsel vm11, $0x100, v5;
	v3 =	vadd.s32 v22, v3  }
0x180: {  	vm12 =	vgt.s32 v2, s4;
	v0 =	vsub.f32 v0, v7;
	v3 =	vadd.s32 v24, v3  }
0x181: {  	v3 =	vadd.s32 v4, v3  }
0x182: {  	v1 =	vand.u32 $0x7FFFFFFF, v1;
	v22 =	vshrl.u32 v0, $0x13  }
0x183: {  	v50 =	vshrl.u32 v1, $0x13;
	_ =	sdelay $0x2  }
0x184: {  	[tilespmem:v3+s21+$0x0] =	vst.idx.add.f32.msk vm12, v6  }
0x185: {  	v3 =	vld.idx.msk [tilespmem:v22+s16+$0x0], $0xffff  }
0x186: {  	v22 =	vld.idx.msk [tilespmem:v50+s17+$0x0], $0xffff;
	_ =	sdelay $0x6  }
0x187: {  	v51 =	vld.idx.msk [tilespmem:v3+s13+$0x0], $0xffff  }
0x188: {  	v52 =	vld.idx.msk [tilespmem:v22+s15+$0x0], $0xffff;
	_ =	sdelay $0x3  }
0x189: {  	vm13 =	vge.f32 v0, v51  }
0x18a: {  	v53 =	vadd.s32 v22, v3;
	vm14 =	vge.f32 v1, v52;
	v0 =	vsel vm13, $0x10, v5  }
0x18b: {  	s6 =	sshllo.u32 s25, $0x3;
	v3 =	vsel vm14, $0x100, v5;
	v0 =	vadd.s32 v0, v53  }
0x18c: {  	vm15 =	vgt.s32 v2, s6;
	v0 =	vadd.s32 v3, v0  }
0x18d: {  	v0 =	vadd.s32 v4, v0;
	_ =	sdelay $0x4  }
0x18e: {  	[tilespmem:v0+s21+$0x0] =	vst.idx.add.f32.msk vm15, v6  }
0x18f: {  	v0 =	vld [tilespmem:s29+$0xFFFFFFF0]  }
0x190: {  	v1 =	vld [tilespmem:s29+$0x1F0];
	_ =	sdelay $0x4  }
0x191: {  	v54 =	vsub.f32 v0, v20;
	v3 =	vsub.f32 v1, v21;
	_ =	sdelay $0x1  }
0x192: {  	v3 =	vand.u32 $0x7FFFFFFF, v3;
	v22 =	vshrl.u32 v54, $0x13  }
0x193: {  	v55 =	vshrl.u32 v3, $0x13;
	_ =	sdelay $0x3  }
0x194: {  	v22 =	vld.idx.msk [tilespmem:v22+s16+$0x0], $0xffff  }
0x195: {  	v24 =	vld.idx.msk [tilespmem:v55+s17+$0x0], $0xffff;
	_ =	sdelay $0x6  }
0x196: {  	v56 =	vld.idx.msk [tilespmem:v22+s13+$0x0], $0xffff  }
0x197: {  	v57 =	vld.idx.msk [tilespmem:v24+s15+$0x0], $0xffff;
	_ =	sdelay $0x3  }
0x198: {  	v58 =	vsub.f32 v1, v19;
	vm4 =	vge.f32 v54, v56  }
0x199: {  	s29 =	sadd.s32 $0xFFFFFFF0, s29;
	v2 =	vsel vm4, $0x10, v5;
	vm5 =	vge.f32 v3, v57;
	v3 =	vadd.s32 v24, v22  }
0x19a: {  	v22 =	vsel vm5, $0x100, v5;
	v3 =	vadd.s32 v2, v3;
	v2 =	vor.u32 s29, v4  }
0x19b: {  	v3 =	vadd.s32 v22, v3;
	vm6 =	vgt.s32 v2, s28;
	v22 =	vsub.f32 v0, v23  }
0x19c: {  	v3 =	vadd.s32 v4, v3  }
0x19d: {  	v24 =	vand.u32 $0x7FFFFFFF, v58;
	v59 =	vshrl.u32 v22, $0x13  }
0x19e: {  	v60 =	vshrl.u32 v24, $0x13;
	_ =	sdelay $0x2  }
0x19f: {  	[tilespmem:v3+s21+$0x0] =	vst.idx.add.f32.msk vm6, v6  }
0x1a0: {  	v3 =	vld.idx.msk [tilespmem:v59+s16+$0x0], $0xffff  }
0x1a1: {  	v61 =	vld.idx.msk [tilespmem:v60+s17+$0x0], $0xffff;
	_ =	sdelay $0x6  }
0x1a2: {  	v62 =	vld.idx.msk [tilespmem:v3+s13+$0x0], $0xffff  }
0x1a3: {  	v63 =	vld.idx.msk [tilespmem:v61+s15+$0x0], $0xffff;
	_ =	sdelay $0x3  }
0x1a4: {  	vm7 =	vge.f32 v22, v62  }
0x1a5: {  	v3 =	vadd.s32 v61, v3;
	vm8 =	vge.f32 v24, v63;
	v22 =	vsel vm7, $0x10, v5  }
0x1a6: {  	v30 =	vsub.f32 v1, v18;
	v24 =	vsel vm8, $0x100, v5;
	v3 =	vadd.s32 v22, v3  }
0x1a7: {  	vm9 =	vgt.s32 v2, s30;
	v22 =	vsub.f32 v0, v17;
	v3 =	vadd.s32 v24, v3  }
0x1a8: {  	v3 =	vadd.s32 v4, v3  }
0x1a9: {  	v24 =	vand.u32 $0x7FFFFFFF, v30;
	v31 =	vshrl.u32 v22, $0x13  }
0x1aa: {  	v32 =	vshrl.u32 v24, $0x13;
	_ =	sdelay $0x2  }
0x1ab: {  	[tilespmem:v3+s21+$0x0] =	vst.idx.add.f32.msk vm9, v6  }
0x1ac: {  	v3 =	vld.idx.msk [tilespmem:v31+s16+$0x0], $0xffff  }
0x1ad: {  	v33 =	vld.idx.msk [tilespmem:v32+s17+$0x0], $0xffff;
	_ =	sdelay $0x6  }
0x1ae: {  	v34 =	vld.idx.msk [tilespmem:v3+s13+$0x0], $0xffff  }
0x1af: {  	v35 =	vld.idx.msk [tilespmem:v33+s15+$0x0], $0xffff;
	_ =	sdelay $0x3  }
0x1b0: {  	vm10 =	vge.f32 v22, v34  }
0x1b1: {  	v3 =	vadd.s32 v33, v3;
	vm11 =	vge.f32 v24, v35;
	v22 =	vsel vm10, $0x10, v5  }
0x1b2: {  	v36 =	vsub.f32 v1, v16;
	v24 =	vsel vm11, $0x100, v5;
	v3 =	vadd.s32 v22, v3  }
0x1b3: {  	vm12 =	vgt.s32 v2, s31;
	v22 =	vsub.f32 v0, v15;
	v3 =	vadd.s32 v24, v3  }
0x1b4: {  	v3 =	vadd.s32 v4, v3  }
0x1b5: {  	v24 =	vand.u32 $0x7FFFFFFF, v36;
	v37 =	vshrl.u32 v22, $0x13  }
0x1b6: {  	v38 =	vshrl.u32 v24, $0x13;
	_ =	sdelay $0x2  }
0x1b7: {  	[tilespmem:v3+s21+$0x0] =	vst.idx.add.f32.msk vm12, v6  }
0x1b8: {  	v3 =	vld.idx.msk [tilespmem:v37+s16+$0x0], $0xffff  }
0x1b9: {  	v39 =	vld.idx.msk [tilespmem:v38+s17+$0x0], $0xffff;
	_ =	sdelay $0x6  }
0x1ba: {  	v40 =	vld.idx.msk [tilespmem:v3+s13+$0x0], $0xffff  }
0x1bb: {  	v41 =	vld.idx.msk [tilespmem:v39+s15+$0x0], $0xffff;
	_ =	sdelay $0x3  }
0x1bc: {  	vm13 =	vge.f32 v22, v40  }
0x1bd: {  	v3 =	vadd.s32 v39, v3;
	vm14 =	vge.f32 v24, v41;
	v22 =	vsel vm13, $0x10, v5  }
0x1be: {  	v42 =	vsub.f32 v1, v14;
	v24 =	vsel vm14, $0x100, v5;
	v3 =	vadd.s32 v22, v3  }
0x1bf: {  	vm15 =	vgt.s32 v2, s0;
	v22 =	vsub.f32 v0, v13;
	v3 =	vadd.s32 v24, v3  }
0x1c0: {  	v3 =	vadd.s32 v4, v3  }
0x1c1: {  	v24 =	vand.u32 $0x7FFFFFFF, v42;
	v43 =	vshrl.u32 v22, $0x13  }
0x1c2: {  	v44 =	vshrl.u32 v24, $0x13;
	_ =	sdelay $0x2  }
0x1c3: {  	[tilespmem:v3+s21+$0x0] =	vst.idx.add.f32.msk vm15, v6  }
0x1c4: {  	v3 =	vld.idx.msk [tilespmem:v43+s16+$0x0], $0xffff  }
0x1c5: {  	v45 =	vld.idx.msk [tilespmem:v44+s17+$0x0], $0xffff;
	_ =	sdelay $0x6  }
0x1c6: {  	v46 =	vld.idx.msk [tilespmem:v3+s13+$0x0], $0xffff  }
0x1c7: {  	v47 =	vld.idx.msk [tilespmem:v45+s15+$0x0], $0xffff;
	_ =	sdelay $0x3  }
0x1c8: {  	vm4 =	vge.f32 v22, v46  }
0x1c9: {  	v3 =	vadd.s32 v45, v3;
	vm5 =	vge.f32 v24, v47;
	v22 =	vsel vm4, $0x10, v5  }
0x1ca: {  	v48 =	vsub.f32 v1, v12;
	v24 =	vsel vm5, $0x100, v5;
	v3 =	vadd.s32 v22, v3  }
0x1cb: {  	vm6 =	vgt.s32 v2, s5;
	v22 =	vsub.f32 v0, v11;
	v3 =	vadd.s32 v24, v3  }
0x1cc: {  	v3 =	vadd.s32 v4, v3  }
0x1cd: {  	v24 =	vand.u32 $0x7FFFFFFF, v48;
	v49 =	vshrl.u32 v22, $0x13  }
0x1ce: {  	v50 =	vshrl.u32 v24, $0x13;
	_ =	sdelay $0x2  }
0x1cf: {  	[tilespmem:v3+s21+$0x0] =	vst.idx.add.f32.msk vm6, v6  }
0x1d0: {  	v3 =	vld.idx.msk [tilespmem:v49+s16+$0x0], $0xffff  }
0x1d1: {  	v51 =	vld.idx.msk [tilespmem:v50+s17+$0x0], $0xffff;
	_ =	sdelay $0x6  }
0x1d2: {  	v52 =	vld.idx.msk [tilespmem:v3+s13+$0x0], $0xffff  }
0x1d3: {  	v53 =	vld.idx.msk [tilespmem:v51+s15+$0x0], $0xffff;
	_ =	sdelay $0x3  }
0x1d4: {  	vm7 =	vge.f32 v22, v52  }
0x1d5: {  	v3 =	vadd.s32 v51, v3;
	vm8 =	vge.f32 v24, v53;
	v22 =	vsel vm7, $0x10, v5  }
0x1d6: {  	v54 =	vsub.f32 v1, v10;
	v24 =	vsel vm8, $0x100, v5;
	v3 =	vadd.s32 v22, v3  }
0x1d7: {  	vm9 =	vgt.s32 v2, s1;
	v22 =	vsub.f32 v0, v9;
	v3 =	vadd.s32 v24, v3  }
0x1d8: {  	v3 =	vadd.s32 v4, v3  }
0x1d9: {  	v24 =	vand.u32 $0x7FFFFFFF, v54;
	v55 =	vshrl.u32 v22, $0x13  }
0x1da: {  	v56 =	vshrl.u32 v24, $0x13;
	_ =	sdelay $0x2  }
0x1db: {  	[tilespmem:v3+s21+$0x0] =	vst.idx.add.f32.msk vm9, v6  }
0x1dc: {  	v3 =	vld.idx.msk [tilespmem:v55+s16+$0x0], $0xffff  }
0x1dd: {  	v57 =	vld.idx.msk [tilespmem:v56+s17+$0x0], $0xffff;
	_ =	sdelay $0x6  }
0x1de: {  	v58 =	vld.idx.msk [tilespmem:v3+s13+$0x0], $0xffff  }
0x1df: {  	v59 =	vld.idx.msk [tilespmem:v57+s15+$0x0], $0xffff;
	_ =	sdelay $0x3  }
0x1e0: {  	vm10 =	vge.f32 v22, v58  }
0x1e1: {  	v3 =	vadd.s32 v57, v3;
	vm11 =	vge.f32 v24, v59;
	v22 =	vsel vm10, $0x10, v5  }
0x1e2: {  	v1 =	vsub.f32 v1, v8;
	v24 =	vsel vm11, $0x100, v5;
	v3 =	vadd.s32 v22, v3  }
0x1e3: {  	vm12 =	vgt.s32 v2, s4;
	v0 =	vsub.f32 v0, v7;
	v3 =	vadd.s32 v24, v3  }
0x1e4: {  	v3 =	vadd.s32 v4, v3  }
0x1e5: {  	v1 =	vand.u32 $0x7FFFFFFF, v1;
	v22 =	vshrl.u32 v0, $0x13  }
0x1e6: {  	v60 =	vshrl.u32 v1, $0x13;
	_ =	sdelay $0x2  }
0x1e7: {  	[tilespmem:v3+s21+$0x0] =	vst.idx.add.f32.msk vm12, v6  }
0x1e8: {  	v3 =	vld.idx.msk [tilespmem:v22+s16+$0x0], $0xffff  }
0x1e9: {  	v22 =	vld.idx.msk [tilespmem:v60+s17+$0x0], $0xffff;
	_ =	sdelay $0x6  }
0x1ea: {  	v61 =	vld.idx.msk [tilespmem:v3+s13+$0x0], $0xffff  }
0x1eb: {  	v62 =	vld.idx.msk [tilespmem:v22+s15+$0x0], $0xffff;
	_ =	sdelay $0x3  }
0x1ec: {  	vm13 =	vge.f32 v0, v61  }
0x1ed: {  	v63 =	vadd.s32 v22, v3;
	vm14 =	vge.f32 v1, v62;
	v0 =	vsel vm13, $0x10, v5  }
0x1ee: {  	v3 =	vsel vm14, $0x100, v5;
	v0 =	vadd.s32 v0, v63  }
0x1ef: {  	vm15 =	vgt.s32 v2, s6;
	v0 =	vadd.s32 v3, v0  }
0x1f0: {  	p0 =	sgt.u32 s25, $0x3D;
	v0 =	vadd.s32 v4, v0  }
.Ltmp5:
0x1f1: {  	_ = 	snop;
	(pc) =	sbr.rel @p0 .LBB2_23-.Ltmp5, $2  }
0x1f2: {  	_ =	sdelay $0x2  }
0x1f3: {  	[tilespmem:v0+s21+$0x0] =	vst.idx.add.f32.msk vm15, v6  }
0x1f4: {  	s0 =	sshrl.u32 s26, $0x4  }
0x1f5: {  	s0 =	smax.u32 s0, $0x2  }
0x1f6: {  	s1 =	sshll.u32 s0, $0x4  }
0x1f7: {  	s1 =	sand.u32 $0x3FFFFFF0, s1  }
0x1f8: {  	s4 =	sadd.s32 $0x200, s1;
	v25 =	vld [tilespmem:s1+$0x0]  }
0x1f9: {  	v24 =	vld [tilespmem:s4+$0x0];
	_ =	sdelay $0x4  }
0x1fa: {  	v30 =	vsub.f32 v25, v20;
	v0 =	vsub.f32 v24, v21;
	_ =	sdelay $0x1  }
0x1fb: {  	v1 =	vshrl.u32 v30, $0x13;
	v39 =	vand.u32 $0x7FFFFFFF, v0  }
0x1fc: {  	v0 =	vshrl.u32 v39, $0x13;
	_ =	sdelay $0x3  }
0x1fd: {  	v41 =	vld.idx.msk [tilespmem:v1+s16+$0x0], $0xffff  }
0x1fe: {  	v50 =	vld.idx.msk [tilespmem:v0+s17+$0x0], $0xffff  }
0x1ff: {  	s0 =	sadd.s32 $0xFFFFFFFF, s0  }
0x200: {  	s0 =	sadd.s32 $0x1, s0  }
0x201: {  	p4 =	slt.u32 s0, $0x1F  }
.Ltmp6:
0x202: {  	_ = 	snop;
	(pc) =	sbr.rel @!p4 .LBB2_11-.Ltmp6, $3  }
0x203: {  	_ =	sdelay $0x1  }
0x204: {  	p0 =	por $0x0, $0x0;
	p1 =	por $0x0, $0x0;
	v61 =	vld.idx.msk [tilespmem:v41+s13+$0x0], $0xffff  }
0x205: {  	p2 =	por $0x0, $0x0;
	p3 =	por $0x0, $0x0;
	s1 =	sadd.s32 $0x10, s1;
	v37 =	vsub.f32 v25, v23;
	v63 =	vld.idx.msk [tilespmem:v50+s15+$0x0], $0xffff  }
0x206: {  	_ =	sdelay $0x2  }
0x207: {  	vm0 =	vge.f32 v30, v61  }
0x208: {  	v1 =	vadd.s32 v50, v41;
	v0 =	vsel vm0, $0x10, v5;
	vm13 =	vge.f32 v39, v63  }
0x209: {  	v2 =	vsel vm13, $0x100, v5;
	v0 =	vadd.s32 v0, v1  }
0x20a: {  	v45 =	vsub.f32 v24, v19;
	v0 =	vadd.s32 v2, v0  }
0x20b: {  	v0 =	vadd.s32 v4, v0  }
0x20c: {  	v46 =	vshrl.u32 v37, $0x13;
	v1 =	vand.u32 $0x7FFFFFFF, v45  }
0x20d: {  	v3 =	vshrl.u32 v1, $0x13  }
0x20e: {  	v26 =	vld [tilespmem:s1+$0x0];
	s4 =	sadd.s32 $0x10, s4  }
0x20f: {  	v28 =	vld [tilespmem:s4+$0x0]  }
0x210: {  	[tilespmem:v0+s21+$0x0] =	vst.idx.add.f32.msk $0xffff, v6  }
0x211: {  	v0 =	vld.idx.msk [tilespmem:v46+s16+$0x0], $0xffff  }
0x212: {  	v47 =	vld.idx.msk [tilespmem:v3+s17+$0x0], $0xffff;
	_ =	sdelay $0x3  }
0x213: {  	v30 =	vsub.f32 v26, v20;
	v3 =	vsub.f32 v28, v21;
	_ =	sdelay $0x1  }
0x214: {  	v22 =	vshrl.u32 v30, $0x13;
	v39 =	vand.u32 $0x7FFFFFFF, v3  }
0x215: {  	v3 =	vshrl.u32 v39, $0x13;
	v27 =	vld.idx.msk [tilespmem:v0+s13+$0x0], $0xffff  }
0x216: {  	v29 =	vld.idx.msk [tilespmem:v47+s15+$0x0], $0xffff;
	_ =	sdelay $0x2  }
0x217: {  	v41 =	vld.idx.msk [tilespmem:v22+s16+$0x0], $0xffff  }
0x218: {  	v50 =	vld.idx.msk [tilespmem:v3+s17+$0x0], $0xffff;
	vm14 =	vge.f32 v37, v27  }
0x219: {  	v0 =	vadd.s32 v47, v0;
	vm15 =	vge.f32 v1, v29;
	v3 =	vsel vm14, $0x10, v5  }
0x21a: {  	v1 =	vsel vm15, $0x100, v5;
	v0 =	vadd.s32 v3, v0  }
0x21b: {  	v52 =	vsub.f32 v25, v17;
	v51 =	vsub.f32 v24, v18;
	v0 =	vadd.s32 v1, v0  }
0x21c: {  	v0 =	vadd.s32 v4, v0  }
0x21d: {  	s0 =	sadd.s32 $0x1, s0;
	v55 =	vand.u32 $0x7FFFFFFF, v51;
	v53 =	vshrl.u32 v52, $0x13  }
0x21e: {  	p4 =	slt.u32 s0, $0x1F;
	v54 =	vshrl.u32 v55, $0x13  }
.Ltmp7:
0x21f: {  	v61 =	vld.idx.msk [tilespmem:v41+s13+$0x0], $0xffff;
	(pc) =	sbr.rel @!p4 .LBB2_13-.Ltmp7, $4  }
0x220: {  	v63 =	vld.idx.msk [tilespmem:v50+s15+$0x0], $0xffff  }
0x221: {  	[tilespmem:v0+s21+$0x0] =	vst.idx.add.f32.msk $0xffff, v6  }
0x222: {  	v57 =	vld.idx.msk [tilespmem:v53+s16+$0x0], $0xffff  }
0x223: {  	s1 =	sadd.s32 $0x10, s1;
	p0 =	por $0x1, $0x1;
	v37 =	vsub.f32 v26, v23;
	v59 =	vld.idx.msk [tilespmem:v54+s17+$0x0], $0xffff  }
0x224: {  	_ =	sdelay $0x5  }
0x225: {  	vm0 =	vge.f32 v30, v61  }
0x226: {  	v1 =	vadd.s32 v50, v41;
	v0 =	vsel vm0, $0x10, v5;
	vm9 =	vge.f32 v39, v63;
	v44 =	vld.idx.msk [tilespmem:v57+s13+$0x0], $0xffff  }
0x227: {  	v2 =	vsel vm9, $0x100, v5;
	v0 =	vadd.s32 v0, v1;
	v3 =	vld.idx.msk [tilespmem:v59+s15+$0x0], $0xffff  }
0x228: {  	v45 =	vsub.f32 v28, v19;
	v0 =	vadd.s32 v2, v0  }
0x229: {  	v0 =	vadd.s32 v4, v0  }
0x22a: {  	v29 =	vshrl.u32 v37, $0x13;
	v2 =	vand.u32 $0x7FFFFFFF, v45  }
0x22b: {  	v30 =	vshrl.u32 v2, $0x13;
	vm10 =	vge.f32 v52, v44  }
0x22c: {  	v22 =	vld [tilespmem:s1+$0x0];
	s4 =	sadd.s32 $0x10, s4;
	v1 =	vsel vm10, $0x10, v5;
	vm11 =	vge.f32 v55, v3;
	v3 =	vadd.s32 v59, v57  }
0x22d: {  	v47 =	vsub.f32 v24, v16;
	v27 =	vld [tilespmem:s4+$0x0];
	v46 =	vsel vm11, $0x100, v5;
	v1 =	vadd.s32 v1, v3  }
0x22e: {  	[tilespmem:v0+s21+$0x0] =	vst.idx.add.f32.msk $0xffff, v6;
	v3 =	vsub.f32 v25, v15;
	v0 =	vadd.s32 v46, v1  }
0x22f: {  	v29 =	vld.idx.msk [tilespmem:v29+s16+$0x0], $0xffff;
	v0 =	vadd.s32 v4, v0  }
0x230: {  	v31 =	vld.idx.msk [tilespmem:v30+s17+$0x0], $0xffff;
	v1 =	vand.u32 $0x7FFFFFFF, v47;
	v32 =	vshrl.u32 v3, $0x13  }
0x231: {  	v33 =	vshrl.u32 v1, $0x13;
	_ =	sdelay $0x1  }
0x232: {  	v34 =	vsub.f32 v27, v21  }
0x233: {  	[tilespmem:v0+s21+$0x0] =	vst.idx.add.f32.msk $0xffff, v6  }
0x234: {  	v39 =	vand.u32 $0x7FFFFFFF, v34;
	v30 =	vsub.f32 v22, v20;
	v0 =	vld.idx.msk [tilespmem:v32+s16+$0x0], $0xffff  }
0x235: {  	v34 =	vshrl.u32 v39, $0x13;
	v33 =	vld.idx.msk [tilespmem:v33+s17+$0x0], $0xffff  }
0x236: {  	v48 =	vshrl.u32 v30, $0x13;
	v35 =	vld.idx.msk [tilespmem:v29+s13+$0x0], $0xffff  }
0x237: {  	v36 =	vld.idx.msk [tilespmem:v31+s15+$0x0], $0xffff;
	_ =	sdelay $0x2  }
0x238: {  	v50 =	vld.idx.msk [tilespmem:v34+s17+$0x0], $0xffff  }
0x239: {  	v41 =	vld.idx.msk [tilespmem:v48+s16+$0x0], $0xffff;
	vm12 =	vge.f32 v37, v35  }
0x23a: {  	v53 =	vadd.s32 v31, v29;
	vm13 =	vge.f32 v2, v36;
	v52 =	vsel vm12, $0x10, v5;
	v49 =	vld.idx.msk [tilespmem:v0+s13+$0x0], $0xffff  }
0x23b: {  	v31 =	vsel vm13, $0x100, v5;
	v2 =	vadd.s32 v52, v53  }
0x23c: {  	v52 =	vsub.f32 v26, v17;
	v29 =	vld.idx.msk [tilespmem:v33+s15+$0x0], $0xffff;
	v2 =	vadd.s32 v31, v2;
	v31 =	vsub.f32 v28, v18  }
0x23d: {  	v2 =	vadd.s32 v4, v2  }
0x23e: {  	s0 =	sadd.s32 $0x1, s0;
	v55 =	vand.u32 $0x7FFFFFFF, v31;
	v31 =	vshrl.u32 v52, $0x13  }
0x23f: {  	p4 =	slt.u32 s0, $0x1F;
	v54 =	vshrl.u32 v55, $0x13;
	vm14 =	vge.f32 v3, v49  }
.Ltmp8:
0x240: {  	v58 =	vsub.f32 v25, v13;
	v63 =	vld.idx.msk [tilespmem:v50+s15+$0x0], $0xffff;
	v0 =	vadd.s32 v33, v0;
	v3 =	vsel vm14, $0x10, v5;
	(pc) =	sbr.rel @!p4 .LBB2_15-.Ltmp8, $4  }
0x241: {  	v61 =	vld.idx.msk [tilespmem:v41+s13+$0x0], $0xffff;
	vm15 =	vge.f32 v1, v29;
	v0 =	vadd.s32 v3, v0;
	v3 =	vsub.f32 v24, v14  }
0x242: {  	v1 =	vsel vm15, $0x100, v5;
	[tilespmem:v2+s21+$0x0] =	vst.idx.add.f32.msk $0xffff, v6  }
0x243: {  	v47 =	vshrl.u32 v58, $0x13;
	v57 =	vld.idx.msk [tilespmem:v31+s16+$0x0], $0xffff;
	v0 =	vadd.s32 v1, v0;
	v60 =	vand.u32 $0x7FFFFFFF, v3  }
0x244: {  	s1 =	sadd.s32 $0x10, s1;
	p1 =	por $0x1, $0x1;
	v37 =	vsub.f32 v22, v23;
	v59 =	vld.idx.msk [tilespmem:v54+s17+$0x0], $0xffff;
	v44 =	vadd.s32 v4, v0;
	v48 =	vshrl.u32 v60, $0x13  }
0x245: {  	_ =	sdelay $0x2  }
0x246: {  	v51 =	vld [tilespmem:s1+$0x0]  }
0x247: {  	[tilespmem:v44+s21+$0x0] =	vst.idx.add.f32.msk $0xffff, v6  }
0x248: {  	v0 =	vld.idx.msk [tilespmem:v47+s16+$0x0], $0xffff  }
0x249: {  	vm0 =	vge.f32 v30, v61;
	v1 =	vld.idx.msk [tilespmem:v48+s17+$0x0], $0xffff  }
0x24a: {  	v3 =	vadd.s32 v50, v41;
	v2 =	vsel vm0, $0x10, v5;
	vm0 =	vge.f32 v39, v63;
	v29 =	vld.idx.msk [tilespmem:v57+s13+$0x0], $0xffff  }
0x24b: {  	v30 =	vsel vm0, $0x100, v5;
	v2 =	vadd.s32 v2, v3;
	v3 =	vld.idx.msk [tilespmem:v59+s15+$0x0], $0xffff  }
0x24c: {  	v31 =	vsub.f32 v27, v19;
	v2 =	vadd.s32 v30, v2  }
0x24d: {  	v2 =	vadd.s32 v4, v2  }
0x24e: {  	s4 =	sadd.s32 $0x10, s4;
	v33 =	vshrl.u32 v37, $0x13;
	v32 =	vand.u32 $0x7FFFFFFF, v31  }
0x24f: {  	v31 =	vld [tilespmem:s4+$0x0];
	v34 =	vshrl.u32 v32, $0x13;
	v30 =	vsub.f32 v51, v20;
	vm0 =	vge.f32 v52, v29  }
0x250: {  	v29 =	vld.idx.msk [tilespmem:v0+s13+$0x0], $0xffff;
	v35 =	vsel vm0, $0x10, v5;
	vm0 =	vge.f32 v55, v3;
	v3 =	vadd.s32 v59, v57  }
0x251: {  	v36 =	vld.idx.msk [tilespmem:v1+s15+$0x0], $0xffff;
	v57 =	vsub.f32 v28, v16;
	v38 =	vsel vm0, $0x100, v5;
	v3 =	vadd.s32 v35, v3  }
0x252: {  	v35 =	vsub.f32 v26, v15;
	[tilespmem:v2+s21+$0x0] =	vst.idx.add.f32.msk $0xffff, v6;
	v2 =	vshrl.u32 v30, $0x13;
	v3 =	vadd.s32 v38, v3  }
0x253: {  	v33 =	vld.idx.msk [tilespmem:v33+s16+$0x0], $0xffff;
	v3 =	vadd.s32 v4, v3  }
0x254: {  	v43 =	vsub.f32 v25, v11;
	v34 =	vld.idx.msk [tilespmem:v34+s17+$0x0], $0xffff;
	v38 =	vand.u32 $0x7FFFFFFF, v57;
	v40 =	vshrl.u32 v35, $0x13  }
0x255: {  	v59 =	vsub.f32 v31, v21;
	v42 =	vshrl.u32 v38, $0x13;
	vm0 =	vge.f32 v58, v29  }
0x256: {  	v0 =	vadd.s32 v1, v0;
	v29 =	vsel vm0, $0x10, v5;
	vm0 =	vge.f32 v60, v36  }
0x257: {  	v39 =	vand.u32 $0x7FFFFFFF, v59;
	v41 =	vld.idx.msk [tilespmem:v2+s16+$0x0], $0xffff;
	v1 =	vsel vm0, $0x100, v5;
	v0 =	vadd.s32 v29, v0  }
0x258: {  	v2 =	vshrl.u32 v39, $0x13;
	[tilespmem:v3+s21+$0x0] =	vst.idx.add.f32.msk $0xffff, v6;
	v0 =	vadd.s32 v1, v0;
	v1 =	vsub.f32 v24, v12  }
0x259: {  	v3 =	vld.idx.msk [tilespmem:v40+s16+$0x0], $0xffff;
	v0 =	vadd.s32 v4, v0  }
0x25a: {  	v29 =	vld.idx.msk [tilespmem:v42+s17+$0x0], $0xffff;
	v36 =	vand.u32 $0x7FFFFFFF, v1;
	v1 =	vshrl.u32 v43, $0x13  }
0x25b: {  	v61 =	vld.idx.msk [tilespmem:v33+s13+$0x0], $0xffff;
	v62 =	vshrl.u32 v36, $0x13  }
0x25c: {  	v63 =	vld.idx.msk [tilespmem:v34+s15+$0x0], $0xffff  }
0x25d: {  	v50 =	vld.idx.msk [tilespmem:v2+s17+$0x0], $0xffff  }
0x25e: {  	[tilespmem:v0+s21+$0x0] =	vst.idx.add.f32.msk $0xffff, v6  }
0x25f: {  	v45 =	vld.idx.msk [tilespmem:v1+s16+$0x0], $0xffff  }
0x260: {  	vm0 =	vge.f32 v37, v61;
	v46 =	vld.idx.msk [tilespmem:v62+s17+$0x0], $0xffff  }
0x261: {  	v2 =	vadd.s32 v34, v33;
	v1 =	vsel vm0, $0x10, v5;
	vm0 =	vge.f32 v32, v63  }
0x262: {  	v49 =	vsel vm0, $0x100, v5;
	v1 =	vadd.s32 v1, v2  }
0x263: {  	v52 =	vsub.f32 v22, v17;
	v61 =	vld.idx.msk [tilespmem:v41+s13+$0x0], $0xffff;
	v2 =	vsub.f32 v27, v18;
	v1 =	vadd.s32 v49, v1  }
0x264: {  	v0 =	vld.idx.msk [tilespmem:v3+s13+$0x0], $0xffff;
	v1 =	vadd.s32 v4, v1  }
0x265: {  	v48 =	vld.idx.msk [tilespmem:v29+s15+$0x0], $0xffff;
	v55 =	vand.u32 $0x7FFFFFFF, v2;
	v2 =	vshrl.u32 v52, $0x13  }
0x266: {  	v3 =	vadd.s32 v29, v3;
	v63 =	vld.idx.msk [tilespmem:v50+s15+$0x0], $0xffff;
	v29 =	vshrl.u32 v55, $0x13  }
0x267: {  	v53 =	vld.idx.msk [tilespmem:v45+s13+$0x0], $0xffff  }
0x268: {  	v58 =	vsub.f32 v26, v13;
	v54 =	vld.idx.msk [tilespmem:v46+s15+$0x0], $0xffff  }
0x269: {  	v59 =	vsub.f32 v28, v14;
	vm0 =	vge.f32 v35, v0;
	[tilespmem:v1+s21+$0x0] =	vst.idx.add.f32.msk $0xffff, v6  }
0x26a: {  	s0 =	sadd.s32 $0x1, s0;
	v47 =	vshrl.u32 v58, $0x13;
	v0 =	vsel vm0, $0x10, v5;
	vm0 =	vge.f32 v38, v48;
	v57 =	vld.idx.msk [tilespmem:v2+s16+$0x0], $0xffff  }
0x26b: {  	p4 =	slt.u32 s0, $0x1F;
	v42 =	vand.u32 $0x7FFFFFFF, v59;
	v32 =	vsel vm0, $0x100, v5;
	v0 =	vadd.s32 v0, v3;
	v59 =	vld.idx.msk [tilespmem:v29+s17+$0x0], $0xffff;
	[tilespmem:$0x1FF90] =	vst v58  }
.Ltmp9:
0x26c: {  	v48 =	vshrl.u32 v42, $0x13;
	v1 =	vsub.f32 v24, v10;
	v0 =	vadd.s32 v32, v0;
	[tilespmem:$0x1FFA0] =	vst v47;
	(pc) =	sbr.rel @!p4 .LBB2_17-.Ltmp9, $4  }
0x26d: {  	[tilespmem:$0x1FFB0] =	vst v48;
	v40 =	vadd.s32 v4, v0;
	v0 =	vsub.f32 v25, v9  }
0x26e: {  	[tilespmem:$0x1FF70] =	vst v1;
	vm0 =	vge.f32 v43, v53  }
0x26f: {  	[tilespmem:$0x1FF60] =	vst v0;
	v35 =	vsel vm0, $0x10, v5  }
0x270: {  	s1 =	sadd.s32 $0x10, s1;
	p2 =	por $0x1, $0x1;
	v37 =	vsub.f32 v51, v23;
	v62 =	vadd.s32 v46, v45;
	vm0 =	vge.f32 v36, v54;
	[tilespmem:$0x1FF80] =	vst v35  }
0x271: {  	_ =	sdelay $0x1  }
0x272: {  	v29 =	vsel vm0, $0x100, v5;
	[tilespmem:$0x1FF40] =	vst v62;
	v33 =	vadd.s32 v35, v62  }
0x273: {  	vm1 =	vge.f32 v30, v61;
	v62 =	vld [tilespmem:s1+$0x0];
	v29 =	vadd.s32 v29, v33;
	[tilespmem:$0x1FF50] =	vst v40  }
0x274: {  	v34 =	vshrl.u32 v0, $0x13;
	v61 =	vadd.s32 v50, v41;
	[tilespmem:v40+s21+$0x0] =	vst.idx.add.f32.msk $0xffff, v6;
	v29 =	vadd.s32 v4, v29  }
0x275: {  	v33 =	vand.u32 $0x7FFFFFFF, v1;
	v38 =	vsel vm1, $0x10, v5;
	vm1 =	vge.f32 v39, v63;
	v63 =	vld.idx.msk [tilespmem:v57+s13+$0x0], $0xffff  }
0x276: {  	v30 =	vshrl.u32 v33, $0x13;
	v43 =	vsel vm1, $0x100, v5;
	v38 =	vadd.s32 v38, v61;
	v35 =	vld.idx.msk [tilespmem:v47+s16+$0x0], $0xffff  }
0x277: {  	v36 =	vld.idx.msk [tilespmem:v48+s17+$0x0], $0xffff;
	v38 =	vadd.s32 v43, v38  }
0x278: {  	v1 =	vld.idx.msk [tilespmem:v59+s15+$0x0], $0xffff;
	v38 =	vadd.s32 v4, v38  }
0x279: {  	v44 =	vsub.f32 v31, v19;
	[tilespmem:v29+s21+$0x0] =	vst.idx.add.f32.msk $0xffff, v6  }
0x27a: {  	v34 =	vld.idx.msk [tilespmem:v34+s16+$0x0], $0xffff  }
0x27b: {  	s28 =	sadd.s32 $0x10, s4;
	v2 =	vshrl.u32 v37, $0x13;
	v43 =	vand.u32 $0x7FFFFFFF, v44;
	v45 =	vld.idx.msk [tilespmem:v30+s17+$0x0], $0xffff;
	v30 =	vsub.f32 v62, v20  }
0x27c: {  	v59 =	vadd.s32 v59, v57;
	v46 =	vshrl.u32 v43, $0x13;
	v29 =	vld [tilespmem:s28+$0x0];
	vm1 =	vge.f32 v52, v63  }
0x27d: {  	v56 =	vsel vm1, $0x10, v5;
	vm1 =	vge.f32 v55, v1;
	[tilespmem:v38+s21+$0x0] =	vst.idx.add.f32.msk $0xffff, v6;
	v60 =	vshrl.u32 v30, $0x13  }
0x27e: {  	v61 =	vsub.f32 v27, v16;
	v49 =	vsel vm1, $0x100, v5;
	v39 =	vadd.s32 v56, v59;
	v32 =	vld.idx.msk [tilespmem:v35+s13+$0x0], $0xffff  }
0x27f: {  	v39 =	vadd.s32 v49, v39;
	v48 =	vld.idx.msk [tilespmem:v36+s15+$0x0], $0xffff  }
0x280: {  	v47 =	vsub.f32 v22, v15;
	v44 =	vld.idx.msk [tilespmem:v2+s16+$0x0], $0xffff;
	v49 =	vand.u32 $0x7FFFFFFF, v61;
	v63 =	vadd.s32 v4, v39  }
0x281: {  	v46 =	vld.idx.msk [tilespmem:v46+s17+$0x0], $0xffff;
	v53 =	vshrl.u32 v49, $0x13;
	v2 =	vsub.f32 v29, v21  }
0x282: {  	v1 =	vshrl.u32 v47, $0x13;
	v41 =	vld.idx.msk [tilespmem:v60+s16+$0x0], $0xffff  }
0x283: {  	v35 =	vadd.s32 v36, v35;
	v39 =	vand.u32 $0x7FFFFFFF, v2;
	vm1 =	vge.f32 v58, v32;
	v55 =	vld.idx.msk [tilespmem:v34+s13+$0x0], $0xffff  }
0x284: {  	v61 =	vshrl.u32 v39, $0x13;
	v36 =	vld.idx.msk [tilespmem:v45+s15+$0x0], $0xffff;
	v56 =	vsel vm1, $0x10, v5;
	vm1 =	vge.f32 v42, v48  }
0x285: {  	[tilespmem:v63+s21+$0x0] =	vst.idx.add.f32.msk $0xffff, v6;
	v63 =	vsub.f32 v28, v12;
	v60 =	vsel vm1, $0x100, v5;
	v35 =	vadd.s32 v56, v35  }
0x286: {  	v54 =	vsub.f32 v26, v11;
	v53 =	vld.idx.msk [tilespmem:v53+s17+$0x0], $0xffff;
	v35 =	vadd.s32 v60, v35  }
0x287: {  	v56 =	vld.idx.msk [tilespmem:v1+s16+$0x0], $0xffff;
	v2 =	vand.u32 $0x7FFFFFFF, v63;
	v35 =	vadd.s32 v4, v35  }
0x288: {  	v1 =	vshrl.u32 v54, $0x13;
	v52 =	vld.idx.msk [tilespmem:v44+s13+$0x0], $0xffff;
	v57 =	vshrl.u32 v2, $0x13;
	vm1 =	vge.f32 v0, v55  }
0x289: {  	v60 =	vadd.s32 v45, v34;
	v50 =	vld.idx.msk [tilespmem:v61+s17+$0x0], $0xffff;
	v40 =	vsel vm1, $0x10, v5;
	vm1 =	vge.f32 v33, v36  }
0x28a: {  	v55 =	vld.idx.msk [tilespmem:v46+s15+$0x0], $0xffff;
	v61 =	vsel vm1, $0x100, v5;
	v33 =	vadd.s32 v40, v60  }
0x28b: {  	v63 =	vsub.f32 v24, v8;
	v36 =	vsub.f32 v25, v7;
	v33 =	vadd.s32 v61, v33;
	v61 =	vld.idx.msk [tilespmem:v41+s13+$0x0], $0xffff  }
0x28c: {  	[tilespmem:v35+s21+$0x0] =	vst.idx.add.f32.msk $0xffff, v6;
	v33 =	vadd.s32 v4, v33  }
0x28d: {  	v38 =	vand.u32 $0x7FFFFFFF, v63;
	v34 =	vshrl.u32 v36, $0x13;
	v3 =	vld.idx.msk [tilespmem:v1+s16+$0x0], $0xffff  }
0x28e: {  	v48 =	vshrl.u32 v38, $0x13;
	vm1 =	vge.f32 v37, v52;
	v0 =	vld.idx.msk [tilespmem:v57+s17+$0x0], $0xffff  }
0x28f: {  	v58 =	vadd.s32 v46, v44;
	v1 =	vld.idx.msk [tilespmem:v56+s13+$0x0], $0xffff;
	v57 =	vsel vm1, $0x10, v5;
	vm1 =	vge.f32 v43, v55  }
0x290: {  	v63 =	vsub.f32 v31, v18;
	v59 =	vld.idx.msk [tilespmem:v53+s15+$0x0], $0xffff;
	v60 =	vsel vm1, $0x100, v5;
	v43 =	vadd.s32 v57, v58  }
0x291: {  	v52 =	vsub.f32 v51, v17;
	v43 =	vadd.s32 v60, v43;
	[tilespmem:v33+s21+$0x0] =	vst.idx.add.f32.msk $0xffff, v6  }
0x292: {  	v33 =	vadd.s32 v4, v43;
	v43 =	vld.idx.msk [tilespmem:v34+s16+$0x0], $0xffff  }
0x293: {  	v55 =	vand.u32 $0x7FFFFFFF, v63;
	v34 =	vshrl.u32 v52, $0x13;
	v45 =	vld.idx.msk [tilespmem:v48+s17+$0x0], $0xffff  }
0x294: {  	v37 =	vshrl.u32 v55, $0x13;
	v63 =	vld.idx.msk [tilespmem:v50+s15+$0x0], $0xffff;
	vm1 =	vge.f32 v47, v1  }
0x295: {  	s29 =	sadd.s32 $0x1, s0;
	v32 =	vadd.s32 v53, v56;
	v1 =	vsel vm1, $0x10, v5;
	vm1 =	vge.f32 v49, v59;
	v35 =	vld.idx.msk [tilespmem:v3+s13+$0x0], $0xffff  }
0x296: {  	p4 =	slt.u32 s29, $0x1F;
	v60 =	vsub.f32 v27, v14;
	v48 =	vsel vm1, $0x100, v5;
	v44 =	vadd.s32 v1, v32;
	v40 =	vld.idx.msk [tilespmem:v0+s15+$0x0], $0xffff  }
.Ltmp10:
0x297: {  	v58 =	vsub.f32 v22, v13;
	v53 =	vadd.s32 v48, v44;
	[tilespmem:v33+s21+$0x0] =	vst.idx.add.f32.msk $0xffff, v6;
	(pc) =	sbr.rel @!p4 .LBB2_19-.Ltmp10, $4  }
0x298: {  	v60 =	vand.u32 $0x7FFFFFFF, v60;
	v44 =	vadd.s32 v4, v53;
	v57 =	vld.idx.msk [tilespmem:v34+s16+$0x0], $0xffff  }
0x299: {  	v46 =	vmovc v26;
	v47 =	vshrl.u32 v58, $0x13;
	v48 =	vshrl.u32 v60, $0x13;
	v53 =	vsub.f32 v26, v9;
	v59 =	vld.idx.msk [tilespmem:v37+s17+$0x0], $0xffff  }
0x29a: {  	v33 =	vsub.f32 v28, v10;
	v37 =	vsub.f32 v62, v23;
	vm1 =	vge.f32 v54, v35;
	v54 =	vld.idx.msk [tilespmem:v43+s13+$0x0], $0xffff  }
0x29b: {  	s30 =	sadd.s32 $0x10, s1;
	p3 =	por $0x1, $0x1;
	v49 =	vmovc v28;
	v34 =	vadd.s32 v0, v3;
	v56 =	vld.idx.msk [tilespmem:v45+s15+$0x0], $0xffff;
	v35 =	vsel vm1, $0x10, v5;
	vm1 =	vge.f32 v2, v40  }
.LBB2_20:
0x29c: {  	v0 =	vld [tilespmem:s30+$0x0];
	v2 =	vsub.f32 v29, v19;
	v3 =	vsel vm1, $0x100, v5;
	v34 =	vadd.s32 v35, v34  }
0x29d: {  	v33 =	vand.u32 $0x7FFFFFFF, v33;
	[tilespmem:v44+s21+$0x0] =	vst.idx.add.f32.msk $0xffff, v6;
	v3 =	vadd.s32 v3, v34;
	v34 =	vshrl.u32 v53, $0x13  }
0x29e: {  	vm1 =	vge.f32 v30, v61;
	v30 =	vshrl.u32 v33, $0x13;
	v35 =	vld.idx.msk [tilespmem:v47+s16+$0x0], $0xffff;
	v3 =	vadd.s32 v4, v3  }
0x29f: {  	v44 =	vsel vm1, $0x10, v5;
	vm1 =	vge.f32 v39, v63;
	v39 =	vadd.s32 v50, v41;
	v41 =	vld.idx.msk [tilespmem:v48+s17+$0x0], $0xffff  }
0x2a0: {  	v47 =	vsel vm1, $0x100, v5;
	v39 =	vadd.s32 v44, v39;
	vm1 =	vge.f32 v36, v54;
	v44 =	vld.idx.msk [tilespmem:v57+s13+$0x0], $0xffff  }
0x2a1: {  	s28 =	sadd.s32 $0x10, s28;
	v48 =	vsel vm1, $0x10, v5;
	vm1 =	vge.f32 v38, v56;
	v38 =	vadd.s32 v45, v43;
	v36 =	vld.idx.msk [tilespmem:v59+s15+$0x0], $0xffff  }
0x2a2: {  	v39 =	vadd.s32 v47, v39;
	v45 =	vsel vm1, $0x100, v5;
	v38 =	vadd.s32 v48, v38;
	v43 =	vld [tilespmem:s28+$0x0]  }
0x2a3: {  	v39 =	vadd.s32 v4, v39;
	[tilespmem:v3+s21+$0x0] =	vst.idx.add.f32.msk $0xffff, v6;
	v3 =	vadd.s32 v45, v38  }
0x2a4: {  	v34 =	vld.idx.msk [tilespmem:v34+s16+$0x0], $0xffff;
	v3 =	vadd.s32 v4, v3  }
0x2a5: {  	v2 =	vand.u32 $0x7FFFFFFF, v2;
	v38 =	vshrl.u32 v37, $0x13;
	v45 =	vld.idx.msk [tilespmem:v30+s17+$0x0], $0xffff  }
0x2a6: {  	v47 =	vshrl.u32 v2, $0x13;
	v30 =	vsub.f32 v0, v20;
	vm1 =	vge.f32 v52, v44;
	v44 =	vld.idx.msk [tilespmem:v35+s13+$0x0], $0xffff  }
0x2a7: {  	v48 =	vsel vm1, $0x10, v5;
	vm1 =	vge.f32 v55, v36;
	v36 =	vadd.s32 v59, v57;
	v50 =	vld.idx.msk [tilespmem:v41+s15+$0x0], $0xffff  }
0x2a8: {  	v36 =	vadd.s32 v48, v36;
	v48 =	vsub.f32 v51, v15;
	[tilespmem:v39+s21+$0x0] =	vst.idx.add.f32.msk $0xffff, v6;
	v39 =	vsel vm1, $0x100, v5  }
0x2a9: {  	v52 =	vshrl.u32 v30, $0x13;
	v36 =	vadd.s32 v39, v36;
	v39 =	vsub.f32 v31, v16;
	[tilespmem:v3+s21+$0x0] =	vst.idx.add.f32.msk $0xffff, v6  }
0x2aa: {  	v3 =	vld.idx.msk [tilespmem:v38+s16+$0x0], $0xffff;
	v36 =	vadd.s32 v4, v36  }
0x2ab: {  	v56 =	vsub.f32 v22, v11;
	v38 =	vshrl.u32 v48, $0x13;
	v47 =	vld.idx.msk [tilespmem:v47+s17+$0x0], $0xffff;
	v54 =	vand.u32 $0x7FFFFFFF, v39  }
0x2ac: {  	v39 =	vsub.f32 v43, v21;
	vm1 =	vge.f32 v58, v44;
	v55 =	vshrl.u32 v54, $0x13;
	v44 =	vld.idx.msk [tilespmem:v34+s13+$0x0], $0xffff  }
0x2ad: {  	v35 =	vadd.s32 v41, v35;
	v57 =	vsel vm1, $0x10, v5;
	vm1 =	vge.f32 v60, v50;
	v50 =	vld.idx.msk [tilespmem:v45+s15+$0x0], $0xffff  }
0x2ae: {  	v39 =	vand.u32 $0x7FFFFFFF, v39;
	v35 =	vadd.s32 v57, v35;
	v41 =	vld.idx.msk [tilespmem:v52+s16+$0x0], $0xffff;
	v52 =	vsel vm1, $0x100, v5  }
0x2af: {  	v57 =	vshrl.u32 v39, $0x13;
	[tilespmem:v36+s21+$0x0] =	vst.idx.add.f32.msk $0xffff, v6;
	v35 =	vadd.s32 v52, v35;
	v36 =	vsub.f32 v27, v12  }
0x2b0: {  	s29 =	sadd.s32 $0x1, s29;
	v58 =	vld.idx.msk [tilespmem:v38+s16+$0x0], $0xffff;
	v35 =	vadd.s32 v4, v35  }
0x2b1: {  	p4 =	slt.u32 s29, $0x1F;
	v38 =	vshrl.u32 v56, $0x13;
	v59 =	vld.idx.msk [tilespmem:v55+s17+$0x0], $0xffff;
	v1 =	vand.u32 $0x7FFFFFFF, v36  }
0x2b2: {  	vm1 =	vge.f32 v53, v44;
	v52 =	vld.idx.msk [tilespmem:v3+s13+$0x0], $0xffff;
	v55 =	vshrl.u32 v1, $0x13  }
0x2b3: {  	v36 =	vsel vm1, $0x10, v5;
	vm1 =	vge.f32 v33, v50;
	v33 =	vadd.s32 v45, v34;
	v44 =	vld.idx.msk [tilespmem:v47+s15+$0x0], $0xffff  }
0x2b4: {  	v34 =	vsel vm1, $0x100, v5;
	v33 =	vadd.s32 v36, v33;
	v36 =	vsub.f32 v46, v7;
	v46 =	vmovc v22;
	v50 =	vld.idx.msk [tilespmem:v57+s17+$0x0], $0xffff  }
0x2b5: {  	v22 =	vmov v51;
	v33 =	vadd.s32 v34, v33;
	v34 =	vsub.f32 v49, v8;
	[tilespmem:v35+s21+$0x0] =	vst.idx.add.f32.msk $0xffff, v6  }
0x2b6: {  	v51 =	vmovc v62;
	v62 =	vmovc v0;
	v49 =	vmov v27;
	v27 =	vmov v31;
	v33 =	vadd.s32 v4, v33;
	v32 =	vld.idx.msk [tilespmem:v38+s16+$0x0], $0xffff  }
0x2b7: {  	v31 =	vmovc v29;
	v29 =	vmov v43;
	v38 =	vand.u32 $0x7FFFFFFF, v34;
	v34 =	vshrl.u32 v36, $0x13;
	v0 =	vld.idx.msk [tilespmem:v55+s17+$0x0], $0xffff  }
0x2b8: {  	vm1 =	vge.f32 v37, v52;
	v37 =	vshrl.u32 v38, $0x13;
	v35 =	vld.idx.msk [tilespmem:v58+s13+$0x0], $0xffff  }
0x2b9: {  	v43 =	vsel vm1, $0x10, v5;
	vm1 =	vge.f32 v2, v44;
	v2 =	vadd.s32 v47, v3;
	v3 =	vld.idx.msk [tilespmem:v59+s15+$0x0], $0xffff  }
0x2ba: {  	v52 =	vsub.f32 v51, v17;
	v44 =	vsel vm1, $0x100, v5;
	v2 =	vadd.s32 v43, v2;
	v61 =	vld.idx.msk [tilespmem:v41+s13+$0x0], $0xffff  }
0x2bb: {  	v2 =	vadd.s32 v44, v2;
	v44 =	vsub.f32 v31, v18;
	[tilespmem:v33+s21+$0x0] =	vst.idx.add.f32.msk $0xffff, v6  }
0x2bc: {  	v2 =	vadd.s32 v4, v2;
	v43 =	vld.idx.msk [tilespmem:v34+s16+$0x0], $0xffff  }
0x2bd: {  	v33 =	vshrl.u32 v52, $0x13;
	v55 =	vand.u32 $0x7FFFFFFF, v44;
	v45 =	vld.idx.msk [tilespmem:v37+s17+$0x0], $0xffff  }
0x2be: {  	v34 =	vshrl.u32 v55, $0x13;
	vm1 =	vge.f32 v48, v35;
	v35 =	vld.idx.msk [tilespmem:v32+s13+$0x0], $0xffff  }
0x2bf: {  	v37 =	vsel vm1, $0x10, v5;
	vm1 =	vge.f32 v54, v3;
	v3 =	vadd.s32 v59, v58;
	v40 =	vld.idx.msk [tilespmem:v0+s15+$0x0], $0xffff  }
0x2c0: {  	v58 =	vsub.f32 v22, v13;
	v44 =	vsel vm1, $0x100, v5;
	v3 =	vadd.s32 v37, v3;
	v63 =	vld.idx.msk [tilespmem:v50+s15+$0x0], $0xffff  }
.Ltmp11:
0x2c1: {  	[tilespmem:v2+s21+$0x0] =	vst.idx.add.f32.msk $0xffff, v6;
	v2 =	vadd.s32 v44, v3;
	v3 =	vsub.f32 v27, v14;
	(pc) =	sbr.rel @p4 .LBB2_20-.Ltmp11, $4  }
0x2c2: {  	v53 =	vsub.f32 v46, v9;
	v57 =	vld.idx.msk [tilespmem:v33+s16+$0x0], $0xffff;
	v44 =	vadd.s32 v4, v2  }
0x2c3: {  	v47 =	vshrl.u32 v58, $0x13;
	v33 =	vsub.f32 v49, v10;
	v59 =	vld.idx.msk [tilespmem:v34+s17+$0x0], $0xffff;
	v60 =	vand.u32 $0x7FFFFFFF, v3  }
0x2c4: {  	v37 =	vsub.f32 v62, v23;
	vm1 =	vge.f32 v56, v35;
	v48 =	vshrl.u32 v60, $0x13;
	v54 =	vld.idx.msk [tilespmem:v43+s13+$0x0], $0xffff  }
0x2c5: {  	s30 =	sadd.s32 $0x10, s30;
	v34 =	vadd.s32 v0, v32;
	v35 =	vsel vm1, $0x10, v5;
	vm1 =	vge.f32 v1, v40;
	v56 =	vld.idx.msk [tilespmem:v45+s15+$0x0], $0xffff  }
.Ltmp12:
0x2c6: {  	(pc) =	sbr.rel .LBB2_22-.Ltmp12, $3  }
0x2c7: {  	_ =	sdelay $0x1  }
0x2c8: {  	v20 =	vmov v22;
	v22 =	vmov v62;
	v62 =	vld [tilespmem:$0x1FF40]  }
0x2c9: {  	v21 =	vmov v51;
	v40 =	vld [tilespmem:$0x1FF50]  }
.LBB2_13:
0x2ca: {  	_ = 	snop  }
.Ltmp13:
0x2cb: {  	(pc) =	sbr.rel .LBB2_22-.Ltmp13, $4  }
0x2cc: {  	_ = 	snop  }
0x2cd: {  	_ = 	snop  }
0x2ce: {  	_ = 	snop  }
0x2cf: {  	v29 =	vmovc v28;
	v21 =	vmov v25;
	v31 =	vmov v24;
	v22 =	vmov v26  }
.LBB2_15:
0x2d0: {  	_ = 	snop  }
.Ltmp14:
0x2d1: {  	(pc) =	sbr.rel .LBB2_22-.Ltmp14, $4  }
0x2d2: {  	_ = 	snop  }
0x2d3: {  	_ = 	snop  }
0x2d4: {  	_ = 	snop  }
0x2d5: {  	v29 =	vmovc v27;
	v21 =	vmovc v26;
	v31 =	vmov v28;
	v20 =	vmov v25;
	v27 =	vmov v24  }
.LBB2_17:
.Ltmp15:
0x2d6: {  	(pc) =	sbr.rel .LBB2_22-.Ltmp15, $4  }
0x2d7: {  	_ = 	snop  }
0x2d8: {  	v29 =	vmovc v31;
	v21 =	vmov v22;
	v31 =	vmov v27;
	vm1 =	vmmov vm0  }
0x2d9: {  	v34 =	vmovc v62;
	v44 =	vmovc v40;
	v33 =	vmov v1;
	v53 =	vmov v0;
	v20 =	vmov v26  }
0x2da: {  	v60 =	vmovc v42;
	v27 =	vmovc v28;
	v46 =	vmov v25;
	v49 =	vmov v24;
	v22 =	vmov v51  }
.LBB2_19:
.Ltmp16:
0x2db: {  	(pc) =	sbr.rel .LBB2_22-.Ltmp16, $3  }
0x2dc: {  	_ =	sdelay $0x1  }
0x2dd: {  	v20 =	vmov v22;
	v22 =	vmov v62;
	v62 =	vld [tilespmem:$0x1FF40]  }
0x2de: {  	v21 =	vmov v51;
	v46 =	vmov v26;
	v49 =	vmov v28;
	v40 =	vld [tilespmem:$0x1FF50]  }
.LBB2_24:
0x2df: {  	v1 =	vand.u32 $0x7, v4  }
0x2e0: {  	v0 =	vmul.u32 $0x10, v4;
	v2 =	vmul.u32 $0x10, v1  }
0x2e1: {  	s0 =	simm.s32 $0x0  }
0x2e2: {  	v3 =	vor.u32 s0, v0;
	v7 =	vor.u32 $0xFFFFFF80, v2  }
0x2e3: {  	v3 =	vand.u32 v7, v3  }
0x2e4: {  	v8 =	vor.u32 $0x1, v0  }
0x2e5: {  	v9 =	vor.u32 s0, v8  }
0x2e6: {  	v2 =	vor.u32 $0x2, v0  }
0x2e7: {  	v10 =	vor.u32 s0, v2  }
0x2e8: {  	v11 =	vld.idx.msk [tilespmem:v3+s21+$0x0], $0xffff;
	v3 =	vor.u32 $0x3, v0  }
0x2e9: {  	v12 =	vor.u32 s0, v3  }
0x2ea: {  	v13 =	vld.idx.msk [tilespmem:v9+s21+$0x0], $0xffff;
	v9 =	vor.u32 $0x4, v0  }
0x2eb: {  	v14 =	vor.u32 s0, v9  }
0x2ec: {  	v15 =	vld.idx.msk [tilespmem:v10+s21+$0x0], $0xffff;
	v10 =	vor.u32 $0x5, v0  }
0x2ed: {  	v16 =	vor.u32 s0, v10;
	v17 =	vadd.f32 $0.0e+00, v11  }
0x2ee: {  	v11 =	vor.u32 $0x6, v0;
	v18 =	vld.idx.msk [tilespmem:v12+s21+$0x0], $0xffff  }
0x2ef: {  	v19 =	vor.u32 s0, v11;
	v13 =	vadd.f32 v13, v17  }
0x2f0: {  	v12 =	vor.u32 $0x7, v0;
	v17 =	vld.idx.msk [tilespmem:v14+s21+$0x0], $0xffff  }
0x2f1: {  	v20 =	vor.u32 s0, v12;
	v14 =	vadd.f32 v15, v13  }
0x2f2: {  	v16 =	vld.idx.msk [tilespmem:v16+s21+$0x0], $0xffff;
	v13 =	vor.u32 $0x8, v0  }
0x2f3: {  	v21 =	vor.u32 s0, v13;
	v15 =	vadd.f32 v18, v14  }
0x2f4: {  	v18 =	vld.idx.msk [tilespmem:v19+s21+$0x0], $0xffff;
	v14 =	vor.u32 $0x9, v0  }
0x2f5: {  	v19 =	vor.u32 s0, v14;
	v17 =	vadd.f32 v17, v15  }
0x2f6: {  	v20 =	vld.idx.msk [tilespmem:v20+s21+$0x0], $0xffff;
	v15 =	vor.u32 $0xA, v0  }
0x2f7: {  	v22 =	vor.u32 s0, v15;
	v17 =	vadd.f32 v16, v17  }
0x2f8: {  	v21 =	vld.idx.msk [tilespmem:v21+s21+$0x0], $0xffff;
	v16 =	vor.u32 $0xB, v0  }
0x2f9: {  	v23 =	vor.u32 s0, v16;
	v18 =	vadd.f32 v18, v17  }
0x2fa: {  	v24 =	vld.idx.msk [tilespmem:v19+s21+$0x0], $0xffff;
	v17 =	vor.u32 $0xC, v0  }
0x2fb: {  	v25 =	vor.u32 s0, v17;
	v19 =	vadd.f32 v20, v18  }
0x2fc: {  	v22 =	vld.idx.msk [tilespmem:v22+s21+$0x0], $0xffff;
	v18 =	vor.u32 $0xD, v0  }
0x2fd: {  	v26 =	vor.u32 s0, v18;
	v20 =	vadd.f32 v21, v19  }
0x2fe: {  	v21 =	vld.idx.msk [tilespmem:v23+s21+$0x0], $0xffff;
	v19 =	vor.u32 $0xE, v0  }
0x2ff: {  	v23 =	vor.u32 s0, v19;
	v24 =	vadd.f32 v24, v20  }
0x300: {  	v25 =	vld.idx.msk [tilespmem:v25+s21+$0x0], $0xffff;
	v20 =	vor.u32 $0xF, v0  }
0x301: {  	v27 =	vor.u32 s0, v20;
	v22 =	vadd.f32 v22, v24  }
0x302: {  	v24 =	vld.idx.msk [tilespmem:v26+s21+$0x0], $0xffff  }
0x303: {  	v21 =	vadd.f32 v21, v22  }
0x304: {  	v22 =	vld.idx.msk [tilespmem:v23+s21+$0x0], $0xffff  }
0x305: {  	v21 =	vadd.f32 v25, v21  }
0x306: {  	v23 =	vld.idx.msk [tilespmem:v27+s21+$0x0], $0xffff  }
0x307: {  	s1 =	simm.s32 $0x100;
	v21 =	vadd.f32 v24, v21  }
0x308: {  	v24 =	vor.u32 s1, v0  }
0x309: {  	v24 =	vand.u32 v7, v24;
	v21 =	vadd.f32 v22, v21;
	_ =	sdelay $0x1  }
0x30a: {  	v22 =	vor.u32 s1, v8;
	v21 =	vadd.f32 v23, v21  }
0x30b: {  	s0 =	simm.s32 $0x1C00  }
0x30c: {  	v23 =	vor.u32 s1, v2;
	[tilespmem:s0+$0x0] =	vst v21  }
0x30d: {  	v24 =	vld.idx.msk [tilespmem:v24+s21+$0x0], $0xffff  }
0x30e: {  	v25 =	vor.u32 s1, v3  }
0x30f: {  	v22 =	vld.idx.msk [tilespmem:v22+s21+$0x0], $0xffff  }
0x310: {  	v26 =	vor.u32 s1, v9  }
0x311: {  	v23 =	vld.idx.msk [tilespmem:v23+s21+$0x0], $0xffff  }
0x312: {  	v27 =	vor.u32 s1, v10;
	v24 =	vadd.f32 $0.0e+00, v24  }
0x313: {  	v25 =	vld.idx.msk [tilespmem:v25+s21+$0x0], $0xffff  }
0x314: {  	v28 =	vor.u32 s1, v11;
	v22 =	vadd.f32 v22, v24  }
0x315: {  	v24 =	vld.idx.msk [tilespmem:v26+s21+$0x0], $0xffff  }
0x316: {  	v26 =	vor.u32 s1, v12;
	v22 =	vadd.f32 v23, v22  }
0x317: {  	v23 =	vld.idx.msk [tilespmem:v27+s21+$0x0], $0xffff  }
0x318: {  	v27 =	vor.u32 s1, v13;
	v22 =	vadd.f32 v25, v22  }
0x319: {  	v25 =	vld.idx.msk [tilespmem:v28+s21+$0x0], $0xffff  }
0x31a: {  	v61 =	vor.u32 s1, v14;
	v22 =	vadd.f32 v24, v22  }
0x31b: {  	v24 =	vld.idx.msk [tilespmem:v26+s21+$0x0], $0xffff  }
0x31c: {  	v26 =	vor.u32 s1, v15;
	v22 =	vadd.f32 v23, v22  }
0x31d: {  	v23 =	vld.idx.msk [tilespmem:v27+s21+$0x0], $0xffff  }
0x31e: {  	v27 =	vor.u32 s1, v16;
	v22 =	vadd.f32 v25, v22  }
0x31f: {  	v25 =	vld.idx.msk [tilespmem:v61+s21+$0x0], $0xffff  }
0x320: {  	v62 =	vor.u32 s1, v17;
	v22 =	vadd.f32 v24, v22  }
0x321: {  	v24 =	vld.idx.msk [tilespmem:v26+s21+$0x0], $0xffff  }
0x322: {  	v22 =	vadd.f32 v23, v22;
	v23 =	vor.u32 s1, v18  }
0x323: {  	v26 =	vld.idx.msk [tilespmem:v27+s21+$0x0], $0xffff  }
0x324: {  	v27 =	vor.u32 s1, v19;
	v22 =	vadd.f32 v25, v22  }
0x325: {  	v63 =	vor.u32 s1, v20;
	v25 =	vld.idx.msk [tilespmem:v62+s21+$0x0], $0xffff  }
0x326: {  	v22 =	vadd.f32 v24, v22  }
0x327: {  	v23 =	vld.idx.msk [tilespmem:v23+s21+$0x0], $0xffff  }
0x328: {  	v24 =	vadd.f32 v26, v22  }
0x329: {  	v26 =	vimm.f32 $0.0e+00;
	v22 =	vld.idx.msk [tilespmem:v27+s21+$0x0], $0xffff  }
0x32a: {  	s4 =	simm.s32 $0x300;
	s1 =	simm.s32 $0x200;
	v21 =	vadd.f32 v21, v26;
	v25 =	vadd.f32 v25, v24;
	v24 =	vld.idx.msk [tilespmem:v63+s21+$0x0], $0xffff  }
.LBB2_25:
0x32b: {  	p0 =	sne.s32 s4, $0x1700;
	v26 =	vmul.u32 $0x10, v1  }
0x32c: {  	v23 =	vadd.f32 v23, v25  }
0x32d: {  	v25 =	vor.u32 s1, v0;
	v26 =	vor.u32 $0xFFFFFF80, v26  }
0x32e: {  	v25 =	vand.u32 v26, v25;
	v22 =	vadd.f32 v22, v23;
	_ =	sdelay $0x1  }
0x32f: {  	v23 =	vor.u32 s1, v8;
	v22 =	vadd.f32 v24, v22  }
0x330: {  	s0 =	sadd.s32 $0x10, s0  }
0x331: {  	v24 =	vor.u32 s1, v2;
	[tilespmem:s0+$0x0] =	vst v22;
	v21 =	vadd.f32 v22, v21  }
0x332: {  	v22 =	vld.idx.msk [tilespmem:v25+s21+$0x0], $0xffff  }
0x333: {  	v25 =	vor.u32 s1, v3  }
0x334: {  	v23 =	vld.idx.msk [tilespmem:v23+s21+$0x0], $0xffff  }
0x335: {  	v26 =	vor.u32 s1, v9  }
0x336: {  	v24 =	vld.idx.msk [tilespmem:v24+s21+$0x0], $0xffff  }
0x337: {  	v27 =	vor.u32 s1, v10  }
0x338: {  	v22 =	vadd.f32 $0.0e+00, v22;
	v25 =	vld.idx.msk [tilespmem:v25+s21+$0x0], $0xffff  }
0x339: {  	v28 =	vor.u32 s1, v11  }
0x33a: {  	v22 =	vadd.f32 v23, v22;
	v23 =	vld.idx.msk [tilespmem:v26+s21+$0x0], $0xffff  }
0x33b: {  	v26 =	vor.u32 s1, v12  }
0x33c: {  	v22 =	vadd.f32 v24, v22;
	v24 =	vld.idx.msk [tilespmem:v27+s21+$0x0], $0xffff  }
0x33d: {  	v27 =	vor.u32 s1, v13  }
0x33e: {  	v22 =	vadd.f32 v25, v22;
	v25 =	vld.idx.msk [tilespmem:v28+s21+$0x0], $0xffff  }
0x33f: {  	v28 =	vor.u32 s1, v14  }
0x340: {  	v22 =	vadd.f32 v23, v22;
	v23 =	vld.idx.msk [tilespmem:v26+s21+$0x0], $0xffff  }
0x341: {  	v26 =	vor.u32 s1, v15  }
0x342: {  	v22 =	vadd.f32 v24, v22;
	v24 =	vld.idx.msk [tilespmem:v27+s21+$0x0], $0xffff  }
0x343: {  	v27 =	vor.u32 s1, v16  }
0x344: {  	v22 =	vadd.f32 v25, v22;
	v25 =	vld.idx.msk [tilespmem:v28+s21+$0x0], $0xffff  }
0x345: {  	v28 =	vor.u32 s1, v17  }
0x346: {  	v22 =	vadd.f32 v23, v22;
	v23 =	vld.idx.msk [tilespmem:v26+s21+$0x0], $0xffff  }
0x347: {  	v26 =	vor.u32 s1, v18  }
0x348: {  	v22 =	vadd.f32 v24, v22;
	v24 =	vld.idx.msk [tilespmem:v27+s21+$0x0], $0xffff  }
0x349: {  	v27 =	vor.u32 s1, v19  }
0x34a: {  	v22 =	vadd.f32 v25, v22;
	v25 =	vld.idx.msk [tilespmem:v28+s21+$0x0], $0xffff  }
0x34b: {  	v28 =	vor.u32 s1, v20;
	s1 =	smov.u32 s4  }
.Ltmp17:
0x34c: {  	v22 =	vadd.f32 v23, v22;
	v23 =	vld.idx.msk [tilespmem:v26+s21+$0x0], $0xffff;
	(pc) =	sbr.rel @p0 .LBB2_25-.Ltmp17, $3  }
0x34d: {  	_ = 	snop  }
0x34e: {  	v24 =	vadd.f32 v24, v22;
	v22 =	vld.idx.msk [tilespmem:v27+s21+$0x0], $0xffff;
	_ =	sdelay $0x1  }
0x34f: {  	s4 =	sadd.s32 $0x100, s4;
	v25 =	vadd.f32 v25, v24;
	v24 =	vld.idx.msk [tilespmem:v28+s21+$0x0], $0xffff  }
0x350: {  	_ = 	snop  }
0x351: {  	v1 =	vadd.f32 v23, v25  }
0x352: {  	v0 =	vor.u32 s1, v0  }
0x353: {  	v0 =	vand.u32 v7, v0;
	v1 =	vadd.f32 v22, v1;
	_ =	sdelay $0x1  }
0x354: {  	v7 =	vor.u32 s1, v8;
	v1 =	vadd.f32 v24, v1  }
0x355: {  	s0 =	sadd.s32 $0x10, s0  }
0x356: {  	v2 =	vor.u32 s1, v2;
	[tilespmem:s0+$0x0] =	vst v1  }
0x357: {  	v0 =	vld.idx.msk [tilespmem:v0+s21+$0x0], $0xffff  }
0x358: {  	v3 =	vor.u32 s1, v3  }
0x359: {  	v7 =	vld.idx.msk [tilespmem:v7+s21+$0x0], $0xffff  }
0x35a: {  	v8 =	vor.u32 s1, v9  }
0x35b: {  	v2 =	vld.idx.msk [tilespmem:v2+s21+$0x0], $0xffff  }
0x35c: {  	v62 =	vor.u32 s1, v10;
	v0 =	vadd.f32 $0.0e+00, v0  }
0x35d: {  	v3 =	vld.idx.msk [tilespmem:v3+s21+$0x0], $0xffff  }
0x35e: {  	v63 =	vor.u32 s1, v11;
	v0 =	vadd.f32 v7, v0  }
0x35f: {  	v7 =	vld.idx.msk [tilespmem:v8+s21+$0x0], $0xffff  }
0x360: {  	v8 =	vor.u32 s1, v12;
	v0 =	vadd.f32 v2, v0  }
0x361: {  	v12 =	vld.idx.msk [tilespmem:v62+s21+$0x0], $0xffff  }
0x362: {  	v13 =	vor.u32 s1, v13;
	v0 =	vadd.f32 v3, v0  }
0x363: {  	v3 =	vld.idx.msk [tilespmem:v63+s21+$0x0], $0xffff  }
0x364: {  	v14 =	vor.u32 s1, v14;
	v0 =	vadd.f32 v7, v0  }
0x365: {  	v7 =	vld.idx.msk [tilespmem:v8+s21+$0x0], $0xffff  }
0x366: {  	v8 =	vor.u32 s1, v15;
	v0 =	vadd.f32 v12, v0  }
0x367: {  	v15 =	vld.idx.msk [tilespmem:v13+s21+$0x0], $0xffff  }
0x368: {  	v22 =	vor.u32 s1, v16;
	v0 =	vadd.f32 v3, v0  }
0x369: {  	v3 =	vld.idx.msk [tilespmem:v14+s21+$0x0], $0xffff  }
0x36a: {  	v23 =	vor.u32 s1, v17;
	v0 =	vadd.f32 v7, v0  }
0x36b: {  	v7 =	vld.idx.msk [tilespmem:v8+s21+$0x0], $0xffff  }
0x36c: {  	v8 =	vor.u32 s1, v18;
	v0 =	vadd.f32 v15, v0  }
0x36d: {  	v24 =	vld.idx.msk [tilespmem:v22+s21+$0x0], $0xffff  }
0x36e: {  	v25 =	vor.u32 s1, v19;
	v0 =	vadd.f32 v3, v0  }
0x36f: {  	v3 =	vld.idx.msk [tilespmem:v23+s21+$0x0], $0xffff  }
0x370: {  	v26 =	vor.u32 s1, v20;
	v0 =	vadd.f32 v7, v0  }
0x371: {  	v7 =	vld.idx.msk [tilespmem:v8+s21+$0x0], $0xffff  }
0x372: {  	v0 =	vadd.f32 v24, v0  }
0x373: {  	v27 =	vld.idx.msk [tilespmem:v25+s21+$0x0], $0xffff  }
0x374: {  	v0 =	vadd.f32 v3, v0  }
0x375: {  	v3 =	vld.idx.msk [tilespmem:v26+s21+$0x0], $0xffff  }
0x376: {  	v0 =	vadd.f32 v7, v0;
	_ =	sdelay $0x1  }
0x377: {  	v0 =	vadd.f32 v27, v0;
	_ =	sdelay $0x1  }
0x378: {  	v1 =	vadd.f32 v1, v21;
	v0 =	vadd.f32 v3, v0;
	_ =	sdelay $0x1  }
0x379: {  	v1 =	vadd.f32 v0, v1;
	_ =	sdelay $0x1  }
0x37a: {  	vm0 =	vgt.f32 v1, $0.0e+00  }
0x37b: {  	v1 =	vnsel vm0, $0x3F800000, v1  }
0x37c: {  	(erf) = vrcp.f32 v1  }
0x37d: {  	s0 =	sadd.s32 $0x10, s0  }
0x37e: {  	[tilespmem:s0+$0x0] =	vst v0  }
0x37f: {  	v0 =	vld [tilespmem:$0x1C00]  }
0x380: {  	v28 =	vld [tilespmem:$0x1C10]  }
0x381: {  	v29 =	vld [tilespmem:$0x1C20]  }
0x382: {  	v7 =	vld [tilespmem:$0x1C30]  }
0x383: {  	v8 =	vld [tilespmem:$0x1C40]  }
0x384: {  	v30 =	vld [tilespmem:$0x1C50]  }
0x385: {  	v31 =	vld [tilespmem:$0x1C60];
	v3 =	vpop (erf)  }
0x386: {  	v33 =	vld [tilespmem:$0x1C70];
	v3 =	vnsel vm0, $0x0, v3  }
0x387: {  	v37 =	vld [tilespmem:$0x1CA0];
	v0 =	vmul.f32 v0, v3  }
0x388: {  	v39 =	vld [tilespmem:$0x1CB0];
	v1 =	vmul.f32 v28, v3  }
0x389: {  	v41 =	vld [tilespmem:$0x1CC0];
	v32 =	vmul.f32 v29, v3;
	[tilespmem:$0x1C00] =	vst v0  }
0x38a: {  	v34 =	vmul.f32 v7, v3;
	v7 =	vld [tilespmem:$0x1C80];
	[tilespmem:$0x1C10] =	vst v1  }
0x38b: {  	v45 =	vld [tilespmem:$0x1CF0];
	v35 =	vmul.f32 v8, v3;
	[tilespmem:$0x1C20] =	vst v32  }
0x38c: {  	v47 =	vld [tilespmem:$0x1D00];
	v36 =	vmul.f32 v30, v3;
	[tilespmem:$0x1C30] =	vst v34  }
0x38d: {  	v49 =	vld [tilespmem:$0x1D10];
	v38 =	vmul.f32 v31, v3;
	[tilespmem:$0x1C40] =	vst v35  }
0x38e: {  	v8 =	vld [tilespmem:$0x1C90];
	v40 =	vmul.f32 v33, v3;
	[tilespmem:$0x1C50] =	vst v36  }
0x38f: {  	v44 =	vmul.f32 v37, v3;
	[tilespmem:$0x1C60] =	vst v38;
	v42 =	vmul.f32 v7, v3;
	v7 =	vld [tilespmem:$0x1CD0]  }
0x390: {  	v53 =	vld [tilespmem:$0x1D40];
	v46 =	vmul.f32 v39, v3;
	[tilespmem:$0x1C70] =	vst v40  }
0x391: {  	v55 =	vld [tilespmem:$0x1D50];
	v48 =	vmul.f32 v41, v3;
	[tilespmem:$0x1CA0] =	vst v44  }
0x392: {  	v57 =	vld [tilespmem:$0x1D60];
	v52 =	vmul.f32 v45, v3;
	[tilespmem:$0x1CB0] =	vst v46  }
0x393: {  	v54 =	vmul.f32 v47, v3;
	[tilespmem:$0x1CC0] =	vst v48;
	v43 =	vmul.f32 v8, v3;
	v8 =	vld [tilespmem:$0x1CE0]  }
0x394: {  	v56 =	vmul.f32 v49, v3;
	[tilespmem:$0x1CF0] =	vst v52;
	v50 =	vmul.f32 v7, v3;
	v7 =	vld [tilespmem:$0x1D20]  }
0x395: {  	v60 =	vmul.f32 v53, v3;
	[tilespmem:$0x1D00] =	vst v54  }
0x396: {  	v61 =	vmul.f32 v55, v3;
	[tilespmem:$0x1D10] =	vst v56  }
0x397: {  	v62 =	vmul.f32 v57, v3;
	[tilespmem:$0x1D40] =	vst v60  }
0x398: {  	[tilespmem:$0x1D50] =	vst v61;
	v51 =	vmul.f32 v8, v3;
	v8 =	vld [tilespmem:$0x1D30]  }
0x399: {  	[tilespmem:$0x1D60] =	vst v62;
	v58 =	vmul.f32 v7, v3;
	v7 =	vld [tilespmem:$0x1D70]  }
0x39a: {  	[tilespmem:$0x1C80] =	vst v42  }
0x39b: {  	[tilespmem:$0x1C90] =	vst v43  }
0x39c: {  	[tilespmem:$0x1CD0] =	vst v50  }
0x39d: {  	s31 =	sshll.u32 s24, $0x7;
	[tilespmem:$0x1CE0] =	vst v51;
	v59 =	vmul.f32 v8, v3  }
0x39e: {  	s24 =	sadd.s32 $0x1, s24;
	s0 =	sadd.s32 s11, s31;
	[tilespmem:$0x1D20] =	vst v58;
	v63 =	vmul.f32 v7, v3  }
0x39f: {  	p0 =	sne.s32 s24, $0x8;
	s0 =	sshrl.u32 s0, $0x3;
	[tilespmem:$0x1D30] =	vst v59  }
.Ltmp18:
0x3a0: {  	s0 =	sadd.s32 s9, s0;
	[tilespmem:$0x1D70] =	vst v63;
	(pc) =	sbr.rel @p0 .LBB2_2-.Ltmp18, $4  }
0x3a1: {  	[hbm4b:s0+s18] =	stream.strided.scatter [tilespmem:s22], [sflag:$0x1], $0x180, s21, s18, $0x38;
	[tilespmem:$0x6F00] =	vst v63  }
0x3a2: {  	_ =	swait.ge [sflag:s14], $0x180  }
0x3a3: {  	[sflag:s14] =	ssyncset.done $0x0  }
0x3a4: {  	[sflag:s14] =	ssyncadd.s32 $0xFFFFFE80  }
0x3a5: {  	s23 =	sadd.s32 $0x1, s23  }
0x3a6: {  	p0 =	sne.s32 s23, s12  }
.Ltmp19:
0x3a7: {  	_ = 	snop;
	(pc) =	sbr.rel @p0 .LBB2_1-.Ltmp19, $1  }
0x3a8: {  	_ =	sdelay $0x3  }
0x3a9: {  	_ =	sfence.sel $0x180000  }
0x3aa: {  	[bflag:$0x0] =	sbarrier.arrive $0xFFFF  }
0x3ab: {  	_ =	strace $0x90000047  }
0x3ac: {  	s0 =	stileid.u32;
	[bflag:$0x2] =	sbarrier.arrive $0xFFFF  }
0x3ad: {  	p0 =	sne.s32 s0, $0x0;
	s0 =	rddreg [dreg:$0x2]  }
0x3ae: {  	s0 =	sadd.s32 @!p0 $0x100000, s0  }
0x3af: {  	[sflag:s0] =	ssyncadd.tile.s32 @!p0 $0x1;
	_ =	shalt  }
.Lfunc_end2:
_tile_overlayer_lowered:
.L_overlay_start_2:
0x3b0: {  	(tag) =	ssettag $0x2  }
0x3b1: {  	s0 =	rddreg [dreg:$0x0];
	s2 =	stileid.u32  }
0x3b2: {  	s1 =	rddreg [dreg:$0x1];
	p0 =	sne.s32 s2, $0x0  }
0x3b3: {  	s3 =	rddreg [dreg:$0x2];
	[bflag:$0x3] =	sbarrier.arrive $0xFFFF;
	s2 =	simm.s32 @!p0 $0x1C01  }
0x3b4: {  	[timem:s3], [sflag:s2] =	dma.local @!p0 [hbm:s0], s1  }
0x3b5: {  	s0 =	simm.s32 @!p0 $0x1  }
0x3b6: {  	_ =	swait.ge @!p0 [sflag:s0], s1  }
0x3b7: {  	s1 =	ssub.s32 @!p0 $0x0, s1;
	[sflag:s0] =	ssyncset.done @!p0 $0x0  }
0x3b8: {  	[sflag:s0] =	ssyncadd.s32 @!p0 s1  }
0x3b9: {  	[bflag:$0x3] =	sbarrier.arrive $0xFFFF  }
0x3ba: {  	_ =	shalt  }

</sc_bundles>
